<compile_context>
chip_gen: v7x
topology: tpu7x:2x2x1
jax: 0.10.2.dev20260603
libtpu: 0.0.44.dev20260713+nightly
codegen_flags: <defaults>
</compile_context>

<pallas_src>
import functools

import jax
import jax.numpy as jnp
from jax import lax
from jax.experimental import pallas as pl
from jax.experimental.pallas import tpu as pltpu
from jax.experimental.pallas import tpu_sc as plsc

N = 10000
NPAD = 10240
D_IN = 128
D_H = 16
N_CLS = 7
E = 320000

NC = 2
NS = 16
NW = NC * NS
BV = 256
CH = 40
EPW = CH * BV
EPAD = NW * EPW
RPT = NPAD // NS
NB = 8
DEG_LAG = 8

_mesh = plsc.VectorSubcoreMesh(
    core_axis_name="c", subcore_axis_name="s", num_cores=NC, num_subcores=NS
)
_sc_params = pltpu.CompilerParams(use_tc_tiling_on_sc=False)



@functools.partial(
    pl.kernel,
    out_type=jax.ShapeDtypeStruct((NC, 2, NPAD), jnp.float32),
    mesh=_mesh,
    compiler_params=_sc_params,
    scratch_types=[
        pltpu.VMEM((CH, BV), jnp.int32),
        pltpu.VMEM((CH, BV), jnp.int32),
        pltpu.VMEM((BV,), jnp.float32),
        pltpu.VMEM_SHARED((NPAD,), jnp.float32),
        pltpu.VMEM_SHARED((NPAD,), jnp.float32),
        pltpu.SemaphoreType.DMA,
    ],
)
def _sc_degrees(src_h, dst_h, znode_h, out_h, src_v, dst_v, ones_v, dS_sh, dD_sh, sem):
    c = lax.axis_index("c")
    s = lax.axis_index("s")
    wid = s * NC + c
    for i in range(BV // 16):
        ones_v[pl.ds(i * 16, 16)] = jnp.ones((16,), jnp.float32)
    pltpu.sync_copy(znode_h.at[pl.ds(s * RPT, RPT)], dS_sh.at[pl.ds(s * RPT, RPT)])
    pltpu.sync_copy(znode_h.at[pl.ds(s * RPT, RPT)], dD_sh.at[pl.ds(s * RPT, RPT)])
    plsc.subcore_barrier()
    pltpu.sync_copy(src_h.at[pl.ds(wid * CH, CH)], src_v)
    pltpu.sync_copy(dst_h.at[pl.ds(wid * CH, CH)], dst_v)

    def body(j, carry):
        pltpu.async_copy(ones_v, dS_sh.at[src_v.at[j]], sem, add=True)
        pltpu.async_copy(ones_v, dD_sh.at[dst_v.at[j]], sem, add=True)

        @pl.when(j >= DEG_LAG)
        def _():
            pltpu.make_async_copy(ones_v, dS_sh.at[src_v.at[0]], sem).wait()
            pltpu.make_async_copy(ones_v, dD_sh.at[dst_v.at[0]], sem).wait()

        return carry

    lax.fori_loop(0, CH, body, 0)
    for _ in range(DEG_LAG):
        pltpu.make_async_copy(ones_v, dS_sh.at[src_v.at[0]], sem).wait()
        pltpu.make_async_copy(ones_v, dD_sh.at[dst_v.at[0]], sem).wait()
    plsc.subcore_barrier()
    pltpu.sync_copy(dS_sh.at[pl.ds(s * RPT, RPT)], out_h.at[c, 0, pl.ds(s * RPT, RPT)])
    pltpu.sync_copy(dD_sh.at[pl.ds(s * RPT, RPT)], out_h.at[c, 1, pl.ds(s * RPT, RPT)])


@functools.partial(
    pl.kernel,
    out_type=jax.ShapeDtypeStruct((NC, NPAD, D_H), jnp.float32),
    mesh=_mesh,
    compiler_params=_sc_params,
    scratch_types=[
        pltpu.VMEM((CH, BV), jnp.int32),
        pltpu.VMEM((CH, BV), jnp.int32),
        pltpu.VMEM((NB, BV, D_H), jnp.float32),
        pltpu.VMEM_SHARED((NPAD, D_H), jnp.float32),
        pltpu.SemaphoreType.DMA,
        pltpu.SemaphoreType.DMA,
    ],
)
def _sc_edge_agg(hn_h, src_h, dst_h, zrows_h, out_h, src_v, dst_v, rows_v, agg_sh,
                 gsem, ssem):
    c = lax.axis_index("c")
    s = lax.axis_index("s")
    wid = s * NC + c
    pltpu.sync_copy(zrows_h.at[pl.ds(s * RPT, RPT)], agg_sh.at[pl.ds(s * RPT, RPT)])
    plsc.subcore_barrier()
    pltpu.sync_copy(src_h.at[pl.ds(wid * CH, CH)], src_v)
    pltpu.sync_copy(dst_h.at[pl.ds(wid * CH, CH)], dst_v)

    for p in range(NB):
        pltpu.async_copy(hn_h.at[src_v.at[p]], rows_v.at[p], gsem)

    def body(j, carry):
        b = lax.rem(j, NB)

        @pl.when(jnp.logical_and(j >= 1, j + NB - 1 < CH))
        def _():
            pltpu.make_async_copy(rows_v.at[0], agg_sh.at[dst_v.at[0]], ssem).wait()
            pltpu.async_copy(
                hn_h.at[src_v.at[j + NB - 1]],
                rows_v.at[lax.rem(j + NB - 1, NB)],
                gsem,
            )

        pltpu.make_async_copy(hn_h.at[src_v.at[j]], rows_v.at[b], gsem).wait()
        pltpu.async_copy(rows_v.at[b], agg_sh.at[dst_v.at[j]], ssem, add=True)
        return carry

    lax.fori_loop(0, CH, body, 0)
    for _ in range(NB):
        pltpu.make_async_copy(rows_v.at[0], agg_sh.at[dst_v.at[0]], ssem).wait()
    plsc.subcore_barrier()
    pltpu.sync_copy(
        agg_sh.at[pl.ds(s * RPT, RPT)], out_h.at[c, pl.ds(s * RPT, RPT)]
    )


CR = 64
NCH_MID = RPT // CR


@functools.partial(
    pl.kernel,
    out_type=jax.ShapeDtypeStruct((NC, NPAD, D_H), jnp.float32),
    mesh=_mesh,
    compiler_params=_sc_params,
    scratch_types=[
        pltpu.VMEM((CH, BV), jnp.int32),
        pltpu.VMEM((CH, BV), jnp.int32),
        pltpu.VMEM((NB, BV, D_H), jnp.float32),
        pltpu.VMEM((2, CR, D_H), jnp.float32),
        pltpu.VMEM((2, CR, D_H), jnp.float32),
        pltpu.VMEM((2, CR, D_H), jnp.float32),
        pltpu.VMEM((2, CR, D_H), jnp.float32),
        pltpu.VMEM((2, CR, D_H), jnp.float32),
        pltpu.VMEM((D_H,), jnp.float32),
        pltpu.VMEM_SHARED((NPAD, D_H), jnp.float32),
        pltpu.VMEM_SHARED((NPAD, D_H), jnp.float32),
        pltpu.SemaphoreType.DMA,
        pltpu.SemaphoreType.DMA,
        pltpu.SemaphoreType.DMA,
        pltpu.SemaphoreType.DMA,
    ],
)
def _sc_mid_agg(aggp_h, nsrc_h, ndst_h, b1_h, src_h, dst_h, zrows_h, out_h,
                src_v, dst_v, rows_v, p0_v, p1_v, ns_v, nd_v, o_v, b1_v,
                agg_sh, hn_sh, gsem, ssem, isem, osem):
    c = lax.axis_index("c")
    s = lax.axis_index("s")
    wid = s * NC + c
    pltpu.sync_copy(zrows_h.at[pl.ds(s * RPT, RPT)], agg_sh.at[pl.ds(s * RPT, RPT)])
    pltpu.sync_copy(b1_h, b1_v)

    def issue_in(t, b):
        r0 = s * RPT + t * CR
        pltpu.async_copy(aggp_h.at[0, pl.ds(r0, CR)], p0_v.at[b], isem)
        pltpu.async_copy(aggp_h.at[1, pl.ds(r0, CR)], p1_v.at[b], isem)
        pltpu.async_copy(nsrc_h.at[pl.ds(r0, CR)], ns_v.at[b], isem)
        pltpu.async_copy(ndst_h.at[pl.ds(r0, CR)], nd_v.at[b], isem)

    def wait_in():
        for _ in range(4):
            pltpu.make_async_copy(
                aggp_h.at[0, pl.ds(0, CR)], p0_v.at[0], isem
            ).wait()

    def wait_out():
        pltpu.make_async_copy(
            o_v.at[0], hn_sh.at[pl.ds(0, CR)], osem
        ).wait()

    issue_in(0, 0)

    def mid_chunk(t, carry):
        b = lax.rem(t, 2)
        wait_in()

        @pl.when(t + 1 < NCH_MID)
        def _():
            issue_in(t + 1, 1 - b)

        @pl.when(t >= 2)
        def _():
            wait_out()

        def row(i, carry2):
            a = p0_v[b, i] + p1_v[b, i]
            g = jnp.maximum(a * nd_v[b, i] + b1_v[...], 0.0) * ns_v[b, i]
            o_v[b, i] = g
            return carry2

        lax.fori_loop(0, CR, row, 0)
        r0 = s * RPT + t * CR
        pltpu.async_copy(o_v.at[b], hn_sh.at[pl.ds(r0, CR)], osem)
        return carry

    lax.fori_loop(0, NCH_MID, mid_chunk, 0)
    for _ in range(2):
        wait_out()
    plsc.subcore_barrier()
    pltpu.sync_copy(src_h.at[pl.ds(wid * CH, CH)], src_v)
    pltpu.sync_copy(dst_h.at[pl.ds(wid * CH, CH)], dst_v)

    for p in range(NB):
        pltpu.async_copy(hn_sh.at[src_v.at[p]], rows_v.at[p], gsem)

    def body(j, carry):
        b = lax.rem(j, NB)

        @pl.when(jnp.logical_and(j >= 1, j + NB - 1 < CH))
        def _():
            pltpu.make_async_copy(rows_v.at[0], agg_sh.at[dst_v.at[0]], ssem).wait()
            pltpu.async_copy(
                hn_sh.at[src_v.at[j + NB - 1]],
                rows_v.at[lax.rem(j + NB - 1, NB)],
                gsem,
            )

        pltpu.make_async_copy(hn_sh.at[src_v.at[j]], rows_v.at[b], gsem).wait()
        pltpu.async_copy(rows_v.at[b], agg_sh.at[dst_v.at[j]], ssem, add=True)
        return carry

    lax.fori_loop(0, CH, body, 0)
    for _ in range(NB):
        pltpu.make_async_copy(rows_v.at[0], agg_sh.at[dst_v.at[0]], ssem).wait()
    plsc.subcore_barrier()
    pltpu.sync_copy(
        agg_sh.at[pl.ds(s * RPT, RPT)], out_h.at[c, pl.ds(s * RPT, RPT)]
    )



def _norms(degp_ref):
    d_src = degp_ref[0, 0] + degp_ref[1, 0]
    d_dst = degp_ref[0, 1] + degp_ref[1, 1]
    n_src = jnp.where(d_src > 0, lax.rsqrt(jnp.maximum(d_src, 1.0)), 0.0)
    n_dst = jnp.where(d_dst > 0, lax.rsqrt(jnp.maximum(d_dst, 1.0)), 0.0)
    return n_src, n_dst


def _tc_in_body(degp_ref, x_ref, w1_ref, o_ref, ns_ref, nd_ref):
    n_src, n_dst = _norms(degp_ref)
    h1 = jnp.dot(x_ref[...], w1_ref[...], preferred_element_type=jnp.float32)
    o_ref[...] = h1 * n_src
    ns_ref[...] = jnp.broadcast_to(n_src, (NPAD, D_H))
    nd_ref[...] = jnp.broadcast_to(n_dst, (NPAD, D_H))


def _tc_final_body(degp_ref, aggp_ref, w2_ref, b2_ref, o_ref):
    _, n_dst = _norms(degp_ref)
    t = (aggp_ref[0] + aggp_ref[1]) * n_dst
    o_ref[...] = (
        jnp.dot(t, w2_ref[...], preferred_element_type=jnp.float32) + b2_ref[...]
    )



def kernel(x, edge_index, W1, b1, W2, b2):
    src = edge_index[0].astype(jnp.int32)
    dst = edge_index[1].astype(jnp.int32)
    pad = N + jnp.arange(EPAD - E, dtype=jnp.int32) % (NPAD - N)
    src2d = jnp.concatenate([src, pad]).reshape(EPAD // BV, BV)
    dst2d = jnp.concatenate([dst, pad]).reshape(EPAD // BV, BV)
    xp = jnp.pad(x.astype(jnp.float32), ((0, NPAD - N), (0, 0)))
    znode = jnp.zeros((NPAD,), jnp.float32)
    zrows = jnp.zeros((NPAD, D_H), jnp.float32)
    b2r = b2.astype(jnp.float32).reshape(1, N_CLS)

    degp = _sc_degrees(src2d, dst2d, znode)
    degp4 = degp.reshape(NC, 2, NPAD, 1)

    hn1, nsrcb, ndstb = pl.pallas_call(
        _tc_in_body,
        out_shape=[
            jax.ShapeDtypeStruct((NPAD, D_H), jnp.float32),
            jax.ShapeDtypeStruct((NPAD, D_H), jnp.float32),
            jax.ShapeDtypeStruct((NPAD, D_H), jnp.float32),
        ],
    )(degp4, xp, W1.astype(jnp.float32))

    agg1p = _sc_edge_agg(hn1, src2d, dst2d, zrows)

    agg2p = _sc_mid_agg(
        agg1p, nsrcb, ndstb, b1.astype(jnp.float32), src2d, dst2d, zrows
    )

    outp = pl.pallas_call(
        _tc_final_body,
        out_shape=jax.ShapeDtypeStruct((NPAD, N_CLS), jnp.float32),
    )(degp4, agg2p, W2.astype(jnp.float32), b2r)

    return outp[:N]

# --- scband reference (transcript-rebuilt; emitter-appended) ---
"""Pipeline reference for scband-gcn-25589415150316 (READ-ONLY COPY).

The authoritative reference and input builder live on the scoring server;
editing this copy changes nothing except your own understanding.
"""

import jax, jax.numpy as jnp
import numpy as np

N = 10000
E = 320000
D_IN = 128
D_H = 16
N_CLS = 7


def setup_inputs(seed: int = 0) -> dict:
    key = jax.random.key(seed)
    k1, k2, k3, k4 = jax.random.split(key, 4)
    x = jax.random.normal(k1, (N, D_IN), dtype=jnp.float32)
    edge_index = jax.random.randint(k2, (2, E), 0, N).astype(jnp.int64)
    W1 = jax.random.normal(k3, (D_IN, D_H), dtype=jnp.float32) * (1.0 / np.sqrt(D_IN))
    b1 = jnp.zeros((D_H,), dtype=jnp.float32)
    W2 = jax.random.normal(k4, (D_H, N_CLS), dtype=jnp.float32) * (1.0 / np.sqrt(D_H))
    b2 = jnp.zeros((N_CLS,), dtype=jnp.float32)
    return {"x": x, "edge_index": edge_index, "W1": W1, "b1": b1, "W2": W2, "b2": b2}


def reference(x, edge_index, W1, b1, W2, b2):
    # DGL GraphConv with norm='both' (symmetric normalization) + bias
    src = edge_index[0]
    dst = edge_index[1]
    deg_out = jnp.zeros((N,), dtype=jnp.float32).at[src].add(1.0)
    deg_in = jnp.zeros((N,), dtype=jnp.float32).at[dst].add(1.0)
    norm_src = jnp.where(deg_out > 0, jax.lax.rsqrt(jnp.maximum(deg_out, 1.0)), 0.0)
    norm_dst = jnp.where(deg_in > 0, jax.lax.rsqrt(jnp.maximum(deg_in, 1.0)), 0.0)

    def graph_conv(h, W, b):
        h = h @ W  # mult W first (in_feats > out_feats path in DGL)
        m = h[src] * norm_src[src][:, None]  # gather + src normalization
        agg = jnp.zeros((N, h.shape[1]), dtype=h.dtype).at[dst].add(m)  # scatter-add
        return agg * norm_dst[:, None] + b

    h = graph_conv(x, W1, b1)
    h = jax.nn.relu(h)
    out = graph_conv(h, W2, b2)
    return out

if __name__ == "__main__":
    import jax
    _d = setup_inputs()
    print(jax.jit(kernel)(*tuple(_d.values())))

</pallas_src>

<mosaic_0001>
#map = affine_map<(d0, d1) -> (0, 0)>
#map1 = affine_map<(d0, d1) -> (0)>
#map2 = affine_map<(d0, d1) -> (0, 0, 0)>
module attributes {stable_mosaic.version = 14 : i64} {
  func.func @_sc_degrees(%arg0: i32, %arg1: i32, %arg2: memref<1280x256xi32, #tpu.memory_space<hbm>>, %arg3: memref<1280x256xi32, #tpu.memory_space<hbm>>, %arg4: memref<10240xf32, #tpu.memory_space<hbm>>, %arg5: memref<2x2x10240xf32, #tpu.memory_space<hbm>>, %arg6: memref<40x256xi32, #tpu.memory_space<vmem>>, %arg7: memref<40x256xi32, #tpu.memory_space<vmem>>, %arg8: memref<256xf32, #tpu.memory_space<vmem>>, %arg9: memref<10240xf32, #tpu.memory_space<vmem_shared>>, %arg10: memref<10240xf32, #tpu.memory_space<vmem_shared>>, %arg11: memref<!tpu.dma_semaphore, #tpu.memory_space<semaphore_mem>>) attributes {dimension_semantics = [#tpu.dimension_semantics<core_parallel>, #tpu.dimension_semantics<subcore_parallel>], iteration_bounds = array<i64: 2, 16>, scalar_prefetch = 0 : i64, scratch_operands = 6 : i64, tpu.core_type = #tpu.core_type<sc_vector_subcore>, window_params = [{transform_indices = #map}, {transform_indices = #map}, {transform_indices = #map1}, {transform_indices = #map2}]} {
    %mul3A = arith.constant 2 : i32
    %mul3A_0 = arith.muli %arg1, %mul3A : i32
    %add3A = arith.addi %mul3A_0, %arg0 : i32
    %broadcast_in_dim3A = arith.constant 1.000000e+00 : f32
    %broadcast_in_dim3A_1 = vector.broadcast %broadcast_in_dim3A : f32 to vector<16xf32>
    %swap3A = arith.constant 0 : index
    %swap3A_2 = tpu.vector_load %arg8[%swap3A] {strides = array<i32>} : memref<256xf32, #tpu.memory_space<vmem>>, vector<16xf32>,
    %swap3A_3 = vector.shape_cast %swap3A_2 : vector<16xf32> to vector<16xf32>
    %swap3A_4 = vector.shape_cast %broadcast_in_dim3A_1 : vector<16xf32> to vector<16xf32>
    tpu.vector_store %arg8[%swap3A], %swap3A_4 {strides = array<i32>} : memref<256xf32, #tpu.memory_space<vmem>>, vector<16xf32>,
    %broadcast_in_dim3A_5 = arith.constant 1.000000e+00 : f32
    %broadcast_in_dim3A_6 = vector.broadcast %broadcast_in_dim3A_5 : f32 to vector<16xf32>
    %swap3A_7 = arith.constant 16 : index
    %swap3A_8 = tpu.vector_load %arg8[%swap3A_7] {strides = array<i32>} : memref<256xf32, #tpu.memory_space<vmem>>, vector<16xf32>,
    %swap3A_9 = vector.shape_cast %swap3A_8 : vector<16xf32> to vector<16xf32>
    %swap3A_10 = vector.shape_cast %broadcast_in_dim3A_6 : vector<16xf32> to vector<16xf32>
    tpu.vector_store %arg8[%swap3A_7], %swap3A_10 {strides = array<i32>} : memref<256xf32, #tpu.memory_space<vmem>>, vector<16xf32>,
    %broadcast_in_dim3A_11 = arith.constant 1.000000e+00 : f32
    %broadcast_in_dim3A_12 = vector.broadcast %broadcast_in_dim3A_11 : f32 to vector<16xf32>
    %swap3A_13 = arith.constant 32 : index
    %swap3A_14 = tpu.vector_load %arg8[%swap3A_13] {strides = array<i32>} : memref<256xf32, #tpu.memory_space<vmem>>, vector<16xf32>,
    %swap3A_15 = vector.shape_cast %swap3A_14 : vector<16xf32> to vector<16xf32>
    %swap3A_16 = vector.shape_cast %broadcast_in_dim3A_12 : vector<16xf32> to vector<16xf32>
    tpu.vector_store %arg8[%swap3A_13], %swap3A_16 {strides = array<i32>} : memref<256xf32, #tpu.memory_space<vmem>>, vector<16xf32>,
    %broadcast_in_dim3A_17 = arith.constant 1.000000e+00 : f32
    %broadcast_in_dim3A_18 = vector.broadcast %broadcast_in_dim3A_17 : f32 to vector<16xf32>
    %swap3A_19 = arith.constant 48 : index
    %swap3A_20 = tpu.vector_load %arg8[%swap3A_19] {strides = array<i32>} : memref<256xf32, #tpu.memory_space<vmem>>, vector<16xf32>,
    %swap3A_21 = vector.shape_cast %swap3A_20 : vector<16xf32> to vector<16xf32>
    %swap3A_22 = vector.shape_cast %broadcast_in_dim3A_18 : vector<16xf32> to vector<16xf32>
    tpu.vector_store %arg8[%swap3A_19], %swap3A_22 {strides = array<i32>} : memref<256xf32, #tpu.memory_space<vmem>>, vector<16xf32>,
    %broadcast_in_dim3A_23 = arith.constant 1.000000e+00 : f32
    %broadcast_in_dim3A_24 = vector.broadcast %broadcast_in_dim3A_23 : f32 to vector<16xf32>
    %swap3A_25 = arith.constant 64 : index
    %swap3A_26 = tpu.vector_load %arg8[%swap3A_25] {strides = array<i32>} : memref<256xf32, #tpu.memory_space<vmem>>, vector<16xf32>,
    %swap3A_27 = vector.shape_cast %swap3A_26 : vector<16xf32> to vector<16xf32>
    %swap3A_28 = vector.shape_cast %broadcast_in_dim3A_24 : vector<16xf32> to vector<16xf32>
    tpu.vector_store %arg8[%swap3A_25], %swap3A_28 {strides = array<i32>} : memref<256xf32, #tpu.memory_space<vmem>>, vector<16xf32>,
    %broadcast_in_dim3A_29 = arith.constant 1.000000e+00 : f32
    %broadcast_in_dim3A_30 = vector.broadcast %broadcast_in_dim3A_29 : f32 to vector<16xf32>
    %swap3A_31 = arith.constant 80 : index
    %swap3A_32 = tpu.vector_load %arg8[%swap3A_31] {strides = array<i32>} : memref<256xf32, #tpu.memory_space<vmem>>, vector<16xf32>,
    %swap3A_33 = vector.shape_cast %swap3A_32 : vector<16xf32> to vector<16xf32>
    %swap3A_34 = vector.shape_cast %broadcast_in_dim3A_30 : vector<16xf32> to vector<16xf32>
    tpu.vector_store %arg8[%swap3A_31], %swap3A_34 {strides = array<i32>} : memref<256xf32, #tpu.memory_space<vmem>>, vector<16xf32>,
    %broadcast_in_dim3A_35 = arith.constant 1.000000e+00 : f32
    %broadcast_in_dim3A_36 = vector.broadcast %broadcast_in_dim3A_35 : f32 to vector<16xf32>
    %swap3A_37 = arith.constant 96 : index
    %swap3A_38 = tpu.vector_load %arg8[%swap3A_37] {strides = array<i32>} : memref<256xf32, #tpu.memory_space<vmem>>, vector<16xf32>,
    %swap3A_39 = vector.shape_cast %swap3A_38 : vector<16xf32> to vector<16xf32>
    %swap3A_40 = vector.shape_cast %broadcast_in_dim3A_36 : vector<16xf32> to vector<16xf32>
    tpu.vector_store %arg8[%swap3A_37], %swap3A_40 {strides = array<i32>} : memref<256xf32, #tpu.memory_space<vmem>>, vector<16xf32>,
    %broadcast_in_dim3A_41 = arith.constant 1.000000e+00 : f32
    %broadcast_in_dim3A_42 = vector.broadcast %broadcast_in_dim3A_41 : f32 to vector<16xf32>
    %swap3A_43 = arith.constant 112 : index
    %swap3A_44 = tpu.vector_load %arg8[%swap3A_43] {strides = array<i32>} : memref<256xf32, #tpu.memory_space<vmem>>, vector<16xf32>,
    %swap3A_45 = vector.shape_cast %swap3A_44 : vector<16xf32> to vector<16xf32>
    %swap3A_46 = vector.shape_cast %broadcast_in_dim3A_42 : vector<16xf32> to vector<16xf32>
    tpu.vector_store %arg8[%swap3A_43], %swap3A_46 {strides = array<i32>} : memref<256xf32, #tpu.memory_space<vmem>>, vector<16xf32>,
    %broadcast_in_dim3A_47 = arith.constant 1.000000e+00 : f32
    %broadcast_in_dim3A_48 = vector.broadcast %broadcast_in_dim3A_47 : f32 to vector<16xf32>
    %swap3A_49 = arith.constant 128 : index
    %swap3A_50 = tpu.vector_load %arg8[%swap3A_49] {strides = array<i32>} : memref<256xf32, #tpu.memory_space<vmem>>, vector<16xf32>,
    %swap3A_51 = vector.shape_cast %swap3A_50 : vector<16xf32> to vector<16xf32>
    %swap3A_52 = vector.shape_cast %broadcast_in_dim3A_48 : vector<16xf32> to vector<16xf32>
    tpu.vector_store %arg8[%swap3A_49], %swap3A_52 {strides = array<i32>} : memref<256xf32, #tpu.memory_space<vmem>>, vector<16xf32>,
    %broadcast_in_dim3A_53 = arith.constant 1.000000e+00 : f32
    %broadcast_in_dim3A_54 = vector.broadcast %broadcast_in_dim3A_53 : f32 to vector<16xf32>
    %swap3A_55 = arith.constant 144 : index
    %swap3A_56 = tpu.vector_load %arg8[%swap3A_55] {strides = array<i32>} : memref<256xf32, #tpu.memory_space<vmem>>, vector<16xf32>,
    %swap3A_57 = vector.shape_cast %swap3A_56 : vector<16xf32> to vector<16xf32>
    %swap3A_58 = vector.shape_cast %broadcast_in_dim3A_54 : vector<16xf32> to vector<16xf32>
    tpu.vector_store %arg8[%swap3A_55], %swap3A_58 {strides = array<i32>} : memref<256xf32, #tpu.memory_space<vmem>>, vector<16xf32>,
    %broadcast_in_dim3A_59 = arith.constant 1.000000e+00 : f32
    %broadcast_in_dim3A_60 = vector.broadcast %broadcast_in_dim3A_59 : f32 to vector<16xf32>
    %swap3A_61 = arith.constant 160 : index
    %swap3A_62 = tpu.vector_load %arg8[%swap3A_61] {strides = array<i32>} : memref<256xf32, #tpu.memory_space<vmem>>, vector<16xf32>,
    %swap3A_63 = vector.shape_cast %swap3A_62 : vector<16xf32> to vector<16xf32>
    %swap3A_64 = vector.shape_cast %broadcast_in_dim3A_60 : vector<16xf32> to vector<16xf32>
    tpu.vector_store %arg8[%swap3A_61], %swap3A_64 {strides = array<i32>} : memref<256xf32, #tpu.memory_space<vmem>>, vector<16xf32>,
    %broadcast_in_dim3A_65 = arith.constant 1.000000e+00 : f32
    %broadcast_in_dim3A_66 = vector.broadcast %broadcast_in_dim3A_65 : f32 to vector<16xf32>
    %swap3A_67 = arith.constant 176 : index
    %swap3A_68 = tpu.vector_load %arg8[%swap3A_67] {strides = array<i32>} : memref<256xf32, #tpu.memory_space<vmem>>, vector<16xf32>,
    %swap3A_69 = vector.shape_cast %swap3A_68 : vector<16xf32> to vector<16xf32>
    %swap3A_70 = vector.shape_cast %broadcast_in_dim3A_66 : vector<16xf32> to vector<16xf32>
    tpu.vector_store %arg8[%swap3A_67], %swap3A_70 {strides = array<i32>} : memref<256xf32, #tpu.memory_space<vmem>>, vector<16xf32>,
    %broadcast_in_dim3A_71 = arith.constant 1.000000e+00 : f32
    %broadcast_in_dim3A_72 = vector.broadcast %broadcast_in_dim3A_71 : f32 to vector<16xf32>
    %swap3A_73 = arith.constant 192 : index
    %swap3A_74 = tpu.vector_load %arg8[%swap3A_73] {strides = array<i32>} : memref<256xf32, #tpu.memory_space<vmem>>, vector<16xf32>,
    %swap3A_75 = vector.shape_cast %swap3A_74 : vector<16xf32> to vector<16xf32>
    %swap3A_76 = vector.shape_cast %broadcast_in_dim3A_72 : vector<16xf32> to vector<16xf32>
    tpu.vector_store %arg8[%swap3A_73], %swap3A_76 {strides = array<i32>} : memref<256xf32, #tpu.memory_space<vmem>>, vector<16xf32>,
    %broadcast_in_dim3A_77 = arith.constant 1.000000e+00 : f32
    %broadcast_in_dim3A_78 = vector.broadcast %broadcast_in_dim3A_77 : f32 to vector<16xf32>
    %swap3A_79 = arith.constant 208 : index
    %swap3A_80 = tpu.vector_load %arg8[%swap3A_79] {strides = array<i32>} : memref<256xf32, #tpu.memory_space<vmem>>, vector<16xf32>,
    %swap3A_81 = vector.shape_cast %swap3A_80 : vector<16xf32> to vector<16xf32>
    %swap3A_82 = vector.shape_cast %broadcast_in_dim3A_78 : vector<16xf32> to vector<16xf32>
    tpu.vector_store %arg8[%swap3A_79], %swap3A_82 {strides = array<i32>} : memref<256xf32, #tpu.memory_space<vmem>>, vector<16xf32>,
    %broadcast_in_dim3A_83 = arith.constant 1.000000e+00 : f32
    %broadcast_in_dim3A_84 = vector.broadcast %broadcast_in_dim3A_83 : f32 to vector<16xf32>
    %swap3A_85 = arith.constant 224 : index
    %swap3A_86 = tpu.vector_load %arg8[%swap3A_85] {strides = array<i32>} : memref<256xf32, #tpu.memory_space<vmem>>, vector<16xf32>,
    %swap3A_87 = vector.shape_cast %swap3A_86 : vector<16xf32> to vector<16xf32>
    %swap3A_88 = vector.shape_cast %broadcast_in_dim3A_84 : vector<16xf32> to vector<16xf32>
    tpu.vector_store %arg8[%swap3A_85], %swap3A_88 {strides = array<i32>} : memref<256xf32, #tpu.memory_space<vmem>>, vector<16xf32>,
    %broadcast_in_dim3A_89 = arith.constant 1.000000e+00 : f32
    %broadcast_in_dim3A_90 = vector.broadcast %broadcast_in_dim3A_89 : f32 to vector<16xf32>
    %swap3A_91 = arith.constant 240 : index
    %swap3A_92 = tpu.vector_load %arg8[%swap3A_91] {strides = array<i32>} : memref<256xf32, #tpu.memory_space<vmem>>, vector<16xf32>,
    %swap3A_93 = vector.shape_cast %swap3A_92 : vector<16xf32> to vector<16xf32>
    %swap3A_94 = vector.shape_cast %broadcast_in_dim3A_90 : vector<16xf32> to vector<16xf32>
    tpu.vector_store %arg8[%swap3A_91], %swap3A_94 {strides = array<i32>} : memref<256xf32, #tpu.memory_space<vmem>>, vector<16xf32>,
    %mul3A_95 = arith.constant 640 : i32
    %mul3A_96 = arith.muli %arg1, %mul3A_95 : i32
    %mul3A_97 = arith.constant 640 : i32
    %mul3A_98 = arith.muli %arg1, %mul3A_97 : i32
    "tpu.region"() ({
      %run_scoped3A_217 = tpu.sem_alloc : memref<!tpu.dma_semaphore, #tpu.memory_space<semaphore_mem>>
      %dma_start3A = tpu.memref_slice %arg9[%mul3A_98] : memref<10240xf32, #tpu.memory_space<vmem_shared>> -> memref<640xf32, #tpu.memory_space<vmem_shared>>
      %dma_start3A_218 = tpu.memref_slice %arg4[%mul3A_96] : memref<10240xf32, #tpu.memory_space<hbm>> -> memref<640xf32, #tpu.memory_space<hbm>>
      tpu.enqueue_dma source(%dma_start3A_218 : memref<640xf32, #tpu.memory_space<hbm>>) target(%dma_start3A : memref<640xf32, #tpu.memory_space<vmem_shared>>) target_semaphore(%run_scoped3A_217 : memref<!tpu.dma_semaphore, #tpu.memory_space<semaphore_mem>>)
      %dma_wait3A_219 = tpu.memref_slice %arg9[%mul3A_98] : memref<10240xf32, #tpu.memory_space<vmem_shared>> -> memref<640xf32, #tpu.memory_space<vmem_shared>>
      %dma_wait3A_220 = tpu.memref_slice %arg4[%mul3A_96] : memref<10240xf32, #tpu.memory_space<hbm>> -> memref<640xf32, #tpu.memory_space<hbm>>
      tpu.wait_dma2 semaphore(%run_scoped3A_217 : memref<!tpu.dma_semaphore, #tpu.memory_space<semaphore_mem>>) src(%dma_wait3A_220 : memref<640xf32, #tpu.memory_space<hbm>>) dst(%dma_wait3A_219 : memref<640xf32, #tpu.memory_space<vmem_shared>>)
      tpu.yield
    }) : () -> ()
    %mul3A_99 = arith.constant 640 : i32
    %mul3A_100 = arith.muli %arg1, %mul3A_99 : i32
    %mul3A_101 = arith.constant 640 : i32
    %mul3A_102 = arith.muli %arg1, %mul3A_101 : i32
    "tpu.region"() ({
      %run_scoped3A_217 = tpu.sem_alloc : memref<!tpu.dma_semaphore, #tpu.memory_space<semaphore_mem>>
      %dma_start3A = tpu.memref_slice %arg10[%mul3A_102] : memref<10240xf32, #tpu.memory_space<vmem_shared>> -> memref<640xf32, #tpu.memory_space<vmem_shared>>
      %dma_start3A_218 = tpu.memref_slice %arg4[%mul3A_100] : memref<10240xf32, #tpu.memory_space<hbm>> -> memref<640xf32, #tpu.memory_space<hbm>>
      tpu.enqueue_dma source(%dma_start3A_218 : memref<640xf32, #tpu.memory_space<hbm>>) target(%dma_start3A : memref<640xf32, #tpu.memory_space<vmem_shared>>) target_semaphore(%run_scoped3A_217 : memref<!tpu.dma_semaphore, #tpu.memory_space<semaphore_mem>>)
      %dma_wait3A_219 = tpu.memref_slice %arg10[%mul3A_102] : memref<10240xf32, #tpu.memory_space<vmem_shared>> -> memref<640xf32, #tpu.memory_space<vmem_shared>>
      %dma_wait3A_220 = tpu.memref_slice %arg4[%mul3A_100] : memref<10240xf32, #tpu.memory_space<hbm>> -> memref<640xf32, #tpu.memory_space<hbm>>
      tpu.wait_dma2 semaphore(%run_scoped3A_217 : memref<!tpu.dma_semaphore, #tpu.memory_space<semaphore_mem>>) src(%dma_wait3A_220 : memref<640xf32, #tpu.memory_space<hbm>>) dst(%dma_wait3A_219 : memref<640xf32, #tpu.memory_space<vmem_shared>>)
      tpu.yield
    }) : () -> ()
    %barrier3A = arith.constant 0 : index
    tpu.barrier barrier_id(%barrier3A)
    %mul3A_103 = arith.constant 40 : i32
    %mul3A_104 = arith.muli %add3A, %mul3A_103 : i32
    "tpu.region"() ({
      %run_scoped3A_217 = tpu.sem_alloc : memref<!tpu.dma_semaphore, #tpu.memory_space<semaphore_mem>>
      %dma_start3A = arith.constant 0 : i32
      %dma_start3A_218 = tpu.memref_slice %arg2[%mul3A_104, %dma_start3A] : memref<1280x256xi32, #tpu.memory_space<hbm>> -> memref<40x256xi32, #tpu.memory_space<hbm>>
      %dma_start3A_219 = arith.constant 0 : i32
      %dma_start3A_220 = tpu.memref_slice %arg2[%mul3A_104, %dma_start3A_219] : memref<1280x256xi32, #tpu.memory_space<hbm>> -> memref<40x256xi32, #tpu.memory_space<hbm>>
      tpu.enqueue_dma source(%dma_start3A_220 : memref<40x256xi32, #tpu.memory_space<hbm>>) target(%arg6 : memref<40x256xi32, #tpu.memory_space<vmem>>) target_semaphore(%run_scoped3A_217 : memref<!tpu.dma_semaphore, #tpu.memory_space<semaphore_mem>>)
      %dma_wait3A_221 = arith.constant 0 : i32
      %dma_wait3A_222 = tpu.memref_slice %arg2[%mul3A_104, %dma_wait3A_221] : memref<1280x256xi32, #tpu.memory_space<hbm>> -> memref<40x256xi32, #tpu.memory_space<hbm>>
      %dma_wait3A_223 = arith.constant 0 : i32
      %dma_wait3A_224 = tpu.memref_slice %arg2[%mul3A_104, %dma_wait3A_223] : memref<1280x256xi32, #tpu.memory_space<hbm>> -> memref<40x256xi32, #tpu.memory_space<hbm>>
      tpu.wait_dma2 semaphore(%run_scoped3A_217 : memref<!tpu.dma_semaphore, #tpu.memory_space<semaphore_mem>>) src(%dma_wait3A_224 : memref<40x256xi32, #tpu.memory_space<hbm>>) dst(%arg6 : memref<40x256xi32, #tpu.memory_space<vmem>>)
      tpu.yield
    }) : () -> ()
    %mul3A_105 = arith.constant 40 : i32
    %mul3A_106 = arith.muli %add3A, %mul3A_105 : i32
    "tpu.region"() ({
      %run_scoped3A_217 = tpu.sem_alloc : memref<!tpu.dma_semaphore, #tpu.memory_space<semaphore_mem>>
      %dma_start3A = arith.constant 0 : i32
      %dma_start3A_218 = tpu.memref_slice %arg3[%mul3A_106, %dma_start3A] : memref<1280x256xi32, #tpu.memory_space<hbm>> -> memref<40x256xi32, #tpu.memory_space<hbm>>
      %dma_start3A_219 = arith.constant 0 : i32
      %dma_start3A_220 = tpu.memref_slice %arg3[%mul3A_106, %dma_start3A_219] : memref<1280x256xi32, #tpu.memory_space<hbm>> -> memref<40x256xi32, #tpu.memory_space<hbm>>
      tpu.enqueue_dma source(%dma_start3A_220 : memref<40x256xi32, #tpu.memory_space<hbm>>) target(%arg7 : memref<40x256xi32, #tpu.memory_space<vmem>>) target_semaphore(%run_scoped3A_217 : memref<!tpu.dma_semaphore, #tpu.memory_space<semaphore_mem>>)
      %dma_wait3A_221 = arith.constant 0 : i32
      %dma_wait3A_222 = tpu.memref_slice %arg3[%mul3A_106, %dma_wait3A_221] : memref<1280x256xi32, #tpu.memory_space<hbm>> -> memref<40x256xi32, #tpu.memory_space<hbm>>
      %dma_wait3A_223 = arith.constant 0 : i32
      %dma_wait3A_224 = tpu.memref_slice %arg3[%mul3A_106, %dma_wait3A_223] : memref<1280x256xi32, #tpu.memory_space<hbm>> -> memref<40x256xi32, #tpu.memory_space<hbm>>
      tpu.wait_dma2 semaphore(%run_scoped3A_217 : memref<!tpu.dma_semaphore, #tpu.memory_space<semaphore_mem>>) src(%dma_wait3A_224 : memref<40x256xi32, #tpu.memory_space<hbm>>) dst(%arg7 : memref<40x256xi32, #tpu.memory_space<vmem>>)
      tpu.yield
    }) : () -> ()
    %scan3A = arith.constant 0 : i32
    %scan3A_107 = arith.constant 0 : i32
    %scan3A_108 = arith.constant 40 : i32
    %scan3A_109 = arith.addi %scan3A_107, %scan3A_108 : i32
    %scan3A_110 = arith.constant 1 : i32
    scf.for %scan3A_217 = %scan3A_107 to %scan3A_109 step %scan3A_110  : i32 {
      %dma_start3A = arith.constant 0 : i32
      %dma_start3A_218 = tpu.memref_slice %arg6[%scan3A_217, %dma_start3A] : memref<40x256xi32, #tpu.memory_space<vmem>> -> memref<1x256xi32, #tpu.memory_space<vmem>>
      %dma_start3A_219 = tpu.memref_squeeze %dma_start3A_218 : memref<1x256xi32, #tpu.memory_space<vmem>> -> memref<256xi32, #tpu.memory_space<vmem>>
      %dma_start3A_220 = arith.constant 0 : i32
      %dma_start3A_221 = tpu.memref_slice %arg9[%dma_start3A_220] : memref<10240xf32, #tpu.memory_space<vmem_shared>> -> memref<10240xf32, #tpu.memory_space<vmem_shared>>
      tpu.enqueue_indirect_dma source(%arg8 : memref<256xf32, #tpu.memory_space<vmem>>) target(%dma_start3A_221 : memref<10240xf32, #tpu.memory_space<vmem_shared>>) offsets(%dma_start3A_219 : memref<256xi32, #tpu.memory_space<vmem>>) semaphore(%arg11 : memref<!tpu.dma_semaphore, #tpu.memory_space<semaphore_mem>>) {add = true}
      %dma_start3A_222 = arith.constant 0 : i32
      %dma_start3A_223 = tpu.memref_slice %arg7[%scan3A_217, %dma_start3A_222] : memref<40x256xi32, #tpu.memory_space<vmem>> -> memref<1x256xi32, #tpu.memory_space<vmem>>
      %dma_start3A_224 = tpu.memref_squeeze %dma_start3A_223 : memref<1x256xi32, #tpu.memory_space<vmem>> -> memref<256xi32, #tpu.memory_space<vmem>>
      %dma_start3A_225 = arith.constant 0 : i32
      %dma_start3A_226 = tpu.memref_slice %arg10[%dma_start3A_225] : memref<10240xf32, #tpu.memory_space<vmem_shared>> -> memref<10240xf32, #tpu.memory_space<vmem_shared>>
      tpu.enqueue_indirect_dma source(%arg8 : memref<256xf32, #tpu.memory_space<vmem>>) target(%dma_start3A_226 : memref<10240xf32, #tpu.memory_space<vmem_shared>>) offsets(%dma_start3A_224 : memref<256xi32, #tpu.memory_space<vmem>>) semaphore(%arg11 : memref<!tpu.dma_semaphore, #tpu.memory_space<semaphore_mem>>) {add = true}
      %ge3A = arith.constant 8 : i32
      %ge3A_227 = arith.cmpi sge, %scan3A_217, %ge3A : i32
      %convert_element_type3A = arith.extui %ge3A_227 : i1 to i32
      %cond3A = arith.constant 0 : i32
      %cond3A_228 = arith.cmpi ne, %convert_element_type3A, %cond3A : i32
      scf.if %cond3A_228 {
        %dma_wait3A_229 = arith.constant 0 : i32
        %dma_wait3A_230 = arith.constant 0 : i32
        %dma_wait3A_231 = tpu.memref_slice %arg6[%dma_wait3A_229, %dma_wait3A_230] : memref<40x256xi32, #tpu.memory_space<vmem>> -> memref<1x256xi32, #tpu.memory_space<vmem>>
        %dma_wait3A_232 = tpu.memref_squeeze %dma_wait3A_231 : memref<1x256xi32, #tpu.memory_space<vmem>> -> memref<256xi32, #tpu.memory_space<vmem>>
        %dma_wait3A_233 = arith.constant 0 : i32
        %dma_wait3A_234 = tpu.memref_slice %arg9[%dma_wait3A_233] : memref<10240xf32, #tpu.memory_space<vmem_shared>> -> memref<10240xf32, #tpu.memory_space<vmem_shared>>
        tpu.wait_indirect_dma semaphore(%arg11 : memref<!tpu.dma_semaphore, #tpu.memory_space<semaphore_mem>>) src(%arg8 : memref<256xf32, #tpu.memory_space<vmem>>) dst(%dma_wait3A_234 : memref<10240xf32, #tpu.memory_space<vmem_shared>>)
        %dma_wait3A_235 = arith.constant 0 : i32
        %dma_wait3A_236 = arith.constant 0 : i32
        %dma_wait3A_237 = tpu.memref_slice %arg7[%dma_wait3A_235, %dma_wait3A_236] : memref<40x256xi32, #tpu.memory_space<vmem>> -> memref<1x256xi32, #tpu.memory_space<vmem>>
        %dma_wait3A_238 = tpu.memref_squeeze %dma_wait3A_237 : memref<1x256xi32, #tpu.memory_space<vmem>> -> memref<256xi32, #tpu.memory_space<vmem>>
        %dma_wait3A_239 = arith.constant 0 : i32
        %dma_wait3A_240 = tpu.memref_slice %arg10[%dma_wait3A_239] : memref<10240xf32, #tpu.memory_space<vmem_shared>> -> memref<10240xf32, #tpu.memory_space<vmem_shared>>
        tpu.wait_indirect_dma semaphore(%arg11 : memref<!tpu.dma_semaphore, #tpu.memory_space<semaphore_mem>>) src(%arg8 : memref<256xf32, #tpu.memory_space<vmem>>) dst(%dma_wait3A_240 : memref<10240xf32, #tpu.memory_space<vmem_shared>>)
      } else {
      }
    }
    %scan3A_111 = arith.constant 40 : i32
    %dma_wait3A = arith.constant 0 : i32
    %dma_wait3A_112 = arith.constant 0 : i32
    %dma_wait3A_113 = tpu.memref_slice %arg6[%dma_wait3A, %dma_wait3A_112] : memref<40x256xi32, #tpu.memory_space<vmem>> -> memref<1x256xi32, #tpu.memory_space<vmem>>
    %dma_wait3A_114 = tpu.memref_squeeze %dma_wait3A_113 : memref<1x256xi32, #tpu.memory_space<vmem>> -> memref<256xi32, #tpu.memory_space<vmem>>
    %dma_wait3A_115 = arith.constant 0 : i32
    %dma_wait3A_116 = tpu.memref_slice %arg9[%dma_wait3A_115] : memref<10240xf32, #tpu.memory_space<vmem_shared>> -> memref<10240xf32, #tpu.memory_space<vmem_shared>>
    tpu.wait_indirect_dma semaphore(%arg11 : memref<!tpu.dma_semaphore, #tpu.memory_space<semaphore_mem>>) src(%arg8 : memref<256xf32, #tpu.memory_space<vmem>>) dst(%dma_wait3A_116 : memref<10240xf32, #tpu.memory_space<vmem_shared>>)
    %dma_wait3A_117 = arith.constant 0 : i32
    %dma_wait3A_118 = arith.constant 0 : i32
    %dma_wait3A_119 = tpu.memref_slice %arg7[%dma_wait3A_117, %dma_wait3A_118] : memref<40x256xi32, #tpu.memory_space<vmem>> -> memref<1x256xi32, #tpu.memory_space<vmem>>
    %dma_wait3A_120 = tpu.memref_squeeze %dma_wait3A_119 : memref<1x256xi32, #tpu.memory_space<vmem>> -> memref<256xi32, #tpu.memory_space<vmem>>
    %dma_wait3A_121 = arith.constant 0 : i32
    %dma_wait3A_122 = tpu.memref_slice %arg10[%dma_wait3A_121] : memref<10240xf32, #tpu.memory_space<vmem_shared>> -> memref<10240xf32, #tpu.memory_space<vmem_shared>>
    tpu.wait_indirect_dma semaphore(%arg11 : memref<!tpu.dma_semaphore, #tpu.memory_space<semaphore_mem>>) src(%arg8 : memref<256xf32, #tpu.memory_space<vmem>>) dst(%dma_wait3A_122 : memref<10240xf32, #tpu.memory_space<vmem_shared>>)
    %dma_wait3A_123 = arith.constant 0 : i32
    %dma_wait3A_124 = arith.constant 0 : i32
    %dma_wait3A_125 = tpu.memref_slice %arg6[%dma_wait3A_123, %dma_wait3A_124] : memref<40x256xi32, #tpu.memory_space<vmem>> -> memref<1x256xi32, #tpu.memory_space<vmem>>
    %dma_wait3A_126 = tpu.memref_squeeze %dma_wait3A_125 : memref<1x256xi32, #tpu.memory_space<vmem>> -> memref<256xi32, #tpu.memory_space<vmem>>
    %dma_wait3A_127 = arith.constant 0 : i32
    %dma_wait3A_128 = tpu.memref_slice %arg9[%dma_wait3A_127] : memref<10240xf32, #tpu.memory_space<vmem_shared>> -> memref<10240xf32, #tpu.memory_space<vmem_shared>>
    tpu.wait_indirect_dma semaphore(%arg11 : memref<!tpu.dma_semaphore, #tpu.memory_space<semaphore_mem>>) src(%arg8 : memref<256xf32, #tpu.memory_space<vmem>>) dst(%dma_wait3A_128 : memref<10240xf32, #tpu.memory_space<vmem_shared>>)
    %dma_wait3A_129 = arith.constant 0 : i32
    %dma_wait3A_130 = arith.constant 0 : i32
    %dma_wait3A_131 = tpu.memref_slice %arg7[%dma_wait3A_129, %dma_wait3A_130] : memref<40x256xi32, #tpu.memory_space<vmem>> -> memref<1x256xi32, #tpu.memory_space<vmem>>
    %dma_wait3A_132 = tpu.memref_squeeze %dma_wait3A_131 : memref<1x256xi32, #tpu.memory_space<vmem>> -> memref<256xi32, #tpu.memory_space<vmem>>
    %dma_wait3A_133 = arith.constant 0 : i32
    %dma_wait3A_134 = tpu.memref_slice %arg10[%dma_wait3A_133] : memref<10240xf32, #tpu.memory_space<vmem_shared>> -> memref<10240xf32, #tpu.memory_space<vmem_shared>>
    tpu.wait_indirect_dma semaphore(%arg11 : memref<!tpu.dma_semaphore, #tpu.memory_space<semaphore_mem>>) src(%arg8 : memref<256xf32, #tpu.memory_space<vmem>>) dst(%dma_wait3A_134 : memref<10240xf32, #tpu.memory_space<vmem_shared>>)
    %dma_wait3A_135 = arith.constant 0 : i32
    %dma_wait3A_136 = arith.constant 0 : i32
    %dma_wait3A_137 = tpu.memref_slice %arg6[%dma_wait3A_135, %dma_wait3A_136] : memref<40x256xi32, #tpu.memory_space<vmem>> -> memref<1x256xi32, #tpu.memory_space<vmem>>
    %dma_wait3A_138 = tpu.memref_squeeze %dma_wait3A_137 : memref<1x256xi32, #tpu.memory_space<vmem>> -> memref<256xi32, #tpu.memory_space<vmem>>
    %dma_wait3A_139 = arith.constant 0 : i32
    %dma_wait3A_140 = tpu.memref_slice %arg9[%dma_wait3A_139] : memref<10240xf32, #tpu.memory_space<vmem_shared>> -> memref<10240xf32, #tpu.memory_space<vmem_shared>>
    tpu.wait_indirect_dma semaphore(%arg11 : memref<!tpu.dma_semaphore, #tpu.memory_space<semaphore_mem>>) src(%arg8 : memref<256xf32, #tpu.memory_space<vmem>>) dst(%dma_wait3A_140 : memref<10240xf32, #tpu.memory_space<vmem_shared>>)
    %dma_wait3A_141 = arith.constant 0 : i32
    %dma_wait3A_142 = arith.constant 0 : i32
    %dma_wait3A_143 = tpu.memref_slice %arg7[%dma_wait3A_141, %dma_wait3A_142] : memref<40x256xi32, #tpu.memory_space<vmem>> -> memref<1x256xi32, #tpu.memory_space<vmem>>
    %dma_wait3A_144 = tpu.memref_squeeze %dma_wait3A_143 : memref<1x256xi32, #tpu.memory_space<vmem>> -> memref<256xi32, #tpu.memory_space<vmem>>
    %dma_wait3A_145 = arith.constant 0 : i32
    %dma_wait3A_146 = tpu.memref_slice %arg10[%dma_wait3A_145] : memref<10240xf32, #tpu.memory_space<vmem_shared>> -> memref<10240xf32, #tpu.memory_space<vmem_shared>>
    tpu.wait_indirect_dma semaphore(%arg11 : memref<!tpu.dma_semaphore, #tpu.memory_space<semaphore_mem>>) src(%arg8 : memref<256xf32, #tpu.memory_space<vmem>>) dst(%dma_wait3A_146 : memref<10240xf32, #tpu.memory_space<vmem_shared>>)
    %dma_wait3A_147 = arith.constant 0 : i32
    %dma_wait3A_148 = arith.constant 0 : i32
    %dma_wait3A_149 = tpu.memref_slice %arg6[%dma_wait3A_147, %dma_wait3A_148] : memref<40x256xi32, #tpu.memory_space<vmem>> -> memref<1x256xi32, #tpu.memory_space<vmem>>
    %dma_wait3A_150 = tpu.memref_squeeze %dma_wait3A_149 : memref<1x256xi32, #tpu.memory_space<vmem>> -> memref<256xi32, #tpu.memory_space<vmem>>
    %dma_wait3A_151 = arith.constant 0 : i32
    %dma_wait3A_152 = tpu.memref_slice %arg9[%dma_wait3A_151] : memref<10240xf32, #tpu.memory_space<vmem_shared>> -> memref<10240xf32, #tpu.memory_space<vmem_shared>>
    tpu.wait_indirect_dma semaphore(%arg11 : memref<!tpu.dma_semaphore, #tpu.memory_space<semaphore_mem>>) src(%arg8 : memref<256xf32, #tpu.memory_space<vmem>>) dst(%dma_wait3A_152 : memref<10240xf32, #tpu.memory_space<vmem_shared>>)
    %dma_wait3A_153 = arith.constant 0 : i32
    %dma_wait3A_154 = arith.constant 0 : i32
    %dma_wait3A_155 = tpu.memref_slice %arg7[%dma_wait3A_153, %dma_wait3A_154] : memref<40x256xi32, #tpu.memory_space<vmem>> -> memref<1x256xi32, #tpu.memory_space<vmem>>
    %dma_wait3A_156 = tpu.memref_squeeze %dma_wait3A_155 : memref<1x256xi32, #tpu.memory_space<vmem>> -> memref<256xi32, #tpu.memory_space<vmem>>
    %dma_wait3A_157 = arith.constant 0 : i32
    %dma_wait3A_158 = tpu.memref_slice %arg10[%dma_wait3A_157] : memref<10240xf32, #tpu.memory_space<vmem_shared>> -> memref<10240xf32, #tpu.memory_space<vmem_shared>>
    tpu.wait_indirect_dma semaphore(%arg11 : memref<!tpu.dma_semaphore, #tpu.memory_space<semaphore_mem>>) src(%arg8 : memref<256xf32, #tpu.memory_space<vmem>>) dst(%dma_wait3A_158 : memref<10240xf32, #tpu.memory_space<vmem_shared>>)
    %dma_wait3A_159 = arith.constant 0 : i32
    %dma_wait3A_160 = arith.constant 0 : i32
    %dma_wait3A_161 = tpu.memref_slice %arg6[%dma_wait3A_159, %dma_wait3A_160] : memref<40x256xi32, #tpu.memory_space<vmem>> -> memref<1x256xi32, #tpu.memory_space<vmem>>
    %dma_wait3A_162 = tpu.memref_squeeze %dma_wait3A_161 : memref<1x256xi32, #tpu.memory_space<vmem>> -> memref<256xi32, #tpu.memory_space<vmem>>
    %dma_wait3A_163 = arith.constant 0 : i32
    %dma_wait3A_164 = tpu.memref_slice %arg9[%dma_wait3A_163] : memref<10240xf32, #tpu.memory_space<vmem_shared>> -> memref<10240xf32, #tpu.memory_space<vmem_shared>>
    tpu.wait_indirect_dma semaphore(%arg11 : memref<!tpu.dma_semaphore, #tpu.memory_space<semaphore_mem>>) src(%arg8 : memref<256xf32, #tpu.memory_space<vmem>>) dst(%dma_wait3A_164 : memref<10240xf32, #tpu.memory_space<vmem_shared>>)
    %dma_wait3A_165 = arith.constant 0 : i32
    %dma_wait3A_166 = arith.constant 0 : i32
    %dma_wait3A_167 = tpu.memref_slice %arg7[%dma_wait3A_165, %dma_wait3A_166] : memref<40x256xi32, #tpu.memory_space<vmem>> -> memref<1x256xi32, #tpu.memory_space<vmem>>
    %dma_wait3A_168 = tpu.memref_squeeze %dma_wait3A_167 : memref<1x256xi32, #tpu.memory_space<vmem>> -> memref<256xi32, #tpu.memory_space<vmem>>
    %dma_wait3A_169 = arith.constant 0 : i32
    %dma_wait3A_170 = tpu.memref_slice %arg10[%dma_wait3A_169] : memref<10240xf32, #tpu.memory_space<vmem_shared>> -> memref<10240xf32, #tpu.memory_space<vmem_shared>>
    tpu.wait_indirect_dma semaphore(%arg11 : memref<!tpu.dma_semaphore, #tpu.memory_space<semaphore_mem>>) src(%arg8 : memref<256xf32, #tpu.memory_space<vmem>>) dst(%dma_wait3A_170 : memref<10240xf32, #tpu.memory_space<vmem_shared>>)
    %dma_wait3A_171 = arith.constant 0 : i32
    %dma_wait3A_172 = arith.constant 0 : i32
    %dma_wait3A_173 = tpu.memref_slice %arg6[%dma_wait3A_171, %dma_wait3A_172] : memref<40x256xi32, #tpu.memory_space<vmem>> -> memref<1x256xi32, #tpu.memory_space<vmem>>
    %dma_wait3A_174 = tpu.memref_squeeze %dma_wait3A_173 : memref<1x256xi32, #tpu.memory_space<vmem>> -> memref<256xi32, #tpu.memory_space<vmem>>
    %dma_wait3A_175 = arith.constant 0 : i32
    %dma_wait3A_176 = tpu.memref_slice %arg9[%dma_wait3A_175] : memref<10240xf32, #tpu.memory_space<vmem_shared>> -> memref<10240xf32, #tpu.memory_space<vmem_shared>>
    tpu.wait_indirect_dma semaphore(%arg11 : memref<!tpu.dma_semaphore, #tpu.memory_space<semaphore_mem>>) src(%arg8 : memref<256xf32, #tpu.memory_space<vmem>>) dst(%dma_wait3A_176 : memref<10240xf32, #tpu.memory_space<vmem_shared>>)
    %dma_wait3A_177 = arith.constant 0 : i32
    %dma_wait3A_178 = arith.constant 0 : i32
    %dma_wait3A_179 = tpu.memref_slice %arg7[%dma_wait3A_177, %dma_wait3A_178] : memref<40x256xi32, #tpu.memory_space<vmem>> -> memref<1x256xi32, #tpu.memory_space<vmem>>
    %dma_wait3A_180 = tpu.memref_squeeze %dma_wait3A_179 : memref<1x256xi32, #tpu.memory_space<vmem>> -> memref<256xi32, #tpu.memory_space<vmem>>
    %dma_wait3A_181 = arith.constant 0 : i32
    %dma_wait3A_182 = tpu.memref_slice %arg10[%dma_wait3A_181] : memref<10240xf32, #tpu.memory_space<vmem_shared>> -> memref<10240xf32, #tpu.memory_space<vmem_shared>>
    tpu.wait_indirect_dma semaphore(%arg11 : memref<!tpu.dma_semaphore, #tpu.memory_space<semaphore_mem>>) src(%arg8 : memref<256xf32, #tpu.memory_space<vmem>>) dst(%dma_wait3A_182 : memref<10240xf32, #tpu.memory_space<vmem_shared>>)
    %dma_wait3A_183 = arith.constant 0 : i32
    %dma_wait3A_184 = arith.constant 0 : i32
    %dma_wait3A_185 = tpu.memref_slice %arg6[%dma_wait3A_183, %dma_wait3A_184] : memref<40x256xi32, #tpu.memory_space<vmem>> -> memref<1x256xi32, #tpu.memory_space<vmem>>
    %dma_wait3A_186 = tpu.memref_squeeze %dma_wait3A_185 : memref<1x256xi32, #tpu.memory_space<vmem>> -> memref<256xi32, #tpu.memory_space<vmem>>
    %dma_wait3A_187 = arith.constant 0 : i32
    %dma_wait3A_188 = tpu.memref_slice %arg9[%dma_wait3A_187] : memref<10240xf32, #tpu.memory_space<vmem_shared>> -> memref<10240xf32, #tpu.memory_space<vmem_shared>>
    tpu.wait_indirect_dma semaphore(%arg11 : memref<!tpu.dma_semaphore, #tpu.memory_space<semaphore_mem>>) src(%arg8 : memref<256xf32, #tpu.memory_space<vmem>>) dst(%dma_wait3A_188 : memref<10240xf32, #tpu.memory_space<vmem_shared>>)
    %dma_wait3A_189 = arith.constant 0 : i32
    %dma_wait3A_190 = arith.constant 0 : i32
    %dma_wait3A_191 = tpu.memref_slice %arg7[%dma_wait3A_189, %dma_wait3A_190] : memref<40x256xi32, #tpu.memory_space<vmem>> -> memref<1x256xi32, #tpu.memory_space<vmem>>
    %dma_wait3A_192 = tpu.memref_squeeze %dma_wait3A_191 : memref<1x256xi32, #tpu.memory_space<vmem>> -> memref<256xi32, #tpu.memory_space<vmem>>
    %dma_wait3A_193 = arith.constant 0 : i32
    %dma_wait3A_194 = tpu.memref_slice %arg10[%dma_wait3A_193] : memref<10240xf32, #tpu.memory_space<vmem_shared>> -> memref<10240xf32, #tpu.memory_space<vmem_shared>>
    tpu.wait_indirect_dma semaphore(%arg11 : memref<!tpu.dma_semaphore, #tpu.memory_space<semaphore_mem>>) src(%arg8 : memref<256xf32, #tpu.memory_space<vmem>>) dst(%dma_wait3A_194 : memref<10240xf32, #tpu.memory_space<vmem_shared>>)
    %dma_wait3A_195 = arith.constant 0 : i32
    %dma_wait3A_196 = arith.constant 0 : i32
    %dma_wait3A_197 = tpu.memref_slice %arg6[%dma_wait3A_195, %dma_wait3A_196] : memref<40x256xi32, #tpu.memory_space<vmem>> -> memref<1x256xi32, #tpu.memory_space<vmem>>
    %dma_wait3A_198 = tpu.memref_squeeze %dma_wait3A_197 : memref<1x256xi32, #tpu.memory_space<vmem>> -> memref<256xi32, #tpu.memory_space<vmem>>
    %dma_wait3A_199 = arith.constant 0 : i32
    %dma_wait3A_200 = tpu.memref_slice %arg9[%dma_wait3A_199] : memref<10240xf32, #tpu.memory_space<vmem_shared>> -> memref<10240xf32, #tpu.memory_space<vmem_shared>>
    tpu.wait_indirect_dma semaphore(%arg11 : memref<!tpu.dma_semaphore, #tpu.memory_space<semaphore_mem>>) src(%arg8 : memref<256xf32, #tpu.memory_space<vmem>>) dst(%dma_wait3A_200 : memref<10240xf32, #tpu.memory_space<vmem_shared>>)
    %dma_wait3A_201 = arith.constant 0 : i32
    %dma_wait3A_202 = arith.constant 0 : i32
    %dma_wait3A_203 = tpu.memref_slice %arg7[%dma_wait3A_201, %dma_wait3A_202] : memref<40x256xi32, #tpu.memory_space<vmem>> -> memref<1x256xi32, #tpu.memory_space<vmem>>
    %dma_wait3A_204 = tpu.memref_squeeze %dma_wait3A_203 : memref<1x256xi32, #tpu.memory_space<vmem>> -> memref<256xi32, #tpu.memory_space<vmem>>
    %dma_wait3A_205 = arith.constant 0 : i32
    %dma_wait3A_206 = tpu.memref_slice %arg10[%dma_wait3A_205] : memref<10240xf32, #tpu.memory_space<vmem_shared>> -> memref<10240xf32, #tpu.memory_space<vmem_shared>>
    tpu.wait_indirect_dma semaphore(%arg11 : memref<!tpu.dma_semaphore, #tpu.memory_space<semaphore_mem>>) src(%arg8 : memref<256xf32, #tpu.memory_space<vmem>>) dst(%dma_wait3A_206 : memref<10240xf32, #tpu.memory_space<vmem_shared>>)
    %barrier3A_207 = arith.constant 0 : index
    tpu.barrier barrier_id(%barrier3A_207)
    %mul3A_208 = arith.constant 640 : i32
    %mul3A_209 = arith.muli %arg1, %mul3A_208 : i32
    %mul3A_210 = arith.constant 640 : i32
    %mul3A_211 = arith.muli %arg1, %mul3A_210 : i32
    %run_scoped3A = arith.constant 0 : i32
    "tpu.region"() ({
      %run_scoped3A_217 = tpu.sem_alloc : memref<!tpu.dma_semaphore, #tpu.memory_space<semaphore_mem>>
      %dma_start3A = tpu.memref_slice %arg5[%arg0, %run_scoped3A, %mul3A_211] : memref<2x2x10240xf32, #tpu.memory_space<hbm>> -> memref<1x1x640xf32, #tpu.memory_space<hbm>>
      %dma_start3A_218 = tpu.memref_squeeze %dma_start3A : memref<1x1x640xf32, #tpu.memory_space<hbm>> -> memref<640xf32, #tpu.memory_space<hbm>>
      %dma_start3A_219 = tpu.memref_slice %arg9[%mul3A_209] : memref<10240xf32, #tpu.memory_space<vmem_shared>> -> memref<640xf32, #tpu.memory_space<vmem_shared>>
      tpu.enqueue_dma source(%dma_start3A_219 : memref<640xf32, #tpu.memory_space<vmem_shared>>) target(%dma_start3A_218 : memref<640xf32, #tpu.memory_space<hbm>>) target_semaphore(%run_scoped3A_217 : memref<!tpu.dma_semaphore, #tpu.memory_space<semaphore_mem>>)
      %dma_wait3A_220 = tpu.memref_slice %arg5[%arg0, %run_scoped3A, %mul3A_211] : memref<2x2x10240xf32, #tpu.memory_space<hbm>> -> memref<1x1x640xf32, #tpu.memory_space<hbm>>
      %dma_wait3A_221 = tpu.memref_squeeze %dma_wait3A_220 : memref<1x1x640xf32, #tpu.memory_space<hbm>> -> memref<640xf32, #tpu.memory_space<hbm>>
      %dma_wait3A_222 = tpu.memref_slice %arg9[%mul3A_209] : memref<10240xf32, #tpu.memory_space<vmem_shared>> -> memref<640xf32, #tpu.memory_space<vmem_shared>>
      tpu.wait_dma2 semaphore(%run_scoped3A_217 : memref<!tpu.dma_semaphore, #tpu.memory_space<semaphore_mem>>) src(%dma_wait3A_222 : memref<640xf32, #tpu.memory_space<vmem_shared>>) dst(%dma_wait3A_221 : memref<640xf32, #tpu.memory_space<hbm>>)
      tpu.yield
    }) : () -> ()
    %mul3A_212 = arith.constant 640 : i32
    %mul3A_213 = arith.muli %arg1, %mul3A_212 : i32
    %mul3A_214 = arith.constant 640 : i32
    %mul3A_215 = arith.muli %arg1, %mul3A_214 : i32
    %run_scoped3A_216 = arith.constant 1 : i32
    "tpu.region"() ({
      %run_scoped3A_217 = tpu.sem_alloc : memref<!tpu.dma_semaphore, #tpu.memory_space<semaphore_mem>>
      %dma_start3A = tpu.memref_slice %arg5[%arg0, %run_scoped3A_216, %mul3A_215] : memref<2x2x10240xf32, #tpu.memory_space<hbm>> -> memref<1x1x640xf32, #tpu.memory_space<hbm>>
      %dma_start3A_218 = tpu.memref_squeeze %dma_start3A : memref<1x1x640xf32, #tpu.memory_space<hbm>> -> memref<640xf32, #tpu.memory_space<hbm>>
      %dma_start3A_219 = tpu.memref_slice %arg10[%mul3A_213] : memref<10240xf32, #tpu.memory_space<vmem_shared>> -> memref<640xf32, #tpu.memory_space<vmem_shared>>
      tpu.enqueue_dma source(%dma_start3A_219 : memref<640xf32, #tpu.memory_space<vmem_shared>>) target(%dma_start3A_218 : memref<640xf32, #tpu.memory_space<hbm>>) target_semaphore(%run_scoped3A_217 : memref<!tpu.dma_semaphore, #tpu.memory_space<semaphore_mem>>)
      %dma_wait3A_220 = tpu.memref_slice %arg5[%arg0, %run_scoped3A_216, %mul3A_215] : memref<2x2x10240xf32, #tpu.memory_space<hbm>> -> memref<1x1x640xf32, #tpu.memory_space<hbm>>
      %dma_wait3A_221 = tpu.memref_squeeze %dma_wait3A_220 : memref<1x1x640xf32, #tpu.memory_space<hbm>> -> memref<640xf32, #tpu.memory_space<hbm>>
      %dma_wait3A_222 = tpu.memref_slice %arg10[%mul3A_213] : memref<10240xf32, #tpu.memory_space<vmem_shared>> -> memref<640xf32, #tpu.memory_space<vmem_shared>>
      tpu.wait_dma2 semaphore(%run_scoped3A_217 : memref<!tpu.dma_semaphore, #tpu.memory_space<semaphore_mem>>) src(%dma_wait3A_222 : memref<640xf32, #tpu.memory_space<vmem_shared>>) dst(%dma_wait3A_221 : memref<640xf32, #tpu.memory_space<hbm>>)
      tpu.yield
    }) : () -> ()
    return
  }
}

#map = affine_map<(d0, d1) -> (0, 0)>
#map1 = affine_map<(d0, d1) -> (0, 0, 0)>
module attributes {stable_mosaic.version = 14 : i64} {
  func.func @_sc_edge_agg(%arg0: i32, %arg1: i32, %arg2: memref<10240x16xf32, #tpu.memory_space<hbm>>, %arg3: memref<1280x256xi32, #tpu.memory_space<hbm>>, %arg4: memref<1280x256xi32, #tpu.memory_space<hbm>>, %arg5: memref<10240x16xf32, #tpu.memory_space<hbm>>, %arg6: memref<2x10240x16xf32, #tpu.memory_space<hbm>>, %arg7: memref<40x256xi32, #tpu.memory_space<vmem>>, %arg8: memref<40x256xi32, #tpu.memory_space<vmem>>, %arg9: memref<8x256x16xf32, #tpu.memory_space<vmem>>, %arg10: memref<10240x16xf32, #tpu.memory_space<vmem_shared>>, %arg11: memref<!tpu.dma_semaphore, #tpu.memory_space<semaphore_mem>>, %arg12: memref<!tpu.dma_semaphore, #tpu.memory_space<semaphore_mem>>) attributes {dimension_semantics = [#tpu.dimension_semantics<core_parallel>, #tpu.dimension_semantics<subcore_parallel>], iteration_bounds = array<i64: 2, 16>, scalar_prefetch = 0 : i64, scratch_operands = 6 : i64, tpu.core_type = #tpu.core_type<sc_vector_subcore>, window_params = [{transform_indices = #map}, {transform_indices = #map}, {transform_indices = #map}, {transform_indices = #map}, {transform_indices = #map1}]} {
    %mul3A = arith.constant 2 : i32
    %mul3A_0 = arith.muli %arg1, %mul3A : i32
    %add3A = arith.addi %mul3A_0, %arg0 : i32
    %mul3A_1 = arith.constant 640 : i32
    %mul3A_2 = arith.muli %arg1, %mul3A_1 : i32
    %mul3A_3 = arith.constant 640 : i32
    %mul3A_4 = arith.muli %arg1, %mul3A_3 : i32
    "tpu.region"() ({
      %run_scoped3A = tpu.sem_alloc : memref<!tpu.dma_semaphore, #tpu.memory_space<semaphore_mem>>
      %dma_start3A_209 = arith.constant 0 : i32
      %dma_start3A_210 = tpu.memref_slice %arg10[%mul3A_4, %dma_start3A_209] : memref<10240x16xf32, #tpu.memory_space<vmem_shared>> -> memref<640x16xf32, #tpu.memory_space<vmem_shared>>
      %dma_start3A_211 = arith.constant 0 : i32
      %dma_start3A_212 = tpu.memref_slice %arg5[%mul3A_2, %dma_start3A_211] : memref<10240x16xf32, #tpu.memory_space<hbm>> -> memref<640x16xf32, #tpu.memory_space<hbm>>
      tpu.enqueue_dma source(%dma_start3A_212 : memref<640x16xf32, #tpu.memory_space<hbm>>) target(%dma_start3A_210 : memref<640x16xf32, #tpu.memory_space<vmem_shared>>) target_semaphore(%run_scoped3A : memref<!tpu.dma_semaphore, #tpu.memory_space<semaphore_mem>>)
      %dma_wait3A_213 = arith.constant 0 : i32
      %dma_wait3A_214 = tpu.memref_slice %arg10[%mul3A_4, %dma_wait3A_213] : memref<10240x16xf32, #tpu.memory_space<vmem_shared>> -> memref<640x16xf32, #tpu.memory_space<vmem_shared>>
      %dma_wait3A_215 = arith.constant 0 : i32
      %dma_wait3A_216 = tpu.memref_slice %arg5[%mul3A_2, %dma_wait3A_215] : memref<10240x16xf32, #tpu.memory_space<hbm>> -> memref<640x16xf32, #tpu.memory_space<hbm>>
      tpu.wait_dma2 semaphore(%run_scoped3A : memref<!tpu.dma_semaphore, #tpu.memory_space<semaphore_mem>>) src(%dma_wait3A_216 : memref<640x16xf32, #tpu.memory_space<hbm>>) dst(%dma_wait3A_214 : memref<640x16xf32, #tpu.memory_space<vmem_shared>>)
      tpu.yield
    }) : () -> ()
    %barrier3A = arith.constant 0 : index
    tpu.barrier barrier_id(%barrier3A)
    %mul3A_5 = arith.constant 40 : i32
    %mul3A_6 = arith.muli %add3A, %mul3A_5 : i32
    "tpu.region"() ({
      %run_scoped3A = tpu.sem_alloc : memref<!tpu.dma_semaphore, #tpu.memory_space<semaphore_mem>>
      %dma_start3A_209 = arith.constant 0 : i32
      %dma_start3A_210 = tpu.memref_slice %arg3[%mul3A_6, %dma_start3A_209] : memref<1280x256xi32, #tpu.memory_space<hbm>> -> memref<40x256xi32, #tpu.memory_space<hbm>>
      %dma_start3A_211 = arith.constant 0 : i32
      %dma_start3A_212 = tpu.memref_slice %arg3[%mul3A_6, %dma_start3A_211] : memref<1280x256xi32, #tpu.memory_space<hbm>> -> memref<40x256xi32, #tpu.memory_space<hbm>>
      tpu.enqueue_dma source(%dma_start3A_212 : memref<40x256xi32, #tpu.memory_space<hbm>>) target(%arg7 : memref<40x256xi32, #tpu.memory_space<vmem>>) target_semaphore(%run_scoped3A : memref<!tpu.dma_semaphore, #tpu.memory_space<semaphore_mem>>)
      %dma_wait3A_213 = arith.constant 0 : i32
      %dma_wait3A_214 = tpu.memref_slice %arg3[%mul3A_6, %dma_wait3A_213] : memref<1280x256xi32, #tpu.memory_space<hbm>> -> memref<40x256xi32, #tpu.memory_space<hbm>>
      %dma_wait3A_215 = arith.constant 0 : i32
      %dma_wait3A_216 = tpu.memref_slice %arg3[%mul3A_6, %dma_wait3A_215] : memref<1280x256xi32, #tpu.memory_space<hbm>> -> memref<40x256xi32, #tpu.memory_space<hbm>>
      tpu.wait_dma2 semaphore(%run_scoped3A : memref<!tpu.dma_semaphore, #tpu.memory_space<semaphore_mem>>) src(%dma_wait3A_216 : memref<40x256xi32, #tpu.memory_space<hbm>>) dst(%arg7 : memref<40x256xi32, #tpu.memory_space<vmem>>)
      tpu.yield
    }) : () -> ()
    %mul3A_7 = arith.constant 40 : i32
    %mul3A_8 = arith.muli %add3A, %mul3A_7 : i32
    "tpu.region"() ({
      %run_scoped3A = tpu.sem_alloc : memref<!tpu.dma_semaphore, #tpu.memory_space<semaphore_mem>>
      %dma_start3A_209 = arith.constant 0 : i32
      %dma_start3A_210 = tpu.memref_slice %arg4[%mul3A_8, %dma_start3A_209] : memref<1280x256xi32, #tpu.memory_space<hbm>> -> memref<40x256xi32, #tpu.memory_space<hbm>>
      %dma_start3A_211 = arith.constant 0 : i32
      %dma_start3A_212 = tpu.memref_slice %arg4[%mul3A_8, %dma_start3A_211] : memref<1280x256xi32, #tpu.memory_space<hbm>> -> memref<40x256xi32, #tpu.memory_space<hbm>>
      tpu.enqueue_dma source(%dma_start3A_212 : memref<40x256xi32, #tpu.memory_space<hbm>>) target(%arg8 : memref<40x256xi32, #tpu.memory_space<vmem>>) target_semaphore(%run_scoped3A : memref<!tpu.dma_semaphore, #tpu.memory_space<semaphore_mem>>)
      %dma_wait3A_213 = arith.constant 0 : i32
      %dma_wait3A_214 = tpu.memref_slice %arg4[%mul3A_8, %dma_wait3A_213] : memref<1280x256xi32, #tpu.memory_space<hbm>> -> memref<40x256xi32, #tpu.memory_space<hbm>>
      %dma_wait3A_215 = arith.constant 0 : i32
      %dma_wait3A_216 = tpu.memref_slice %arg4[%mul3A_8, %dma_wait3A_215] : memref<1280x256xi32, #tpu.memory_space<hbm>> -> memref<40x256xi32, #tpu.memory_space<hbm>>
      tpu.wait_dma2 semaphore(%run_scoped3A : memref<!tpu.dma_semaphore, #tpu.memory_space<semaphore_mem>>) src(%dma_wait3A_216 : memref<40x256xi32, #tpu.memory_space<hbm>>) dst(%arg8 : memref<40x256xi32, #tpu.memory_space<vmem>>)
      tpu.yield
    }) : () -> ()
    %dma_start3A = arith.constant 0 : i32
    %dma_start3A_9 = arith.constant 0 : i32
    %dma_start3A_10 = arith.constant 0 : i32
    %dma_start3A_11 = arith.constant 0 : i32
    %dma_start3A_12 = tpu.memref_slice %arg9[%dma_start3A_9, %dma_start3A_10, %dma_start3A_11] : memref<8x256x16xf32, #tpu.memory_space<vmem>> -> memref<1x256x16xf32, #tpu.memory_space<vmem>>
    %dma_start3A_13 = tpu.memref_squeeze %dma_start3A_12 : memref<1x256x16xf32, #tpu.memory_space<vmem>> -> memref<256x16xf32, #tpu.memory_space<vmem>>
    %dma_start3A_14 = arith.constant 0 : i32
    %dma_start3A_15 = tpu.memref_slice %arg7[%dma_start3A, %dma_start3A_14] : memref<40x256xi32, #tpu.memory_space<vmem>> -> memref<1x256xi32, #tpu.memory_space<vmem>>
    %dma_start3A_16 = tpu.memref_squeeze %dma_start3A_15 : memref<1x256xi32, #tpu.memory_space<vmem>> -> memref<256xi32, #tpu.memory_space<vmem>>
    %dma_start3A_17 = arith.constant 0 : i32
    %dma_start3A_18 = arith.constant 0 : i32
    %dma_start3A_19 = tpu.memref_slice %arg2[%dma_start3A_17, %dma_start3A_18] : memref<10240x16xf32, #tpu.memory_space<hbm>> -> memref<10240x16xf32, #tpu.memory_space<hbm>>
    tpu.enqueue_indirect_dma source(%dma_start3A_19 : memref<10240x16xf32, #tpu.memory_space<hbm>>) target(%dma_start3A_13 : memref<256x16xf32, #tpu.memory_space<vmem>>) offsets(%dma_start3A_16 : memref<256xi32, #tpu.memory_space<vmem>>) semaphore(%arg11 : memref<!tpu.dma_semaphore, #tpu.memory_space<semaphore_mem>>)
    %dma_start3A_20 = arith.constant 1 : i32
    %dma_start3A_21 = arith.constant 1 : i32
    %dma_start3A_22 = arith.constant 0 : i32
    %dma_start3A_23 = arith.constant 0 : i32
    %dma_start3A_24 = tpu.memref_slice %arg9[%dma_start3A_21, %dma_start3A_22, %dma_start3A_23] : memref<8x256x16xf32, #tpu.memory_space<vmem>> -> memref<1x256x16xf32, #tpu.memory_space<vmem>>
    %dma_start3A_25 = tpu.memref_squeeze %dma_start3A_24 : memref<1x256x16xf32, #tpu.memory_space<vmem>> -> memref<256x16xf32, #tpu.memory_space<vmem>>
    %dma_start3A_26 = arith.constant 0 : i32
    %dma_start3A_27 = tpu.memref_slice %arg7[%dma_start3A_20, %dma_start3A_26] : memref<40x256xi32, #tpu.memory_space<vmem>> -> memref<1x256xi32, #tpu.memory_space<vmem>>
    %dma_start3A_28 = tpu.memref_squeeze %dma_start3A_27 : memref<1x256xi32, #tpu.memory_space<vmem>> -> memref<256xi32, #tpu.memory_space<vmem>>
    %dma_start3A_29 = arith.constant 0 : i32
    %dma_start3A_30 = arith.constant 0 : i32
    %dma_start3A_31 = tpu.memref_slice %arg2[%dma_start3A_29, %dma_start3A_30] : memref<10240x16xf32, #tpu.memory_space<hbm>> -> memref<10240x16xf32, #tpu.memory_space<hbm>>
    tpu.enqueue_indirect_dma source(%dma_start3A_31 : memref<10240x16xf32, #tpu.memory_space<hbm>>) target(%dma_start3A_25 : memref<256x16xf32, #tpu.memory_space<vmem>>) offsets(%dma_start3A_28 : memref<256xi32, #tpu.memory_space<vmem>>) semaphore(%arg11 : memref<!tpu.dma_semaphore, #tpu.memory_space<semaphore_mem>>)
    %dma_start3A_32 = arith.constant 2 : i32
    %dma_start3A_33 = arith.constant 2 : i32
    %dma_start3A_34 = arith.constant 0 : i32
    %dma_start3A_35 = arith.constant 0 : i32
    %dma_start3A_36 = tpu.memref_slice %arg9[%dma_start3A_33, %dma_start3A_34, %dma_start3A_35] : memref<8x256x16xf32, #tpu.memory_space<vmem>> -> memref<1x256x16xf32, #tpu.memory_space<vmem>>
    %dma_start3A_37 = tpu.memref_squeeze %dma_start3A_36 : memref<1x256x16xf32, #tpu.memory_space<vmem>> -> memref<256x16xf32, #tpu.memory_space<vmem>>
    %dma_start3A_38 = arith.constant 0 : i32
    %dma_start3A_39 = tpu.memref_slice %arg7[%dma_start3A_32, %dma_start3A_38] : memref<40x256xi32, #tpu.memory_space<vmem>> -> memref<1x256xi32, #tpu.memory_space<vmem>>
    %dma_start3A_40 = tpu.memref_squeeze %dma_start3A_39 : memref<1x256xi32, #tpu.memory_space<vmem>> -> memref<256xi32, #tpu.memory_space<vmem>>
    %dma_start3A_41 = arith.constant 0 : i32
    %dma_start3A_42 = arith.constant 0 : i32
    %dma_start3A_43 = tpu.memref_slice %arg2[%dma_start3A_41, %dma_start3A_42] : memref<10240x16xf32, #tpu.memory_space<hbm>> -> memref<10240x16xf32, #tpu.memory_space<hbm>>
    tpu.enqueue_indirect_dma source(%dma_start3A_43 : memref<10240x16xf32, #tpu.memory_space<hbm>>) target(%dma_start3A_37 : memref<256x16xf32, #tpu.memory_space<vmem>>) offsets(%dma_start3A_40 : memref<256xi32, #tpu.memory_space<vmem>>) semaphore(%arg11 : memref<!tpu.dma_semaphore, #tpu.memory_space<semaphore_mem>>)
    %dma_start3A_44 = arith.constant 3 : i32
    %dma_start3A_45 = arith.constant 3 : i32
    %dma_start3A_46 = arith.constant 0 : i32
    %dma_start3A_47 = arith.constant 0 : i32
    %dma_start3A_48 = tpu.memref_slice %arg9[%dma_start3A_45, %dma_start3A_46, %dma_start3A_47] : memref<8x256x16xf32, #tpu.memory_space<vmem>> -> memref<1x256x16xf32, #tpu.memory_space<vmem>>
    %dma_start3A_49 = tpu.memref_squeeze %dma_start3A_48 : memref<1x256x16xf32, #tpu.memory_space<vmem>> -> memref<256x16xf32, #tpu.memory_space<vmem>>
    %dma_start3A_50 = arith.constant 0 : i32
    %dma_start3A_51 = tpu.memref_slice %arg7[%dma_start3A_44, %dma_start3A_50] : memref<40x256xi32, #tpu.memory_space<vmem>> -> memref<1x256xi32, #tpu.memory_space<vmem>>
    %dma_start3A_52 = tpu.memref_squeeze %dma_start3A_51 : memref<1x256xi32, #tpu.memory_space<vmem>> -> memref<256xi32, #tpu.memory_space<vmem>>
    %dma_start3A_53 = arith.constant 0 : i32
    %dma_start3A_54 = arith.constant 0 : i32
    %dma_start3A_55 = tpu.memref_slice %arg2[%dma_start3A_53, %dma_start3A_54] : memref<10240x16xf32, #tpu.memory_space<hbm>> -> memref<10240x16xf32, #tpu.memory_space<hbm>>
    tpu.enqueue_indirect_dma source(%dma_start3A_55 : memref<10240x16xf32, #tpu.memory_space<hbm>>) target(%dma_start3A_49 : memref<256x16xf32, #tpu.memory_space<vmem>>) offsets(%dma_start3A_52 : memref<256xi32, #tpu.memory_space<vmem>>) semaphore(%arg11 : memref<!tpu.dma_semaphore, #tpu.memory_space<semaphore_mem>>)
    %dma_start3A_56 = arith.constant 4 : i32
    %dma_start3A_57 = arith.constant 4 : i32
    %dma_start3A_58 = arith.constant 0 : i32
    %dma_start3A_59 = arith.constant 0 : i32
    %dma_start3A_60 = tpu.memref_slice %arg9[%dma_start3A_57, %dma_start3A_58, %dma_start3A_59] : memref<8x256x16xf32, #tpu.memory_space<vmem>> -> memref<1x256x16xf32, #tpu.memory_space<vmem>>
    %dma_start3A_61 = tpu.memref_squeeze %dma_start3A_60 : memref<1x256x16xf32, #tpu.memory_space<vmem>> -> memref<256x16xf32, #tpu.memory_space<vmem>>
    %dma_start3A_62 = arith.constant 0 : i32
    %dma_start3A_63 = tpu.memref_slice %arg7[%dma_start3A_56, %dma_start3A_62] : memref<40x256xi32, #tpu.memory_space<vmem>> -> memref<1x256xi32, #tpu.memory_space<vmem>>
    %dma_start3A_64 = tpu.memref_squeeze %dma_start3A_63 : memref<1x256xi32, #tpu.memory_space<vmem>> -> memref<256xi32, #tpu.memory_space<vmem>>
    %dma_start3A_65 = arith.constant 0 : i32
    %dma_start3A_66 = arith.constant 0 : i32
    %dma_start3A_67 = tpu.memref_slice %arg2[%dma_start3A_65, %dma_start3A_66] : memref<10240x16xf32, #tpu.memory_space<hbm>> -> memref<10240x16xf32, #tpu.memory_space<hbm>>
    tpu.enqueue_indirect_dma source(%dma_start3A_67 : memref<10240x16xf32, #tpu.memory_space<hbm>>) target(%dma_start3A_61 : memref<256x16xf32, #tpu.memory_space<vmem>>) offsets(%dma_start3A_64 : memref<256xi32, #tpu.memory_space<vmem>>) semaphore(%arg11 : memref<!tpu.dma_semaphore, #tpu.memory_space<semaphore_mem>>)
    %dma_start3A_68 = arith.constant 5 : i32
    %dma_start3A_69 = arith.constant 5 : i32
    %dma_start3A_70 = arith.constant 0 : i32
    %dma_start3A_71 = arith.constant 0 : i32
    %dma_start3A_72 = tpu.memref_slice %arg9[%dma_start3A_69, %dma_start3A_70, %dma_start3A_71] : memref<8x256x16xf32, #tpu.memory_space<vmem>> -> memref<1x256x16xf32, #tpu.memory_space<vmem>>
    %dma_start3A_73 = tpu.memref_squeeze %dma_start3A_72 : memref<1x256x16xf32, #tpu.memory_space<vmem>> -> memref<256x16xf32, #tpu.memory_space<vmem>>
    %dma_start3A_74 = arith.constant 0 : i32
    %dma_start3A_75 = tpu.memref_slice %arg7[%dma_start3A_68, %dma_start3A_74] : memref<40x256xi32, #tpu.memory_space<vmem>> -> memref<1x256xi32, #tpu.memory_space<vmem>>
    %dma_start3A_76 = tpu.memref_squeeze %dma_start3A_75 : memref<1x256xi32, #tpu.memory_space<vmem>> -> memref<256xi32, #tpu.memory_space<vmem>>
    %dma_start3A_77 = arith.constant 0 : i32
    %dma_start3A_78 = arith.constant 0 : i32
    %dma_start3A_79 = tpu.memref_slice %arg2[%dma_start3A_77, %dma_start3A_78] : memref<10240x16xf32, #tpu.memory_space<hbm>> -> memref<10240x16xf32, #tpu.memory_space<hbm>>
    tpu.enqueue_indirect_dma source(%dma_start3A_79 : memref<10240x16xf32, #tpu.memory_space<hbm>>) target(%dma_start3A_73 : memref<256x16xf32, #tpu.memory_space<vmem>>) offsets(%dma_start3A_76 : memref<256xi32, #tpu.memory_space<vmem>>) semaphore(%arg11 : memref<!tpu.dma_semaphore, #tpu.memory_space<semaphore_mem>>)
    %dma_start3A_80 = arith.constant 6 : i32
    %dma_start3A_81 = arith.constant 6 : i32
    %dma_start3A_82 = arith.constant 0 : i32
    %dma_start3A_83 = arith.constant 0 : i32
    %dma_start3A_84 = tpu.memref_slice %arg9[%dma_start3A_81, %dma_start3A_82, %dma_start3A_83] : memref<8x256x16xf32, #tpu.memory_space<vmem>> -> memref<1x256x16xf32, #tpu.memory_space<vmem>>
    %dma_start3A_85 = tpu.memref_squeeze %dma_start3A_84 : memref<1x256x16xf32, #tpu.memory_space<vmem>> -> memref<256x16xf32, #tpu.memory_space<vmem>>
    %dma_start3A_86 = arith.constant 0 : i32
    %dma_start3A_87 = tpu.memref_slice %arg7[%dma_start3A_80, %dma_start3A_86] : memref<40x256xi32, #tpu.memory_space<vmem>> -> memref<1x256xi32, #tpu.memory_space<vmem>>
    %dma_start3A_88 = tpu.memref_squeeze %dma_start3A_87 : memref<1x256xi32, #tpu.memory_space<vmem>> -> memref<256xi32, #tpu.memory_space<vmem>>
    %dma_start3A_89 = arith.constant 0 : i32
    %dma_start3A_90 = arith.constant 0 : i32
    %dma_start3A_91 = tpu.memref_slice %arg2[%dma_start3A_89, %dma_start3A_90] : memref<10240x16xf32, #tpu.memory_space<hbm>> -> memref<10240x16xf32, #tpu.memory_space<hbm>>
    tpu.enqueue_indirect_dma source(%dma_start3A_91 : memref<10240x16xf32, #tpu.memory_space<hbm>>) target(%dma_start3A_85 : memref<256x16xf32, #tpu.memory_space<vmem>>) offsets(%dma_start3A_88 : memref<256xi32, #tpu.memory_space<vmem>>) semaphore(%arg11 : memref<!tpu.dma_semaphore, #tpu.memory_space<semaphore_mem>>)
    %dma_start3A_92 = arith.constant 7 : i32
    %dma_start3A_93 = arith.constant 7 : i32
    %dma_start3A_94 = arith.constant 0 : i32
    %dma_start3A_95 = arith.constant 0 : i32
    %dma_start3A_96 = tpu.memref_slice %arg9[%dma_start3A_93, %dma_start3A_94, %dma_start3A_95] : memref<8x256x16xf32, #tpu.memory_space<vmem>> -> memref<1x256x16xf32, #tpu.memory_space<vmem>>
    %dma_start3A_97 = tpu.memref_squeeze %dma_start3A_96 : memref<1x256x16xf32, #tpu.memory_space<vmem>> -> memref<256x16xf32, #tpu.memory_space<vmem>>
    %dma_start3A_98 = arith.constant 0 : i32
    %dma_start3A_99 = tpu.memref_slice %arg7[%dma_start3A_92, %dma_start3A_98] : memref<40x256xi32, #tpu.memory_space<vmem>> -> memref<1x256xi32, #tpu.memory_space<vmem>>
    %dma_start3A_100 = tpu.memref_squeeze %dma_start3A_99 : memref<1x256xi32, #tpu.memory_space<vmem>> -> memref<256xi32, #tpu.memory_space<vmem>>
    %dma_start3A_101 = arith.constant 0 : i32
    %dma_start3A_102 = arith.constant 0 : i32
    %dma_start3A_103 = tpu.memref_slice %arg2[%dma_start3A_101, %dma_start3A_102] : memref<10240x16xf32, #tpu.memory_space<hbm>> -> memref<10240x16xf32, #tpu.memory_space<hbm>>
    tpu.enqueue_indirect_dma source(%dma_start3A_103 : memref<10240x16xf32, #tpu.memory_space<hbm>>) target(%dma_start3A_97 : memref<256x16xf32, #tpu.memory_space<vmem>>) offsets(%dma_start3A_100 : memref<256xi32, #tpu.memory_space<vmem>>) semaphore(%arg11 : memref<!tpu.dma_semaphore, #tpu.memory_space<semaphore_mem>>)
    %scan3A = arith.constant 0 : i32
    %scan3A_104 = arith.constant 0 : i32
    %scan3A_105 = arith.constant 40 : i32
    %scan3A_106 = arith.addi %scan3A_104, %scan3A_105 : i32
    %scan3A_107 = arith.constant 1 : i32
    scf.for %scan3A_209 = %scan3A_104 to %scan3A_106 step %scan3A_107  : i32 {
      %rem3A = arith.constant 8 : i32
      %rem3A_210 = arith.remsi %scan3A_209, %rem3A : i32
      %ge3A = arith.constant 1 : i32
      %ge3A_211 = arith.cmpi sge, %scan3A_209, %ge3A : i32
      %add3A_212 = arith.constant 8 : i32
      %add3A_213 = arith.addi %scan3A_209, %add3A_212 : i32
      %sub3A = arith.constant 1 : i32
      %sub3A_214 = arith.subi %add3A_213, %sub3A : i32
      %lt3A = arith.constant 40 : i32
      %lt3A_215 = arith.cmpi slt, %sub3A_214, %lt3A : i32
      %and3A = arith.andi %ge3A_211, %lt3A_215 : i1
      %convert_element_type3A = arith.extui %and3A : i1 to i32
      %cond3A = arith.constant 0 : i32
      %cond3A_216 = arith.cmpi ne, %convert_element_type3A, %cond3A : i32
      scf.if %cond3A_216 {
        %dma_wait3A_237 = arith.constant 0 : i32
        %dma_wait3A_238 = arith.constant 0 : i32
        %dma_wait3A_239 = arith.constant 0 : i32
        %dma_wait3A_240 = arith.constant 0 : i32
        %dma_wait3A_241 = tpu.memref_slice %arg9[%dma_wait3A_237, %dma_wait3A_239, %dma_wait3A_240] : memref<8x256x16xf32, #tpu.memory_space<vmem>> -> memref<1x256x16xf32, #tpu.memory_space<vmem>>
        %dma_wait3A_242 = tpu.memref_squeeze %dma_wait3A_241 : memref<1x256x16xf32, #tpu.memory_space<vmem>> -> memref<256x16xf32, #tpu.memory_space<vmem>>
        %dma_wait3A_243 = arith.constant 0 : i32
        %dma_wait3A_244 = tpu.memref_slice %arg8[%dma_wait3A_238, %dma_wait3A_243] : memref<40x256xi32, #tpu.memory_space<vmem>> -> memref<1x256xi32, #tpu.memory_space<vmem>>
        %dma_wait3A_245 = tpu.memref_squeeze %dma_wait3A_244 : memref<1x256xi32, #tpu.memory_space<vmem>> -> memref<256xi32, #tpu.memory_space<vmem>>
        %dma_wait3A_246 = arith.constant 0 : i32
        %dma_wait3A_247 = arith.constant 0 : i32
        %dma_wait3A_248 = tpu.memref_slice %arg10[%dma_wait3A_246, %dma_wait3A_247] : memref<10240x16xf32, #tpu.memory_space<vmem_shared>> -> memref<10240x16xf32, #tpu.memory_space<vmem_shared>>
        tpu.wait_indirect_dma semaphore(%arg12 : memref<!tpu.dma_semaphore, #tpu.memory_space<semaphore_mem>>) src(%dma_wait3A_242 : memref<256x16xf32, #tpu.memory_space<vmem>>) dst(%dma_wait3A_248 : memref<10240x16xf32, #tpu.memory_space<vmem_shared>>)
        %add3A_249 = arith.constant 8 : i32
        %add3A_250 = arith.addi %scan3A_209, %add3A_249 : i32
        %sub3A_251 = arith.constant 1 : i32
        %sub3A_252 = arith.subi %add3A_250, %sub3A_251 : i32
        %add3A_253 = arith.constant 8 : i32
        %add3A_254 = arith.addi %scan3A_209, %add3A_253 : i32
        %sub3A_255 = arith.constant 1 : i32
        %sub3A_256 = arith.subi %add3A_254, %sub3A_255 : i32
        %rem3A_257 = arith.constant 8 : i32
        %rem3A_258 = arith.remsi %sub3A_256, %rem3A_257 : i32
        %dma_start3A_259 = arith.constant 0 : i32
        %dma_start3A_260 = arith.constant 0 : i32
        %dma_start3A_261 = tpu.memref_slice %arg9[%rem3A_258, %dma_start3A_259, %dma_start3A_260] : memref<8x256x16xf32, #tpu.memory_space<vmem>> -> memref<1x256x16xf32, #tpu.memory_space<vmem>>
        %dma_start3A_262 = tpu.memref_squeeze %dma_start3A_261 : memref<1x256x16xf32, #tpu.memory_space<vmem>> -> memref<256x16xf32, #tpu.memory_space<vmem>>
        %dma_start3A_263 = arith.constant 0 : i32
        %dma_start3A_264 = tpu.memref_slice %arg7[%sub3A_252, %dma_start3A_263] : memref<40x256xi32, #tpu.memory_space<vmem>> -> memref<1x256xi32, #tpu.memory_space<vmem>>
        %dma_start3A_265 = tpu.memref_squeeze %dma_start3A_264 : memref<1x256xi32, #tpu.memory_space<vmem>> -> memref<256xi32, #tpu.memory_space<vmem>>
        %dma_start3A_266 = arith.constant 0 : i32
        %dma_start3A_267 = arith.constant 0 : i32
        %dma_start3A_268 = tpu.memref_slice %arg2[%dma_start3A_266, %dma_start3A_267] : memref<10240x16xf32, #tpu.memory_space<hbm>> -> memref<10240x16xf32, #tpu.memory_space<hbm>>
        tpu.enqueue_indirect_dma source(%dma_start3A_268 : memref<10240x16xf32, #tpu.memory_space<hbm>>) target(%dma_start3A_262 : memref<256x16xf32, #tpu.memory_space<vmem>>) offsets(%dma_start3A_265 : memref<256xi32, #tpu.memory_space<vmem>>) semaphore(%arg11 : memref<!tpu.dma_semaphore, #tpu.memory_space<semaphore_mem>>)
      } else {
      }
      %dma_wait3A_217 = arith.constant 0 : i32
      %dma_wait3A_218 = arith.constant 0 : i32
      %dma_wait3A_219 = tpu.memref_slice %arg9[%rem3A_210, %dma_wait3A_217, %dma_wait3A_218] : memref<8x256x16xf32, #tpu.memory_space<vmem>> -> memref<1x256x16xf32, #tpu.memory_space<vmem>>
      %dma_wait3A_220 = tpu.memref_squeeze %dma_wait3A_219 : memref<1x256x16xf32, #tpu.memory_space<vmem>> -> memref<256x16xf32, #tpu.memory_space<vmem>>
      %dma_wait3A_221 = arith.constant 0 : i32
      %dma_wait3A_222 = tpu.memref_slice %arg7[%scan3A_209, %dma_wait3A_221] : memref<40x256xi32, #tpu.memory_space<vmem>> -> memref<1x256xi32, #tpu.memory_space<vmem>>
      %dma_wait3A_223 = tpu.memref_squeeze %dma_wait3A_222 : memref<1x256xi32, #tpu.memory_space<vmem>> -> memref<256xi32, #tpu.memory_space<vmem>>
      %dma_wait3A_224 = arith.constant 0 : i32
      %dma_wait3A_225 = arith.constant 0 : i32
      %dma_wait3A_226 = tpu.memref_slice %arg2[%dma_wait3A_224, %dma_wait3A_225] : memref<10240x16xf32, #tpu.memory_space<hbm>> -> memref<10240x16xf32, #tpu.memory_space<hbm>>
      tpu.wait_indirect_dma semaphore(%arg11 : memref<!tpu.dma_semaphore, #tpu.memory_space<semaphore_mem>>) src(%dma_wait3A_226 : memref<10240x16xf32, #tpu.memory_space<hbm>>) dst(%dma_wait3A_220 : memref<256x16xf32, #tpu.memory_space<vmem>>)
      %dma_start3A_227 = arith.constant 0 : i32
      %dma_start3A_228 = arith.constant 0 : i32
      %dma_start3A_229 = tpu.memref_slice %arg9[%rem3A_210, %dma_start3A_227, %dma_start3A_228] : memref<8x256x16xf32, #tpu.memory_space<vmem>> -> memref<1x256x16xf32, #tpu.memory_space<vmem>>
      %dma_start3A_230 = tpu.memref_squeeze %dma_start3A_229 : memref<1x256x16xf32, #tpu.memory_space<vmem>> -> memref<256x16xf32, #tpu.memory_space<vmem>>
      %dma_start3A_231 = arith.constant 0 : i32
      %dma_start3A_232 = tpu.memref_slice %arg8[%scan3A_209, %dma_start3A_231] : memref<40x256xi32, #tpu.memory_space<vmem>> -> memref<1x256xi32, #tpu.memory_space<vmem>>
      %dma_start3A_233 = tpu.memref_squeeze %dma_start3A_232 : memref<1x256xi32, #tpu.memory_space<vmem>> -> memref<256xi32, #tpu.memory_space<vmem>>
      %dma_start3A_234 = arith.constant 0 : i32
      %dma_start3A_235 = arith.constant 0 : i32
      %dma_start3A_236 = tpu.memref_slice %arg10[%dma_start3A_234, %dma_start3A_235] : memref<10240x16xf32, #tpu.memory_space<vmem_shared>> -> memref<10240x16xf32, #tpu.memory_space<vmem_shared>>
      tpu.enqueue_indirect_dma source(%dma_start3A_230 : memref<256x16xf32, #tpu.memory_space<vmem>>) target(%dma_start3A_236 : memref<10240x16xf32, #tpu.memory_space<vmem_shared>>) offsets(%dma_start3A_233 : memref<256xi32, #tpu.memory_space<vmem>>) semaphore(%arg12 : memref<!tpu.dma_semaphore, #tpu.memory_space<semaphore_mem>>) {add = true}
    }
    %scan3A_108 = arith.constant 40 : i32
    %dma_wait3A = arith.constant 0 : i32
    %dma_wait3A_109 = arith.constant 0 : i32
    %dma_wait3A_110 = arith.constant 0 : i32
    %dma_wait3A_111 = arith.constant 0 : i32
    %dma_wait3A_112 = tpu.memref_slice %arg9[%dma_wait3A, %dma_wait3A_110, %dma_wait3A_111] : memref<8x256x16xf32, #tpu.memory_space<vmem>> -> memref<1x256x16xf32, #tpu.memory_space<vmem>>
    %dma_wait3A_113 = tpu.memref_squeeze %dma_wait3A_112 : memref<1x256x16xf32, #tpu.memory_space<vmem>> -> memref<256x16xf32, #tpu.memory_space<vmem>>
    %dma_wait3A_114 = arith.constant 0 : i32
    %dma_wait3A_115 = tpu.memref_slice %arg8[%dma_wait3A_109, %dma_wait3A_114] : memref<40x256xi32, #tpu.memory_space<vmem>> -> memref<1x256xi32, #tpu.memory_space<vmem>>
    %dma_wait3A_116 = tpu.memref_squeeze %dma_wait3A_115 : memref<1x256xi32, #tpu.memory_space<vmem>> -> memref<256xi32, #tpu.memory_space<vmem>>
    %dma_wait3A_117 = arith.constant 0 : i32
    %dma_wait3A_118 = arith.constant 0 : i32
    %dma_wait3A_119 = tpu.memref_slice %arg10[%dma_wait3A_117, %dma_wait3A_118] : memref<10240x16xf32, #tpu.memory_space<vmem_shared>> -> memref<10240x16xf32, #tpu.memory_space<vmem_shared>>
    tpu.wait_indirect_dma semaphore(%arg12 : memref<!tpu.dma_semaphore, #tpu.memory_space<semaphore_mem>>) src(%dma_wait3A_113 : memref<256x16xf32, #tpu.memory_space<vmem>>) dst(%dma_wait3A_119 : memref<10240x16xf32, #tpu.memory_space<vmem_shared>>)
    %dma_wait3A_120 = arith.constant 0 : i32
    %dma_wait3A_121 = arith.constant 0 : i32
    %dma_wait3A_122 = arith.constant 0 : i32
    %dma_wait3A_123 = arith.constant 0 : i32
    %dma_wait3A_124 = tpu.memref_slice %arg9[%dma_wait3A_120, %dma_wait3A_122, %dma_wait3A_123] : memref<8x256x16xf32, #tpu.memory_space<vmem>> -> memref<1x256x16xf32, #tpu.memory_space<vmem>>
    %dma_wait3A_125 = tpu.memref_squeeze %dma_wait3A_124 : memref<1x256x16xf32, #tpu.memory_space<vmem>> -> memref<256x16xf32, #tpu.memory_space<vmem>>
    %dma_wait3A_126 = arith.constant 0 : i32
    %dma_wait3A_127 = tpu.memref_slice %arg8[%dma_wait3A_121, %dma_wait3A_126] : memref<40x256xi32, #tpu.memory_space<vmem>> -> memref<1x256xi32, #tpu.memory_space<vmem>>
    %dma_wait3A_128 = tpu.memref_squeeze %dma_wait3A_127 : memref<1x256xi32, #tpu.memory_space<vmem>> -> memref<256xi32, #tpu.memory_space<vmem>>
    %dma_wait3A_129 = arith.constant 0 : i32
    %dma_wait3A_130 = arith.constant 0 : i32
    %dma_wait3A_131 = tpu.memref_slice %arg10[%dma_wait3A_129, %dma_wait3A_130] : memref<10240x16xf32, #tpu.memory_space<vmem_shared>> -> memref<10240x16xf32, #tpu.memory_space<vmem_shared>>
    tpu.wait_indirect_dma semaphore(%arg12 : memref<!tpu.dma_semaphore, #tpu.memory_space<semaphore_mem>>) src(%dma_wait3A_125 : memref<256x16xf32, #tpu.memory_space<vmem>>) dst(%dma_wait3A_131 : memref<10240x16xf32, #tpu.memory_space<vmem_shared>>)
    %dma_wait3A_132 = arith.constant 0 : i32
    %dma_wait3A_133 = arith.constant 0 : i32
    %dma_wait3A_134 = arith.constant 0 : i32
    %dma_wait3A_135 = arith.constant 0 : i32
    %dma_wait3A_136 = tpu.memref_slice %arg9[%dma_wait3A_132, %dma_wait3A_134, %dma_wait3A_135] : memref<8x256x16xf32, #tpu.memory_space<vmem>> -> memref<1x256x16xf32, #tpu.memory_space<vmem>>
    %dma_wait3A_137 = tpu.memref_squeeze %dma_wait3A_136 : memref<1x256x16xf32, #tpu.memory_space<vmem>> -> memref<256x16xf32, #tpu.memory_space<vmem>>
    %dma_wait3A_138 = arith.constant 0 : i32
    %dma_wait3A_139 = tpu.memref_slice %arg8[%dma_wait3A_133, %dma_wait3A_138] : memref<40x256xi32, #tpu.memory_space<vmem>> -> memref<1x256xi32, #tpu.memory_space<vmem>>
    %dma_wait3A_140 = tpu.memref_squeeze %dma_wait3A_139 : memref<1x256xi32, #tpu.memory_space<vmem>> -> memref<256xi32, #tpu.memory_space<vmem>>
    %dma_wait3A_141 = arith.constant 0 : i32
    %dma_wait3A_142 = arith.constant 0 : i32
    %dma_wait3A_143 = tpu.memref_slice %arg10[%dma_wait3A_141, %dma_wait3A_142] : memref<10240x16xf32, #tpu.memory_space<vmem_shared>> -> memref<10240x16xf32, #tpu.memory_space<vmem_shared>>
    tpu.wait_indirect_dma semaphore(%arg12 : memref<!tpu.dma_semaphore, #tpu.memory_space<semaphore_mem>>) src(%dma_wait3A_137 : memref<256x16xf32, #tpu.memory_space<vmem>>) dst(%dma_wait3A_143 : memref<10240x16xf32, #tpu.memory_space<vmem_shared>>)
    %dma_wait3A_144 = arith.constant 0 : i32
    %dma_wait3A_145 = arith.constant 0 : i32
    %dma_wait3A_146 = arith.constant 0 : i32
    %dma_wait3A_147 = arith.constant 0 : i32
    %dma_wait3A_148 = tpu.memref_slice %arg9[%dma_wait3A_144, %dma_wait3A_146, %dma_wait3A_147] : memref<8x256x16xf32, #tpu.memory_space<vmem>> -> memref<1x256x16xf32, #tpu.memory_space<vmem>>
    %dma_wait3A_149 = tpu.memref_squeeze %dma_wait3A_148 : memref<1x256x16xf32, #tpu.memory_space<vmem>> -> memref<256x16xf32, #tpu.memory_space<vmem>>
    %dma_wait3A_150 = arith.constant 0 : i32
    %dma_wait3A_151 = tpu.memref_slice %arg8[%dma_wait3A_145, %dma_wait3A_150] : memref<40x256xi32, #tpu.memory_space<vmem>> -> memref<1x256xi32, #tpu.memory_space<vmem>>
    %dma_wait3A_152 = tpu.memref_squeeze %dma_wait3A_151 : memref<1x256xi32, #tpu.memory_space<vmem>> -> memref<256xi32, #tpu.memory_space<vmem>>
    %dma_wait3A_153 = arith.constant 0 : i32
    %dma_wait3A_154 = arith.constant 0 : i32
    %dma_wait3A_155 = tpu.memref_slice %arg10[%dma_wait3A_153, %dma_wait3A_154] : memref<10240x16xf32, #tpu.memory_space<vmem_shared>> -> memref<10240x16xf32, #tpu.memory_space<vmem_shared>>
    tpu.wait_indirect_dma semaphore(%arg12 : memref<!tpu.dma_semaphore, #tpu.memory_space<semaphore_mem>>) src(%dma_wait3A_149 : memref<256x16xf32, #tpu.memory_space<vmem>>) dst(%dma_wait3A_155 : memref<10240x16xf32, #tpu.memory_space<vmem_shared>>)
    %dma_wait3A_156 = arith.constant 0 : i32
    %dma_wait3A_157 = arith.constant 0 : i32
    %dma_wait3A_158 = arith.constant 0 : i32
    %dma_wait3A_159 = arith.constant 0 : i32
    %dma_wait3A_160 = tpu.memref_slice %arg9[%dma_wait3A_156, %dma_wait3A_158, %dma_wait3A_159] : memref<8x256x16xf32, #tpu.memory_space<vmem>> -> memref<1x256x16xf32, #tpu.memory_space<vmem>>
    %dma_wait3A_161 = tpu.memref_squeeze %dma_wait3A_160 : memref<1x256x16xf32, #tpu.memory_space<vmem>> -> memref<256x16xf32, #tpu.memory_space<vmem>>
    %dma_wait3A_162 = arith.constant 0 : i32
    %dma_wait3A_163 = tpu.memref_slice %arg8[%dma_wait3A_157, %dma_wait3A_162] : memref<40x256xi32, #tpu.memory_space<vmem>> -> memref<1x256xi32, #tpu.memory_space<vmem>>
    %dma_wait3A_164 = tpu.memref_squeeze %dma_wait3A_163 : memref<1x256xi32, #tpu.memory_space<vmem>> -> memref<256xi32, #tpu.memory_space<vmem>>
    %dma_wait3A_165 = arith.constant 0 : i32
    %dma_wait3A_166 = arith.constant 0 : i32
    %dma_wait3A_167 = tpu.memref_slice %arg10[%dma_wait3A_165, %dma_wait3A_166] : memref<10240x16xf32, #tpu.memory_space<vmem_shared>> -> memref<10240x16xf32, #tpu.memory_space<vmem_shared>>
    tpu.wait_indirect_dma semaphore(%arg12 : memref<!tpu.dma_semaphore, #tpu.memory_space<semaphore_mem>>) src(%dma_wait3A_161 : memref<256x16xf32, #tpu.memory_space<vmem>>) dst(%dma_wait3A_167 : memref<10240x16xf32, #tpu.memory_space<vmem_shared>>)
    %dma_wait3A_168 = arith.constant 0 : i32
    %dma_wait3A_169 = arith.constant 0 : i32
    %dma_wait3A_170 = arith.constant 0 : i32
    %dma_wait3A_171 = arith.constant 0 : i32
    %dma_wait3A_172 = tpu.memref_slice %arg9[%dma_wait3A_168, %dma_wait3A_170, %dma_wait3A_171] : memref<8x256x16xf32, #tpu.memory_space<vmem>> -> memref<1x256x16xf32, #tpu.memory_space<vmem>>
    %dma_wait3A_173 = tpu.memref_squeeze %dma_wait3A_172 : memref<1x256x16xf32, #tpu.memory_space<vmem>> -> memref<256x16xf32, #tpu.memory_space<vmem>>
    %dma_wait3A_174 = arith.constant 0 : i32
    %dma_wait3A_175 = tpu.memref_slice %arg8[%dma_wait3A_169, %dma_wait3A_174] : memref<40x256xi32, #tpu.memory_space<vmem>> -> memref<1x256xi32, #tpu.memory_space<vmem>>
    %dma_wait3A_176 = tpu.memref_squeeze %dma_wait3A_175 : memref<1x256xi32, #tpu.memory_space<vmem>> -> memref<256xi32, #tpu.memory_space<vmem>>
    %dma_wait3A_177 = arith.constant 0 : i32
    %dma_wait3A_178 = arith.constant 0 : i32
    %dma_wait3A_179 = tpu.memref_slice %arg10[%dma_wait3A_177, %dma_wait3A_178] : memref<10240x16xf32, #tpu.memory_space<vmem_shared>> -> memref<10240x16xf32, #tpu.memory_space<vmem_shared>>
    tpu.wait_indirect_dma semaphore(%arg12 : memref<!tpu.dma_semaphore, #tpu.memory_space<semaphore_mem>>) src(%dma_wait3A_173 : memref<256x16xf32, #tpu.memory_space<vmem>>) dst(%dma_wait3A_179 : memref<10240x16xf32, #tpu.memory_space<vmem_shared>>)
    %dma_wait3A_180 = arith.constant 0 : i32
    %dma_wait3A_181 = arith.constant 0 : i32
    %dma_wait3A_182 = arith.constant 0 : i32
    %dma_wait3A_183 = arith.constant 0 : i32
    %dma_wait3A_184 = tpu.memref_slice %arg9[%dma_wait3A_180, %dma_wait3A_182, %dma_wait3A_183] : memref<8x256x16xf32, #tpu.memory_space<vmem>> -> memref<1x256x16xf32, #tpu.memory_space<vmem>>
    %dma_wait3A_185 = tpu.memref_squeeze %dma_wait3A_184 : memref<1x256x16xf32, #tpu.memory_space<vmem>> -> memref<256x16xf32, #tpu.memory_space<vmem>>
    %dma_wait3A_186 = arith.constant 0 : i32
    %dma_wait3A_187 = tpu.memref_slice %arg8[%dma_wait3A_181, %dma_wait3A_186] : memref<40x256xi32, #tpu.memory_space<vmem>> -> memref<1x256xi32, #tpu.memory_space<vmem>>
    %dma_wait3A_188 = tpu.memref_squeeze %dma_wait3A_187 : memref<1x256xi32, #tpu.memory_space<vmem>> -> memref<256xi32, #tpu.memory_space<vmem>>
    %dma_wait3A_189 = arith.constant 0 : i32
    %dma_wait3A_190 = arith.constant 0 : i32
    %dma_wait3A_191 = tpu.memref_slice %arg10[%dma_wait3A_189, %dma_wait3A_190] : memref<10240x16xf32, #tpu.memory_space<vmem_shared>> -> memref<10240x16xf32, #tpu.memory_space<vmem_shared>>
    tpu.wait_indirect_dma semaphore(%arg12 : memref<!tpu.dma_semaphore, #tpu.memory_space<semaphore_mem>>) src(%dma_wait3A_185 : memref<256x16xf32, #tpu.memory_space<vmem>>) dst(%dma_wait3A_191 : memref<10240x16xf32, #tpu.memory_space<vmem_shared>>)
    %dma_wait3A_192 = arith.constant 0 : i32
    %dma_wait3A_193 = arith.constant 0 : i32
    %dma_wait3A_194 = arith.constant 0 : i32
    %dma_wait3A_195 = arith.constant 0 : i32
    %dma_wait3A_196 = tpu.memref_slice %arg9[%dma_wait3A_192, %dma_wait3A_194, %dma_wait3A_195] : memref<8x256x16xf32, #tpu.memory_space<vmem>> -> memref<1x256x16xf32, #tpu.memory_space<vmem>>
    %dma_wait3A_197 = tpu.memref_squeeze %dma_wait3A_196 : memref<1x256x16xf32, #tpu.memory_space<vmem>> -> memref<256x16xf32, #tpu.memory_space<vmem>>
    %dma_wait3A_198 = arith.constant 0 : i32
    %dma_wait3A_199 = tpu.memref_slice %arg8[%dma_wait3A_193, %dma_wait3A_198] : memref<40x256xi32, #tpu.memory_space<vmem>> -> memref<1x256xi32, #tpu.memory_space<vmem>>
    %dma_wait3A_200 = tpu.memref_squeeze %dma_wait3A_199 : memref<1x256xi32, #tpu.memory_space<vmem>> -> memref<256xi32, #tpu.memory_space<vmem>>
    %dma_wait3A_201 = arith.constant 0 : i32
    %dma_wait3A_202 = arith.constant 0 : i32
    %dma_wait3A_203 = tpu.memref_slice %arg10[%dma_wait3A_201, %dma_wait3A_202] : memref<10240x16xf32, #tpu.memory_space<vmem_shared>> -> memref<10240x16xf32, #tpu.memory_space<vmem_shared>>
    tpu.wait_indirect_dma semaphore(%arg12 : memref<!tpu.dma_semaphore, #tpu.memory_space<semaphore_mem>>) src(%dma_wait3A_197 : memref<256x16xf32, #tpu.memory_space<vmem>>) dst(%dma_wait3A_203 : memref<10240x16xf32, #tpu.memory_space<vmem_shared>>)
    %barrier3A_204 = arith.constant 0 : index
    tpu.barrier barrier_id(%barrier3A_204)
    %mul3A_205 = arith.constant 640 : i32
    %mul3A_206 = arith.muli %arg1, %mul3A_205 : i32
    %mul3A_207 = arith.constant 640 : i32
    %mul3A_208 = arith.muli %arg1, %mul3A_207 : i32
    "tpu.region"() ({
      %run_scoped3A = tpu.sem_alloc : memref<!tpu.dma_semaphore, #tpu.memory_space<semaphore_mem>>
      %dma_start3A_209 = arith.constant 0 : i32
      %dma_start3A_210 = tpu.memref_slice %arg6[%arg0, %mul3A_208, %dma_start3A_209] : memref<2x10240x16xf32, #tpu.memory_space<hbm>> -> memref<1x640x16xf32, #tpu.memory_space<hbm>>
      %dma_start3A_211 = tpu.memref_squeeze %dma_start3A_210 : memref<1x640x16xf32, #tpu.memory_space<hbm>> -> memref<640x16xf32, #tpu.memory_space<hbm>>
      %dma_start3A_212 = arith.constant 0 : i32
      %dma_start3A_213 = tpu.memref_slice %arg10[%mul3A_206, %dma_start3A_212] : memref<10240x16xf32, #tpu.memory_space<vmem_shared>> -> memref<640x16xf32, #tpu.memory_space<vmem_shared>>
      tpu.enqueue_dma source(%dma_start3A_213 : memref<640x16xf32, #tpu.memory_space<vmem_shared>>) target(%dma_start3A_211 : memref<640x16xf32, #tpu.memory_space<hbm>>) target_semaphore(%run_scoped3A : memref<!tpu.dma_semaphore, #tpu.memory_space<semaphore_mem>>)
      %dma_wait3A_214 = arith.constant 0 : i32
      %dma_wait3A_215 = tpu.memref_slice %arg6[%arg0, %mul3A_208, %dma_wait3A_214] : memref<2x10240x16xf32, #tpu.memory_space<hbm>> -> memref<1x640x16xf32, #tpu.memory_space<hbm>>
      %dma_wait3A_216 = tpu.memref_squeeze %dma_wait3A_215 : memref<1x640x16xf32, #tpu.memory_space<hbm>> -> memref<640x16xf32, #tpu.memory_space<hbm>>
      %dma_wait3A_217 = arith.constant 0 : i32
      %dma_wait3A_218 = tpu.memref_slice %arg10[%mul3A_206, %dma_wait3A_217] : memref<10240x16xf32, #tpu.memory_space<vmem_shared>> -> memref<640x16xf32, #tpu.memory_space<vmem_shared>>
      tpu.wait_dma2 semaphore(%run_scoped3A : memref<!tpu.dma_semaphore, #tpu.memory_space<semaphore_mem>>) src(%dma_wait3A_218 : memref<640x16xf32, #tpu.memory_space<vmem_shared>>) dst(%dma_wait3A_216 : memref<640x16xf32, #tpu.memory_space<hbm>>)
      tpu.yield
    }) : () -> ()
    return
  }
}

#map = affine_map<(d0, d1) -> (0, 0, 0)>
#map1 = affine_map<(d0, d1) -> (0, 0)>
#map2 = affine_map<(d0, d1) -> (0)>
module attributes {stable_mosaic.version = 14 : i64} {
  func.func @_sc_mid_agg(%arg0: i32, %arg1: i32, %arg2: memref<2x10240x16xf32, #tpu.memory_space<hbm>>, %arg3: memref<10240x16xf32, #tpu.memory_space<hbm>>, %arg4: memref<10240x16xf32, #tpu.memory_space<hbm>>, %arg5: memref<16xf32, #tpu.memory_space<hbm>>, %arg6: memref<1280x256xi32, #tpu.memory_space<hbm>>, %arg7: memref<1280x256xi32, #tpu.memory_space<hbm>>, %arg8: memref<10240x16xf32, #tpu.memory_space<hbm>>, %arg9: memref<2x10240x16xf32, #tpu.memory_space<hbm>>, %arg10: memref<40x256xi32, #tpu.memory_space<vmem>>, %arg11: memref<40x256xi32, #tpu.memory_space<vmem>>, %arg12: memref<8x256x16xf32, #tpu.memory_space<vmem>>, %arg13: memref<2x64x16xf32, #tpu.memory_space<vmem>>, %arg14: memref<2x64x16xf32, #tpu.memory_space<vmem>>, %arg15: memref<2x64x16xf32, #tpu.memory_space<vmem>>, %arg16: memref<2x64x16xf32, #tpu.memory_space<vmem>>, %arg17: memref<2x64x16xf32, #tpu.memory_space<vmem>>, %arg18: memref<16xf32, #tpu.memory_space<vmem>>, %arg19: memref<10240x16xf32, #tpu.memory_space<vmem_shared>>, %arg20: memref<10240x16xf32, #tpu.memory_space<vmem_shared>>, %arg21: memref<!tpu.dma_semaphore, #tpu.memory_space<semaphore_mem>>, %arg22: memref<!tpu.dma_semaphore, #tpu.memory_space<semaphore_mem>>, %arg23: memref<!tpu.dma_semaphore, #tpu.memory_space<semaphore_mem>>, %arg24: memref<!tpu.dma_semaphore, #tpu.memory_space<semaphore_mem>>) attributes {dimension_semantics = [#tpu.dimension_semantics<core_parallel>, #tpu.dimension_semantics<subcore_parallel>], iteration_bounds = array<i64: 2, 16>, scalar_prefetch = 0 : i64, scratch_operands = 15 : i64, tpu.core_type = #tpu.core_type<sc_vector_subcore>, window_params = [{transform_indices = #map}, {transform_indices = #map1}, {transform_indices = #map1}, {transform_indices = #map2}, {transform_indices = #map1}, {transform_indices = #map1}, {transform_indices = #map1}, {transform_indices = #map}]} {
    %mul3A = arith.constant 2 : i32
    %mul3A_0 = arith.muli %arg1, %mul3A : i32
    %add3A = arith.addi %mul3A_0, %arg0 : i32
    %mul3A_1 = arith.constant 640 : i32
    %mul3A_2 = arith.muli %arg1, %mul3A_1 : i32
    %mul3A_3 = arith.constant 640 : i32
    %mul3A_4 = arith.muli %arg1, %mul3A_3 : i32
    "tpu.region"() ({
      %run_scoped3A = tpu.sem_alloc : memref<!tpu.dma_semaphore, #tpu.memory_space<semaphore_mem>>
      %dma_start3A_307 = arith.constant 0 : i32
      %dma_start3A_308 = tpu.memref_slice %arg19[%mul3A_4, %dma_start3A_307] : memref<10240x16xf32, #tpu.memory_space<vmem_shared>> -> memref<640x16xf32, #tpu.memory_space<vmem_shared>>
      %dma_start3A_309 = arith.constant 0 : i32
      %dma_start3A_310 = tpu.memref_slice %arg8[%mul3A_2, %dma_start3A_309] : memref<10240x16xf32, #tpu.memory_space<hbm>> -> memref<640x16xf32, #tpu.memory_space<hbm>>
      tpu.enqueue_dma source(%dma_start3A_310 : memref<640x16xf32, #tpu.memory_space<hbm>>) target(%dma_start3A_308 : memref<640x16xf32, #tpu.memory_space<vmem_shared>>) target_semaphore(%run_scoped3A : memref<!tpu.dma_semaphore, #tpu.memory_space<semaphore_mem>>)
      %dma_wait3A_311 = arith.constant 0 : i32
      %dma_wait3A_312 = tpu.memref_slice %arg19[%mul3A_4, %dma_wait3A_311] : memref<10240x16xf32, #tpu.memory_space<vmem_shared>> -> memref<640x16xf32, #tpu.memory_space<vmem_shared>>
      %dma_wait3A_313 = arith.constant 0 : i32
      %dma_wait3A_314 = tpu.memref_slice %arg8[%mul3A_2, %dma_wait3A_313] : memref<10240x16xf32, #tpu.memory_space<hbm>> -> memref<640x16xf32, #tpu.memory_space<hbm>>
      tpu.wait_dma2 semaphore(%run_scoped3A : memref<!tpu.dma_semaphore, #tpu.memory_space<semaphore_mem>>) src(%dma_wait3A_314 : memref<640x16xf32, #tpu.memory_space<hbm>>) dst(%dma_wait3A_312 : memref<640x16xf32, #tpu.memory_space<vmem_shared>>)
      tpu.yield
    }) : () -> ()
    "tpu.region"() ({
      %run_scoped3A = tpu.sem_alloc : memref<!tpu.dma_semaphore, #tpu.memory_space<semaphore_mem>>
      tpu.enqueue_dma source(%arg5 : memref<16xf32, #tpu.memory_space<hbm>>) target(%arg18 : memref<16xf32, #tpu.memory_space<vmem>>) target_semaphore(%run_scoped3A : memref<!tpu.dma_semaphore, #tpu.memory_space<semaphore_mem>>)
      tpu.wait_dma2 semaphore(%run_scoped3A : memref<!tpu.dma_semaphore, #tpu.memory_space<semaphore_mem>>) src(%arg5 : memref<16xf32, #tpu.memory_space<hbm>>) dst(%arg18 : memref<16xf32, #tpu.memory_space<vmem>>)
      tpu.yield
    }) : () -> ()
    %mul3A_5 = arith.constant 640 : i32
    %mul3A_6 = arith.muli %arg1, %mul3A_5 : i32
    %add3A_7 = arith.constant 0 : i32
    %add3A_8 = arith.addi %mul3A_6, %add3A_7 : i32
    %dma_start3A = arith.constant 0 : i32
    %dma_start3A_9 = arith.constant 0 : i32
    %dma_start3A_10 = arith.constant 0 : i32
    %dma_start3A_11 = arith.constant 0 : i32
    %dma_start3A_12 = tpu.memref_slice %arg13[%dma_start3A_9, %dma_start3A_10, %dma_start3A_11] : memref<2x64x16xf32, #tpu.memory_space<vmem>> -> memref<1x64x16xf32, #tpu.memory_space<vmem>>
    %dma_start3A_13 = tpu.memref_squeeze %dma_start3A_12 : memref<1x64x16xf32, #tpu.memory_space<vmem>> -> memref<64x16xf32, #tpu.memory_space<vmem>>
    %dma_start3A_14 = arith.constant 0 : i32
    %dma_start3A_15 = tpu.memref_slice %arg2[%dma_start3A, %add3A_8, %dma_start3A_14] : memref<2x10240x16xf32, #tpu.memory_space<hbm>> -> memref<1x64x16xf32, #tpu.memory_space<hbm>>
    %dma_start3A_16 = tpu.memref_squeeze %dma_start3A_15 : memref<1x64x16xf32, #tpu.memory_space<hbm>> -> memref<64x16xf32, #tpu.memory_space<hbm>>
    %dma_start3A_17 = arith.constant 0 : i32
    %dma_start3A_18 = arith.constant 0 : i32
    %dma_start3A_19 = tpu.memref_slice %arg13[%dma_start3A_9, %dma_start3A_17, %dma_start3A_18] : memref<2x64x16xf32, #tpu.memory_space<vmem>> -> memref<1x64x16xf32, #tpu.memory_space<vmem>>
    %dma_start3A_20 = tpu.memref_squeeze %dma_start3A_19 : memref<1x64x16xf32, #tpu.memory_space<vmem>> -> memref<64x16xf32, #tpu.memory_space<vmem>>
    %dma_start3A_21 = arith.constant 0 : i32
    %dma_start3A_22 = tpu.memref_slice %arg2[%dma_start3A, %add3A_8, %dma_start3A_21] : memref<2x10240x16xf32, #tpu.memory_space<hbm>> -> memref<1x64x16xf32, #tpu.memory_space<hbm>>
    %dma_start3A_23 = tpu.memref_squeeze %dma_start3A_22 : memref<1x64x16xf32, #tpu.memory_space<hbm>> -> memref<64x16xf32, #tpu.memory_space<hbm>>
    tpu.enqueue_dma source(%dma_start3A_23 : memref<64x16xf32, #tpu.memory_space<hbm>>) target(%dma_start3A_20 : memref<64x16xf32, #tpu.memory_space<vmem>>) target_semaphore(%arg23 : memref<!tpu.dma_semaphore, #tpu.memory_space<semaphore_mem>>)
    %dma_start3A_24 = arith.constant 1 : i32
    %dma_start3A_25 = arith.constant 0 : i32
    %dma_start3A_26 = arith.constant 0 : i32
    %dma_start3A_27 = arith.constant 0 : i32
    %dma_start3A_28 = tpu.memref_slice %arg14[%dma_start3A_25, %dma_start3A_26, %dma_start3A_27] : memref<2x64x16xf32, #tpu.memory_space<vmem>> -> memref<1x64x16xf32, #tpu.memory_space<vmem>>
    %dma_start3A_29 = tpu.memref_squeeze %dma_start3A_28 : memref<1x64x16xf32, #tpu.memory_space<vmem>> -> memref<64x16xf32, #tpu.memory_space<vmem>>
    %dma_start3A_30 = arith.constant 0 : i32
    %dma_start3A_31 = tpu.memref_slice %arg2[%dma_start3A_24, %add3A_8, %dma_start3A_30] : memref<2x10240x16xf32, #tpu.memory_space<hbm>> -> memref<1x64x16xf32, #tpu.memory_space<hbm>>
    %dma_start3A_32 = tpu.memref_squeeze %dma_start3A_31 : memref<1x64x16xf32, #tpu.memory_space<hbm>> -> memref<64x16xf32, #tpu.memory_space<hbm>>
    %dma_start3A_33 = arith.constant 0 : i32
    %dma_start3A_34 = arith.constant 0 : i32
    %dma_start3A_35 = tpu.memref_slice %arg14[%dma_start3A_25, %dma_start3A_33, %dma_start3A_34] : memref<2x64x16xf32, #tpu.memory_space<vmem>> -> memref<1x64x16xf32, #tpu.memory_space<vmem>>
    %dma_start3A_36 = tpu.memref_squeeze %dma_start3A_35 : memref<1x64x16xf32, #tpu.memory_space<vmem>> -> memref<64x16xf32, #tpu.memory_space<vmem>>
    %dma_start3A_37 = arith.constant 0 : i32
    %dma_start3A_38 = tpu.memref_slice %arg2[%dma_start3A_24, %add3A_8, %dma_start3A_37] : memref<2x10240x16xf32, #tpu.memory_space<hbm>> -> memref<1x64x16xf32, #tpu.memory_space<hbm>>
    %dma_start3A_39 = tpu.memref_squeeze %dma_start3A_38 : memref<1x64x16xf32, #tpu.memory_space<hbm>> -> memref<64x16xf32, #tpu.memory_space<hbm>>
    tpu.enqueue_dma source(%dma_start3A_39 : memref<64x16xf32, #tpu.memory_space<hbm>>) target(%dma_start3A_36 : memref<64x16xf32, #tpu.memory_space<vmem>>) target_semaphore(%arg23 : memref<!tpu.dma_semaphore, #tpu.memory_space<semaphore_mem>>)
    %dma_start3A_40 = arith.constant 0 : i32
    %dma_start3A_41 = arith.constant 0 : i32
    %dma_start3A_42 = arith.constant 0 : i32
    %dma_start3A_43 = tpu.memref_slice %arg15[%dma_start3A_40, %dma_start3A_41, %dma_start3A_42] : memref<2x64x16xf32, #tpu.memory_space<vmem>> -> memref<1x64x16xf32, #tpu.memory_space<vmem>>
    %dma_start3A_44 = tpu.memref_squeeze %dma_start3A_43 : memref<1x64x16xf32, #tpu.memory_space<vmem>> -> memref<64x16xf32, #tpu.memory_space<vmem>>
    %dma_start3A_45 = arith.constant 0 : i32
    %dma_start3A_46 = tpu.memref_slice %arg3[%add3A_8, %dma_start3A_45] : memref<10240x16xf32, #tpu.memory_space<hbm>> -> memref<64x16xf32, #tpu.memory_space<hbm>>
    %dma_start3A_47 = arith.constant 0 : i32
    %dma_start3A_48 = arith.constant 0 : i32
    %dma_start3A_49 = tpu.memref_slice %arg15[%dma_start3A_40, %dma_start3A_47, %dma_start3A_48] : memref<2x64x16xf32, #tpu.memory_space<vmem>> -> memref<1x64x16xf32, #tpu.memory_space<vmem>>
    %dma_start3A_50 = tpu.memref_squeeze %dma_start3A_49 : memref<1x64x16xf32, #tpu.memory_space<vmem>> -> memref<64x16xf32, #tpu.memory_space<vmem>>
    %dma_start3A_51 = arith.constant 0 : i32
    %dma_start3A_52 = tpu.memref_slice %arg3[%add3A_8, %dma_start3A_51] : memref<10240x16xf32, #tpu.memory_space<hbm>> -> memref<64x16xf32, #tpu.memory_space<hbm>>
    tpu.enqueue_dma source(%dma_start3A_52 : memref<64x16xf32, #tpu.memory_space<hbm>>) target(%dma_start3A_50 : memref<64x16xf32, #tpu.memory_space<vmem>>) target_semaphore(%arg23 : memref<!tpu.dma_semaphore, #tpu.memory_space<semaphore_mem>>)
    %dma_start3A_53 = arith.constant 0 : i32
    %dma_start3A_54 = arith.constant 0 : i32
    %dma_start3A_55 = arith.constant 0 : i32
    %dma_start3A_56 = tpu.memref_slice %arg16[%dma_start3A_53, %dma_start3A_54, %dma_start3A_55] : memref<2x64x16xf32, #tpu.memory_space<vmem>> -> memref<1x64x16xf32, #tpu.memory_space<vmem>>
    %dma_start3A_57 = tpu.memref_squeeze %dma_start3A_56 : memref<1x64x16xf32, #tpu.memory_space<vmem>> -> memref<64x16xf32, #tpu.memory_space<vmem>>
    %dma_start3A_58 = arith.constant 0 : i32
    %dma_start3A_59 = tpu.memref_slice %arg4[%add3A_8, %dma_start3A_58] : memref<10240x16xf32, #tpu.memory_space<hbm>> -> memref<64x16xf32, #tpu.memory_space<hbm>>
    %dma_start3A_60 = arith.constant 0 : i32
    %dma_start3A_61 = arith.constant 0 : i32
    %dma_start3A_62 = tpu.memref_slice %arg16[%dma_start3A_53, %dma_start3A_60, %dma_start3A_61] : memref<2x64x16xf32, #tpu.memory_space<vmem>> -> memref<1x64x16xf32, #tpu.memory_space<vmem>>
    %dma_start3A_63 = tpu.memref_squeeze %dma_start3A_62 : memref<1x64x16xf32, #tpu.memory_space<vmem>> -> memref<64x16xf32, #tpu.memory_space<vmem>>
    %dma_start3A_64 = arith.constant 0 : i32
    %dma_start3A_65 = tpu.memref_slice %arg4[%add3A_8, %dma_start3A_64] : memref<10240x16xf32, #tpu.memory_space<hbm>> -> memref<64x16xf32, #tpu.memory_space<hbm>>
    tpu.enqueue_dma source(%dma_start3A_65 : memref<64x16xf32, #tpu.memory_space<hbm>>) target(%dma_start3A_63 : memref<64x16xf32, #tpu.memory_space<vmem>>) target_semaphore(%arg23 : memref<!tpu.dma_semaphore, #tpu.memory_space<semaphore_mem>>)
    %scan3A = arith.constant 0 : i32
    %scan3A_66 = arith.constant 0 : i32
    %scan3A_67 = arith.constant 10 : i32
    %scan3A_68 = arith.addi %scan3A_66, %scan3A_67 : i32
    %scan3A_69 = arith.constant 1 : i32
    scf.for %scan3A_307 = %scan3A_66 to %scan3A_68 step %scan3A_69  : i32 {
      %rem3A = arith.constant 2 : i32
      %rem3A_308 = arith.remsi %scan3A_307, %rem3A : i32
      %dma_wait3A_309 = arith.constant 0 : i32
      %dma_wait3A_310 = arith.constant 0 : i32
      %dma_wait3A_311 = arith.constant 0 : i32
      %dma_wait3A_312 = arith.constant 0 : i32
      %dma_wait3A_313 = tpu.memref_slice %arg13[%dma_wait3A_310, %dma_wait3A_311, %dma_wait3A_312] : memref<2x64x16xf32, #tpu.memory_space<vmem>> -> memref<1x64x16xf32, #tpu.memory_space<vmem>>
      %dma_wait3A_314 = tpu.memref_squeeze %dma_wait3A_313 : memref<1x64x16xf32, #tpu.memory_space<vmem>> -> memref<64x16xf32, #tpu.memory_space<vmem>>
      %dma_wait3A_315 = arith.constant 0 : i32
      %dma_wait3A_316 = arith.constant 0 : i32
      %dma_wait3A_317 = tpu.memref_slice %arg2[%dma_wait3A_309, %dma_wait3A_315, %dma_wait3A_316] : memref<2x10240x16xf32, #tpu.memory_space<hbm>> -> memref<1x64x16xf32, #tpu.memory_space<hbm>>
      %dma_wait3A_318 = tpu.memref_squeeze %dma_wait3A_317 : memref<1x64x16xf32, #tpu.memory_space<hbm>> -> memref<64x16xf32, #tpu.memory_space<hbm>>
      %dma_wait3A_319 = arith.constant 0 : i32
      %dma_wait3A_320 = arith.constant 0 : i32
      %dma_wait3A_321 = tpu.memref_slice %arg13[%dma_wait3A_310, %dma_wait3A_319, %dma_wait3A_320] : memref<2x64x16xf32, #tpu.memory_space<vmem>> -> memref<1x64x16xf32, #tpu.memory_space<vmem>>
      %dma_wait3A_322 = tpu.memref_squeeze %dma_wait3A_321 : memref<1x64x16xf32, #tpu.memory_space<vmem>> -> memref<64x16xf32, #tpu.memory_space<vmem>>
      %dma_wait3A_323 = arith.constant 0 : i32
      %dma_wait3A_324 = arith.constant 0 : i32
      %dma_wait3A_325 = tpu.memref_slice %arg2[%dma_wait3A_309, %dma_wait3A_323, %dma_wait3A_324] : memref<2x10240x16xf32, #tpu.memory_space<hbm>> -> memref<1x64x16xf32, #tpu.memory_space<hbm>>
      %dma_wait3A_326 = tpu.memref_squeeze %dma_wait3A_325 : memref<1x64x16xf32, #tpu.memory_space<hbm>> -> memref<64x16xf32, #tpu.memory_space<hbm>>
      tpu.wait_dma2 semaphore(%arg23 : memref<!tpu.dma_semaphore, #tpu.memory_space<semaphore_mem>>) src(%dma_wait3A_326 : memref<64x16xf32, #tpu.memory_space<hbm>>) dst(%dma_wait3A_322 : memref<64x16xf32, #tpu.memory_space<vmem>>)
      %dma_wait3A_327 = arith.constant 0 : i32
      %dma_wait3A_328 = arith.constant 0 : i32
      %dma_wait3A_329 = arith.constant 0 : i32
      %dma_wait3A_330 = arith.constant 0 : i32
      %dma_wait3A_331 = tpu.memref_slice %arg13[%dma_wait3A_328, %dma_wait3A_329, %dma_wait3A_330] : memref<2x64x16xf32, #tpu.memory_space<vmem>> -> memref<1x64x16xf32, #tpu.memory_space<vmem>>
      %dma_wait3A_332 = tpu.memref_squeeze %dma_wait3A_331 : memref<1x64x16xf32, #tpu.memory_space<vmem>> -> memref<64x16xf32, #tpu.memory_space<vmem>>
      %dma_wait3A_333 = arith.constant 0 : i32
      %dma_wait3A_334 = arith.constant 0 : i32
      %dma_wait3A_335 = tpu.memref_slice %arg2[%dma_wait3A_327, %dma_wait3A_333, %dma_wait3A_334] : memref<2x10240x16xf32, #tpu.memory_space<hbm>> -> memref<1x64x16xf32, #tpu.memory_space<hbm>>
      %dma_wait3A_336 = tpu.memref_squeeze %dma_wait3A_335 : memref<1x64x16xf32, #tpu.memory_space<hbm>> -> memref<64x16xf32, #tpu.memory_space<hbm>>
      %dma_wait3A_337 = arith.constant 0 : i32
      %dma_wait3A_338 = arith.constant 0 : i32
      %dma_wait3A_339 = tpu.memref_slice %arg13[%dma_wait3A_328, %dma_wait3A_337, %dma_wait3A_338] : memref<2x64x16xf32, #tpu.memory_space<vmem>> -> memref<1x64x16xf32, #tpu.memory_space<vmem>>
      %dma_wait3A_340 = tpu.memref_squeeze %dma_wait3A_339 : memref<1x64x16xf32, #tpu.memory_space<vmem>> -> memref<64x16xf32, #tpu.memory_space<vmem>>
      %dma_wait3A_341 = arith.constant 0 : i32
      %dma_wait3A_342 = arith.constant 0 : i32
      %dma_wait3A_343 = tpu.memref_slice %arg2[%dma_wait3A_327, %dma_wait3A_341, %dma_wait3A_342] : memref<2x10240x16xf32, #tpu.memory_space<hbm>> -> memref<1x64x16xf32, #tpu.memory_space<hbm>>
      %dma_wait3A_344 = tpu.memref_squeeze %dma_wait3A_343 : memref<1x64x16xf32, #tpu.memory_space<hbm>> -> memref<64x16xf32, #tpu.memory_space<hbm>>
      tpu.wait_dma2 semaphore(%arg23 : memref<!tpu.dma_semaphore, #tpu.memory_space<semaphore_mem>>) src(%dma_wait3A_344 : memref<64x16xf32, #tpu.memory_space<hbm>>) dst(%dma_wait3A_340 : memref<64x16xf32, #tpu.memory_space<vmem>>)
      %dma_wait3A_345 = arith.constant 0 : i32
      %dma_wait3A_346 = arith.constant 0 : i32
      %dma_wait3A_347 = arith.constant 0 : i32
      %dma_wait3A_348 = arith.constant 0 : i32
      %dma_wait3A_349 = tpu.memref_slice %arg13[%dma_wait3A_346, %dma_wait3A_347, %dma_wait3A_348] : memref<2x64x16xf32, #tpu.memory_space<vmem>> -> memref<1x64x16xf32, #tpu.memory_space<vmem>>
      %dma_wait3A_350 = tpu.memref_squeeze %dma_wait3A_349 : memref<1x64x16xf32, #tpu.memory_space<vmem>> -> memref<64x16xf32, #tpu.memory_space<vmem>>
      %dma_wait3A_351 = arith.constant 0 : i32
      %dma_wait3A_352 = arith.constant 0 : i32
      %dma_wait3A_353 = tpu.memref_slice %arg2[%dma_wait3A_345, %dma_wait3A_351, %dma_wait3A_352] : memref<2x10240x16xf32, #tpu.memory_space<hbm>> -> memref<1x64x16xf32, #tpu.memory_space<hbm>>
      %dma_wait3A_354 = tpu.memref_squeeze %dma_wait3A_353 : memref<1x64x16xf32, #tpu.memory_space<hbm>> -> memref<64x16xf32, #tpu.memory_space<hbm>>
      %dma_wait3A_355 = arith.constant 0 : i32
      %dma_wait3A_356 = arith.constant 0 : i32
      %dma_wait3A_357 = tpu.memref_slice %arg13[%dma_wait3A_346, %dma_wait3A_355, %dma_wait3A_356] : memref<2x64x16xf32, #tpu.memory_space<vmem>> -> memref<1x64x16xf32, #tpu.memory_space<vmem>>
      %dma_wait3A_358 = tpu.memref_squeeze %dma_wait3A_357 : memref<1x64x16xf32, #tpu.memory_space<vmem>> -> memref<64x16xf32, #tpu.memory_space<vmem>>
      %dma_wait3A_359 = arith.constant 0 : i32
      %dma_wait3A_360 = arith.constant 0 : i32
      %dma_wait3A_361 = tpu.memref_slice %arg2[%dma_wait3A_345, %dma_wait3A_359, %dma_wait3A_360] : memref<2x10240x16xf32, #tpu.memory_space<hbm>> -> memref<1x64x16xf32, #tpu.memory_space<hbm>>
      %dma_wait3A_362 = tpu.memref_squeeze %dma_wait3A_361 : memref<1x64x16xf32, #tpu.memory_space<hbm>> -> memref<64x16xf32, #tpu.memory_space<hbm>>
      tpu.wait_dma2 semaphore(%arg23 : memref<!tpu.dma_semaphore, #tpu.memory_space<semaphore_mem>>) src(%dma_wait3A_362 : memref<64x16xf32, #tpu.memory_space<hbm>>) dst(%dma_wait3A_358 : memref<64x16xf32, #tpu.memory_space<vmem>>)
      %dma_wait3A_363 = arith.constant 0 : i32
      %dma_wait3A_364 = arith.constant 0 : i32
      %dma_wait3A_365 = arith.constant 0 : i32
      %dma_wait3A_366 = arith.constant 0 : i32
      %dma_wait3A_367 = tpu.memref_slice %arg13[%dma_wait3A_364, %dma_wait3A_365, %dma_wait3A_366] : memref<2x64x16xf32, #tpu.memory_space<vmem>> -> memref<1x64x16xf32, #tpu.memory_space<vmem>>
      %dma_wait3A_368 = tpu.memref_squeeze %dma_wait3A_367 : memref<1x64x16xf32, #tpu.memory_space<vmem>> -> memref<64x16xf32, #tpu.memory_space<vmem>>
      %dma_wait3A_369 = arith.constant 0 : i32
      %dma_wait3A_370 = arith.constant 0 : i32
      %dma_wait3A_371 = tpu.memref_slice %arg2[%dma_wait3A_363, %dma_wait3A_369, %dma_wait3A_370] : memref<2x10240x16xf32, #tpu.memory_space<hbm>> -> memref<1x64x16xf32, #tpu.memory_space<hbm>>
      %dma_wait3A_372 = tpu.memref_squeeze %dma_wait3A_371 : memref<1x64x16xf32, #tpu.memory_space<hbm>> -> memref<64x16xf32, #tpu.memory_space<hbm>>
      %dma_wait3A_373 = arith.constant 0 : i32
      %dma_wait3A_374 = arith.constant 0 : i32
      %dma_wait3A_375 = tpu.memref_slice %arg13[%dma_wait3A_364, %dma_wait3A_373, %dma_wait3A_374] : memref<2x64x16xf32, #tpu.memory_space<vmem>> -> memref<1x64x16xf32, #tpu.memory_space<vmem>>
      %dma_wait3A_376 = tpu.memref_squeeze %dma_wait3A_375 : memref<1x64x16xf32, #tpu.memory_space<vmem>> -> memref<64x16xf32, #tpu.memory_space<vmem>>
      %dma_wait3A_377 = arith.constant 0 : i32
      %dma_wait3A_378 = arith.constant 0 : i32
      %dma_wait3A_379 = tpu.memref_slice %arg2[%dma_wait3A_363, %dma_wait3A_377, %dma_wait3A_378] : memref<2x10240x16xf32, #tpu.memory_space<hbm>> -> memref<1x64x16xf32, #tpu.memory_space<hbm>>
      %dma_wait3A_380 = tpu.memref_squeeze %dma_wait3A_379 : memref<1x64x16xf32, #tpu.memory_space<hbm>> -> memref<64x16xf32, #tpu.memory_space<hbm>>
      tpu.wait_dma2 semaphore(%arg23 : memref<!tpu.dma_semaphore, #tpu.memory_space<semaphore_mem>>) src(%dma_wait3A_380 : memref<64x16xf32, #tpu.memory_space<hbm>>) dst(%dma_wait3A_376 : memref<64x16xf32, #tpu.memory_space<vmem>>)
      %add3A_381 = arith.constant 1 : i32
      %add3A_382 = arith.addi %scan3A_307, %add3A_381 : i32
      %lt3A = arith.constant 10 : i32
      %lt3A_383 = arith.cmpi slt, %add3A_382, %lt3A : i32
      %convert_element_type3A = arith.extui %lt3A_383 : i1 to i32
      %cond3A = arith.constant 0 : i32
      %cond3A_384 = arith.cmpi ne, %convert_element_type3A, %cond3A : i32
      scf.if %cond3A_384 {
        %add3A_412 = arith.constant 1 : i32
        %add3A_413 = arith.addi %scan3A_307, %add3A_412 : i32
        %sub3A = arith.constant 1 : i32
        %sub3A_414 = arith.subi %sub3A, %rem3A_308 : i32
        %mul3A_415 = arith.constant 640 : i32
        %mul3A_416 = arith.muli %arg1, %mul3A_415 : i32
        %mul3A_417 = arith.constant 64 : i32
        %mul3A_418 = arith.muli %add3A_413, %mul3A_417 : i32
        %add3A_419 = arith.addi %mul3A_416, %mul3A_418 : i32
        %dma_start3A_420 = arith.constant 0 : i32
        %dma_start3A_421 = arith.constant 0 : i32
        %dma_start3A_422 = arith.constant 0 : i32
        %dma_start3A_423 = tpu.memref_slice %arg13[%sub3A_414, %dma_start3A_421, %dma_start3A_422] : memref<2x64x16xf32, #tpu.memory_space<vmem>> -> memref<1x64x16xf32, #tpu.memory_space<vmem>>
        %dma_start3A_424 = tpu.memref_squeeze %dma_start3A_423 : memref<1x64x16xf32, #tpu.memory_space<vmem>> -> memref<64x16xf32, #tpu.memory_space<vmem>>
        %dma_start3A_425 = arith.constant 0 : i32
        %dma_start3A_426 = tpu.memref_slice %arg2[%dma_start3A_420, %add3A_419, %dma_start3A_425] : memref<2x10240x16xf32, #tpu.memory_space<hbm>> -> memref<1x64x16xf32, #tpu.memory_space<hbm>>
        %dma_start3A_427 = tpu.memref_squeeze %dma_start3A_426 : memref<1x64x16xf32, #tpu.memory_space<hbm>> -> memref<64x16xf32, #tpu.memory_space<hbm>>
        %dma_start3A_428 = arith.constant 0 : i32
        %dma_start3A_429 = arith.constant 0 : i32
        %dma_start3A_430 = tpu.memref_slice %arg13[%sub3A_414, %dma_start3A_428, %dma_start3A_429] : memref<2x64x16xf32, #tpu.memory_space<vmem>> -> memref<1x64x16xf32, #tpu.memory_space<vmem>>
        %dma_start3A_431 = tpu.memref_squeeze %dma_start3A_430 : memref<1x64x16xf32, #tpu.memory_space<vmem>> -> memref<64x16xf32, #tpu.memory_space<vmem>>
        %dma_start3A_432 = arith.constant 0 : i32
        %dma_start3A_433 = tpu.memref_slice %arg2[%dma_start3A_420, %add3A_419, %dma_start3A_432] : memref<2x10240x16xf32, #tpu.memory_space<hbm>> -> memref<1x64x16xf32, #tpu.memory_space<hbm>>
        %dma_start3A_434 = tpu.memref_squeeze %dma_start3A_433 : memref<1x64x16xf32, #tpu.memory_space<hbm>> -> memref<64x16xf32, #tpu.memory_space<hbm>>
        tpu.enqueue_dma source(%dma_start3A_434 : memref<64x16xf32, #tpu.memory_space<hbm>>) target(%dma_start3A_431 : memref<64x16xf32, #tpu.memory_space<vmem>>) target_semaphore(%arg23 : memref<!tpu.dma_semaphore, #tpu.memory_space<semaphore_mem>>)
        %dma_start3A_435 = arith.constant 1 : i32
        %dma_start3A_436 = arith.constant 0 : i32
        %dma_start3A_437 = arith.constant 0 : i32
        %dma_start3A_438 = tpu.memref_slice %arg14[%sub3A_414, %dma_start3A_436, %dma_start3A_437] : memref<2x64x16xf32, #tpu.memory_space<vmem>> -> memref<1x64x16xf32, #tpu.memory_space<vmem>>
        %dma_start3A_439 = tpu.memref_squeeze %dma_start3A_438 : memref<1x64x16xf32, #tpu.memory_space<vmem>> -> memref<64x16xf32, #tpu.memory_space<vmem>>
        %dma_start3A_440 = arith.constant 0 : i32
        %dma_start3A_441 = tpu.memref_slice %arg2[%dma_start3A_435, %add3A_419, %dma_start3A_440] : memref<2x10240x16xf32, #tpu.memory_space<hbm>> -> memref<1x64x16xf32, #tpu.memory_space<hbm>>
        %dma_start3A_442 = tpu.memref_squeeze %dma_start3A_441 : memref<1x64x16xf32, #tpu.memory_space<hbm>> -> memref<64x16xf32, #tpu.memory_space<hbm>>
        %dma_start3A_443 = arith.constant 0 : i32
        %dma_start3A_444 = arith.constant 0 : i32
        %dma_start3A_445 = tpu.memref_slice %arg14[%sub3A_414, %dma_start3A_443, %dma_start3A_444] : memref<2x64x16xf32, #tpu.memory_space<vmem>> -> memref<1x64x16xf32, #tpu.memory_space<vmem>>
        %dma_start3A_446 = tpu.memref_squeeze %dma_start3A_445 : memref<1x64x16xf32, #tpu.memory_space<vmem>> -> memref<64x16xf32, #tpu.memory_space<vmem>>
        %dma_start3A_447 = arith.constant 0 : i32
        %dma_start3A_448 = tpu.memref_slice %arg2[%dma_start3A_435, %add3A_419, %dma_start3A_447] : memref<2x10240x16xf32, #tpu.memory_space<hbm>> -> memref<1x64x16xf32, #tpu.memory_space<hbm>>
        %dma_start3A_449 = tpu.memref_squeeze %dma_start3A_448 : memref<1x64x16xf32, #tpu.memory_space<hbm>> -> memref<64x16xf32, #tpu.memory_space<hbm>>
        tpu.enqueue_dma source(%dma_start3A_449 : memref<64x16xf32, #tpu.memory_space<hbm>>) target(%dma_start3A_446 : memref<64x16xf32, #tpu.memory_space<vmem>>) target_semaphore(%arg23 : memref<!tpu.dma_semaphore, #tpu.memory_space<semaphore_mem>>)
        %dma_start3A_450 = arith.constant 0 : i32
        %dma_start3A_451 = arith.constant 0 : i32
        %dma_start3A_452 = tpu.memref_slice %arg15[%sub3A_414, %dma_start3A_450, %dma_start3A_451] : memref<2x64x16xf32, #tpu.memory_space<vmem>> -> memref<1x64x16xf32, #tpu.memory_space<vmem>>
        %dma_start3A_453 = tpu.memref_squeeze %dma_start3A_452 : memref<1x64x16xf32, #tpu.memory_space<vmem>> -> memref<64x16xf32, #tpu.memory_space<vmem>>
        %dma_start3A_454 = arith.constant 0 : i32
        %dma_start3A_455 = tpu.memref_slice %arg3[%add3A_419, %dma_start3A_454] : memref<10240x16xf32, #tpu.memory_space<hbm>> -> memref<64x16xf32, #tpu.memory_space<hbm>>
        %dma_start3A_456 = arith.constant 0 : i32
        %dma_start3A_457 = arith.constant 0 : i32
        %dma_start3A_458 = tpu.memref_slice %arg15[%sub3A_414, %dma_start3A_456, %dma_start3A_457] : memref<2x64x16xf32, #tpu.memory_space<vmem>> -> memref<1x64x16xf32, #tpu.memory_space<vmem>>
        %dma_start3A_459 = tpu.memref_squeeze %dma_start3A_458 : memref<1x64x16xf32, #tpu.memory_space<vmem>> -> memref<64x16xf32, #tpu.memory_space<vmem>>
        %dma_start3A_460 = arith.constant 0 : i32
        %dma_start3A_461 = tpu.memref_slice %arg3[%add3A_419, %dma_start3A_460] : memref<10240x16xf32, #tpu.memory_space<hbm>> -> memref<64x16xf32, #tpu.memory_space<hbm>>
        tpu.enqueue_dma source(%dma_start3A_461 : memref<64x16xf32, #tpu.memory_space<hbm>>) target(%dma_start3A_459 : memref<64x16xf32, #tpu.memory_space<vmem>>) target_semaphore(%arg23 : memref<!tpu.dma_semaphore, #tpu.memory_space<semaphore_mem>>)
        %dma_start3A_462 = arith.constant 0 : i32
        %dma_start3A_463 = arith.constant 0 : i32
        %dma_start3A_464 = tpu.memref_slice %arg16[%sub3A_414, %dma_start3A_462, %dma_start3A_463] : memref<2x64x16xf32, #tpu.memory_space<vmem>> -> memref<1x64x16xf32, #tpu.memory_space<vmem>>
        %dma_start3A_465 = tpu.memref_squeeze %dma_start3A_464 : memref<1x64x16xf32, #tpu.memory_space<vmem>> -> memref<64x16xf32, #tpu.memory_space<vmem>>
        %dma_start3A_466 = arith.constant 0 : i32
        %dma_start3A_467 = tpu.memref_slice %arg4[%add3A_419, %dma_start3A_466] : memref<10240x16xf32, #tpu.memory_space<hbm>> -> memref<64x16xf32, #tpu.memory_space<hbm>>
        %dma_start3A_468 = arith.constant 0 : i32
        %dma_start3A_469 = arith.constant 0 : i32
        %dma_start3A_470 = tpu.memref_slice %arg16[%sub3A_414, %dma_start3A_468, %dma_start3A_469] : memref<2x64x16xf32, #tpu.memory_space<vmem>> -> memref<1x64x16xf32, #tpu.memory_space<vmem>>
        %dma_start3A_471 = tpu.memref_squeeze %dma_start3A_470 : memref<1x64x16xf32, #tpu.memory_space<vmem>> -> memref<64x16xf32, #tpu.memory_space<vmem>>
        %dma_start3A_472 = arith.constant 0 : i32
        %dma_start3A_473 = tpu.memref_slice %arg4[%add3A_419, %dma_start3A_472] : memref<10240x16xf32, #tpu.memory_space<hbm>> -> memref<64x16xf32, #tpu.memory_space<hbm>>
        tpu.enqueue_dma source(%dma_start3A_473 : memref<64x16xf32, #tpu.memory_space<hbm>>) target(%dma_start3A_471 : memref<64x16xf32, #tpu.memory_space<vmem>>) target_semaphore(%arg23 : memref<!tpu.dma_semaphore, #tpu.memory_space<semaphore_mem>>)
      } else {
      }
      %ge3A = arith.constant 2 : i32
      %ge3A_385 = arith.cmpi sge, %scan3A_307, %ge3A : i32
      %convert_element_type3A_386 = arith.extui %ge3A_385 : i1 to i32
      %cond3A_387 = arith.constant 0 : i32
      %cond3A_388 = arith.cmpi ne, %convert_element_type3A_386, %cond3A_387 : i32
      scf.if %cond3A_388 {
        %dma_wait3A_412 = arith.constant 0 : i32
        %dma_wait3A_413 = arith.constant 0 : i32
        %dma_wait3A_414 = arith.constant 0 : i32
        %dma_wait3A_415 = tpu.memref_slice %arg17[%dma_wait3A_412, %dma_wait3A_413, %dma_wait3A_414] : memref<2x64x16xf32, #tpu.memory_space<vmem>> -> memref<1x64x16xf32, #tpu.memory_space<vmem>>
        %dma_wait3A_416 = tpu.memref_squeeze %dma_wait3A_415 : memref<1x64x16xf32, #tpu.memory_space<vmem>> -> memref<64x16xf32, #tpu.memory_space<vmem>>
        %dma_wait3A_417 = arith.constant 0 : i32
        %dma_wait3A_418 = arith.constant 0 : i32
        %dma_wait3A_419 = tpu.memref_slice %arg20[%dma_wait3A_417, %dma_wait3A_418] : memref<10240x16xf32, #tpu.memory_space<vmem_shared>> -> memref<64x16xf32, #tpu.memory_space<vmem_shared>>
        %dma_wait3A_420 = arith.constant 0 : i32
        %dma_wait3A_421 = arith.constant 0 : i32
        %dma_wait3A_422 = tpu.memref_slice %arg20[%dma_wait3A_420, %dma_wait3A_421] : memref<10240x16xf32, #tpu.memory_space<vmem_shared>> -> memref<64x16xf32, #tpu.memory_space<vmem_shared>>
        %dma_wait3A_423 = arith.constant 0 : i32
        %dma_wait3A_424 = arith.constant 0 : i32
        %dma_wait3A_425 = tpu.memref_slice %arg17[%dma_wait3A_412, %dma_wait3A_423, %dma_wait3A_424] : memref<2x64x16xf32, #tpu.memory_space<vmem>> -> memref<1x64x16xf32, #tpu.memory_space<vmem>>
        %dma_wait3A_426 = tpu.memref_squeeze %dma_wait3A_425 : memref<1x64x16xf32, #tpu.memory_space<vmem>> -> memref<64x16xf32, #tpu.memory_space<vmem>>
        tpu.wait_dma2 semaphore(%arg24 : memref<!tpu.dma_semaphore, #tpu.memory_space<semaphore_mem>>) src(%dma_wait3A_426 : memref<64x16xf32, #tpu.memory_space<vmem>>) dst(%dma_wait3A_422 : memref<64x16xf32, #tpu.memory_space<vmem_shared>>)
      } else {
      }
      %scan3A_389 = arith.constant 0 : i32
      %scan3A_390 = arith.constant 0 : i32
      %scan3A_391 = arith.constant 64 : i32
      %scan3A_392 = arith.addi %scan3A_390, %scan3A_391 : i32
      %scan3A_393 = arith.constant 1 : i32
      scf.for %scan3A_412 = %scan3A_390 to %scan3A_392 step %scan3A_393  : i32 {
        %get3A = arith.index_cast %rem3A_308 : i32 to index
        %get3A_413 = arith.index_cast %scan3A_412 : i32 to index
        %get3A_414 = arith.constant 0 : index
        %get3A_415 = tpu.vector_load %arg13[%get3A, %get3A_413, %get3A_414] {strides = array<i32>} : memref<2x64x16xf32, #tpu.memory_space<vmem>>, vector<1x1x16xf32>,
        %get3A_416 = vector.shape_cast %get3A_415 : vector<1x1x16xf32> to vector<16xf32>
        %get3A_417 = arith.index_cast %rem3A_308 : i32 to index
        %get3A_418 = arith.index_cast %scan3A_412 : i32 to index
        %get3A_419 = arith.constant 0 : index
        %get3A_420 = tpu.vector_load %arg14[%get3A_417, %get3A_418, %get3A_419] {strides = array<i32>} : memref<2x64x16xf32, #tpu.memory_space<vmem>>, vector<1x1x16xf32>,
        %get3A_421 = vector.shape_cast %get3A_420 : vector<1x1x16xf32> to vector<16xf32>
        %add3A_422 = arith.addf %get3A_416, %get3A_421 : vector<16xf32>
        %get3A_423 = arith.index_cast %rem3A_308 : i32 to index
        %get3A_424 = arith.index_cast %scan3A_412 : i32 to index
        %get3A_425 = arith.constant 0 : index
        %get3A_426 = tpu.vector_load %arg16[%get3A_423, %get3A_424, %get3A_425] {strides = array<i32>} : memref<2x64x16xf32, #tpu.memory_space<vmem>>, vector<1x1x16xf32>,
        %get3A_427 = vector.shape_cast %get3A_426 : vector<1x1x16xf32> to vector<16xf32>
        %mul3A_428 = arith.mulf %add3A_422, %get3A_427 : vector<16xf32>
        %get3A_429 = arith.constant 0 : index
        %get3A_430 = tpu.vector_load %arg18[%get3A_429] {strides = array<i32>} : memref<16xf32, #tpu.memory_space<vmem>>, vector<16xf32>,
        %get3A_431 = vector.shape_cast %get3A_430 : vector<16xf32> to vector<16xf32>
        %add3A_432 = arith.addf %mul3A_428, %get3A_431 : vector<16xf32>
        %max3A = arith.constant 0.000000e+00 : f32
        %max3A_433 = vector.broadcast %max3A : f32 to vector<16xf32>
        %max3A_434 = arith.maximumf %add3A_432, %max3A_433 : vector<16xf32>
        %get3A_435 = arith.index_cast %rem3A_308 : i32 to index
        %get3A_436 = arith.index_cast %scan3A_412 : i32 to index
        %get3A_437 = arith.constant 0 : index
        %get3A_438 = tpu.vector_load %arg15[%get3A_435, %get3A_436, %get3A_437] {strides = array<i32>} : memref<2x64x16xf32, #tpu.memory_space<vmem>>, vector<1x1x16xf32>,
        %get3A_439 = vector.shape_cast %get3A_438 : vector<1x1x16xf32> to vector<16xf32>
        %mul3A_440 = arith.mulf %max3A_434, %get3A_439 : vector<16xf32>
        %swap3A = arith.index_cast %rem3A_308 : i32 to index
        %swap3A_441 = arith.index_cast %scan3A_412 : i32 to index
        %swap3A_442 = arith.constant 0 : index
        %swap3A_443 = tpu.vector_load %arg17[%swap3A, %swap3A_441, %swap3A_442] {strides = array<i32>} : memref<2x64x16xf32, #tpu.memory_space<vmem>>, vector<1x1x16xf32>,
        %swap3A_444 = vector.shape_cast %swap3A_443 : vector<1x1x16xf32> to vector<16xf32>
        %swap3A_445 = vector.shape_cast %mul3A_440 : vector<16xf32> to vector<1x1x16xf32>
        tpu.vector_store %arg17[%swap3A, %swap3A_441, %swap3A_442], %swap3A_445 {strides = array<i32>} : memref<2x64x16xf32, #tpu.memory_space<vmem>>, vector<1x1x16xf32>,
      }
      %scan3A_394 = arith.constant 64 : i32
      %mul3A_395 = arith.constant 640 : i32
      %mul3A_396 = arith.muli %arg1, %mul3A_395 : i32
      %mul3A_397 = arith.constant 64 : i32
      %mul3A_398 = arith.muli %scan3A_307, %mul3A_397 : i32
      %add3A_399 = arith.addi %mul3A_396, %mul3A_398 : i32
      %dma_start3A_400 = arith.constant 0 : i32
      %dma_start3A_401 = arith.constant 0 : i32
      %dma_start3A_402 = tpu.memref_slice %arg17[%rem3A_308, %dma_start3A_400, %dma_start3A_401] : memref<2x64x16xf32, #tpu.memory_space<vmem>> -> memref<1x64x16xf32, #tpu.memory_space<vmem>>
      %dma_start3A_403 = tpu.memref_squeeze %dma_start3A_402 : memref<1x64x16xf32, #tpu.memory_space<vmem>> -> memref<64x16xf32, #tpu.memory_space<vmem>>
      %dma_start3A_404 = arith.constant 0 : i32
      %dma_start3A_405 = tpu.memref_slice %arg20[%add3A_399, %dma_start3A_404] : memref<10240x16xf32, #tpu.memory_space<vmem_shared>> -> memref<64x16xf32, #tpu.memory_space<vmem_shared>>
      %dma_start3A_406 = arith.constant 0 : i32
      %dma_start3A_407 = tpu.memref_slice %arg20[%add3A_399, %dma_start3A_406] : memref<10240x16xf32, #tpu.memory_space<vmem_shared>> -> memref<64x16xf32, #tpu.memory_space<vmem_shared>>
      %dma_start3A_408 = arith.constant 0 : i32
      %dma_start3A_409 = arith.constant 0 : i32
      %dma_start3A_410 = tpu.memref_slice %arg17[%rem3A_308, %dma_start3A_408, %dma_start3A_409] : memref<2x64x16xf32, #tpu.memory_space<vmem>> -> memref<1x64x16xf32, #tpu.memory_space<vmem>>
      %dma_start3A_411 = tpu.memref_squeeze %dma_start3A_410 : memref<1x64x16xf32, #tpu.memory_space<vmem>> -> memref<64x16xf32, #tpu.memory_space<vmem>>
      tpu.enqueue_dma source(%dma_start3A_411 : memref<64x16xf32, #tpu.memory_space<vmem>>) target(%dma_start3A_407 : memref<64x16xf32, #tpu.memory_space<vmem_shared>>) target_semaphore(%arg24 : memref<!tpu.dma_semaphore, #tpu.memory_space<semaphore_mem>>)
    }
    %scan3A_70 = arith.constant 10 : i32
    %dma_wait3A = arith.constant 0 : i32
    %dma_wait3A_71 = arith.constant 0 : i32
    %dma_wait3A_72 = arith.constant 0 : i32
    %dma_wait3A_73 = tpu.memref_slice %arg17[%dma_wait3A, %dma_wait3A_71, %dma_wait3A_72] : memref<2x64x16xf32, #tpu.memory_space<vmem>> -> memref<1x64x16xf32, #tpu.memory_space<vmem>>
    %dma_wait3A_74 = tpu.memref_squeeze %dma_wait3A_73 : memref<1x64x16xf32, #tpu.memory_space<vmem>> -> memref<64x16xf32, #tpu.memory_space<vmem>>
    %dma_wait3A_75 = arith.constant 0 : i32
    %dma_wait3A_76 = arith.constant 0 : i32
    %dma_wait3A_77 = tpu.memref_slice %arg20[%dma_wait3A_75, %dma_wait3A_76] : memref<10240x16xf32, #tpu.memory_space<vmem_shared>> -> memref<64x16xf32, #tpu.memory_space<vmem_shared>>
    %dma_wait3A_78 = arith.constant 0 : i32
    %dma_wait3A_79 = arith.constant 0 : i32
    %dma_wait3A_80 = tpu.memref_slice %arg20[%dma_wait3A_78, %dma_wait3A_79] : memref<10240x16xf32, #tpu.memory_space<vmem_shared>> -> memref<64x16xf32, #tpu.memory_space<vmem_shared>>
    %dma_wait3A_81 = arith.constant 0 : i32
    %dma_wait3A_82 = arith.constant 0 : i32
    %dma_wait3A_83 = tpu.memref_slice %arg17[%dma_wait3A, %dma_wait3A_81, %dma_wait3A_82] : memref<2x64x16xf32, #tpu.memory_space<vmem>> -> memref<1x64x16xf32, #tpu.memory_space<vmem>>
    %dma_wait3A_84 = tpu.memref_squeeze %dma_wait3A_83 : memref<1x64x16xf32, #tpu.memory_space<vmem>> -> memref<64x16xf32, #tpu.memory_space<vmem>>
    tpu.wait_dma2 semaphore(%arg24 : memref<!tpu.dma_semaphore, #tpu.memory_space<semaphore_mem>>) src(%dma_wait3A_84 : memref<64x16xf32, #tpu.memory_space<vmem>>) dst(%dma_wait3A_80 : memref<64x16xf32, #tpu.memory_space<vmem_shared>>)
    %dma_wait3A_85 = arith.constant 0 : i32
    %dma_wait3A_86 = arith.constant 0 : i32
    %dma_wait3A_87 = arith.constant 0 : i32
    %dma_wait3A_88 = tpu.memref_slice %arg17[%dma_wait3A_85, %dma_wait3A_86, %dma_wait3A_87] : memref<2x64x16xf32, #tpu.memory_space<vmem>> -> memref<1x64x16xf32, #tpu.memory_space<vmem>>
    %dma_wait3A_89 = tpu.memref_squeeze %dma_wait3A_88 : memref<1x64x16xf32, #tpu.memory_space<vmem>> -> memref<64x16xf32, #tpu.memory_space<vmem>>
    %dma_wait3A_90 = arith.constant 0 : i32
    %dma_wait3A_91 = arith.constant 0 : i32
    %dma_wait3A_92 = tpu.memref_slice %arg20[%dma_wait3A_90, %dma_wait3A_91] : memref<10240x16xf32, #tpu.memory_space<vmem_shared>> -> memref<64x16xf32, #tpu.memory_space<vmem_shared>>
    %dma_wait3A_93 = arith.constant 0 : i32
    %dma_wait3A_94 = arith.constant 0 : i32
    %dma_wait3A_95 = tpu.memref_slice %arg20[%dma_wait3A_93, %dma_wait3A_94] : memref<10240x16xf32, #tpu.memory_space<vmem_shared>> -> memref<64x16xf32, #tpu.memory_space<vmem_shared>>
    %dma_wait3A_96 = arith.constant 0 : i32
    %dma_wait3A_97 = arith.constant 0 : i32
    %dma_wait3A_98 = tpu.memref_slice %arg17[%dma_wait3A_85, %dma_wait3A_96, %dma_wait3A_97] : memref<2x64x16xf32, #tpu.memory_space<vmem>> -> memref<1x64x16xf32, #tpu.memory_space<vmem>>
    %dma_wait3A_99 = tpu.memref_squeeze %dma_wait3A_98 : memref<1x64x16xf32, #tpu.memory_space<vmem>> -> memref<64x16xf32, #tpu.memory_space<vmem>>
    tpu.wait_dma2 semaphore(%arg24 : memref<!tpu.dma_semaphore, #tpu.memory_space<semaphore_mem>>) src(%dma_wait3A_99 : memref<64x16xf32, #tpu.memory_space<vmem>>) dst(%dma_wait3A_95 : memref<64x16xf32, #tpu.memory_space<vmem_shared>>)
    %barrier3A = arith.constant 0 : index
    tpu.barrier barrier_id(%barrier3A)
    %mul3A_100 = arith.constant 40 : i32
    %mul3A_101 = arith.muli %add3A, %mul3A_100 : i32
    "tpu.region"() ({
      %run_scoped3A = tpu.sem_alloc : memref<!tpu.dma_semaphore, #tpu.memory_space<semaphore_mem>>
      %dma_start3A_307 = arith.constant 0 : i32
      %dma_start3A_308 = tpu.memref_slice %arg6[%mul3A_101, %dma_start3A_307] : memref<1280x256xi32, #tpu.memory_space<hbm>> -> memref<40x256xi32, #tpu.memory_space<hbm>>
      %dma_start3A_309 = arith.constant 0 : i32
      %dma_start3A_310 = tpu.memref_slice %arg6[%mul3A_101, %dma_start3A_309] : memref<1280x256xi32, #tpu.memory_space<hbm>> -> memref<40x256xi32, #tpu.memory_space<hbm>>
      tpu.enqueue_dma source(%dma_start3A_310 : memref<40x256xi32, #tpu.memory_space<hbm>>) target(%arg10 : memref<40x256xi32, #tpu.memory_space<vmem>>) target_semaphore(%run_scoped3A : memref<!tpu.dma_semaphore, #tpu.memory_space<semaphore_mem>>)
      %dma_wait3A_311 = arith.constant 0 : i32
      %dma_wait3A_312 = tpu.memref_slice %arg6[%mul3A_101, %dma_wait3A_311] : memref<1280x256xi32, #tpu.memory_space<hbm>> -> memref<40x256xi32, #tpu.memory_space<hbm>>
      %dma_wait3A_313 = arith.constant 0 : i32
      %dma_wait3A_314 = tpu.memref_slice %arg6[%mul3A_101, %dma_wait3A_313] : memref<1280x256xi32, #tpu.memory_space<hbm>> -> memref<40x256xi32, #tpu.memory_space<hbm>>
      tpu.wait_dma2 semaphore(%run_scoped3A : memref<!tpu.dma_semaphore, #tpu.memory_space<semaphore_mem>>) src(%dma_wait3A_314 : memref<40x256xi32, #tpu.memory_space<hbm>>) dst(%arg10 : memref<40x256xi32, #tpu.memory_space<vmem>>)
      tpu.yield
    }) : () -> ()
    %mul3A_102 = arith.constant 40 : i32
    %mul3A_103 = arith.muli %add3A, %mul3A_102 : i32
    "tpu.region"() ({
      %run_scoped3A = tpu.sem_alloc : memref<!tpu.dma_semaphore, #tpu.memory_space<semaphore_mem>>
      %dma_start3A_307 = arith.constant 0 : i32
      %dma_start3A_308 = tpu.memref_slice %arg7[%mul3A_103, %dma_start3A_307] : memref<1280x256xi32, #tpu.memory_space<hbm>> -> memref<40x256xi32, #tpu.memory_space<hbm>>
      %dma_start3A_309 = arith.constant 0 : i32
      %dma_start3A_310 = tpu.memref_slice %arg7[%mul3A_103, %dma_start3A_309] : memref<1280x256xi32, #tpu.memory_space<hbm>> -> memref<40x256xi32, #tpu.memory_space<hbm>>
      tpu.enqueue_dma source(%dma_start3A_310 : memref<40x256xi32, #tpu.memory_space<hbm>>) target(%arg11 : memref<40x256xi32, #tpu.memory_space<vmem>>) target_semaphore(%run_scoped3A : memref<!tpu.dma_semaphore, #tpu.memory_space<semaphore_mem>>)
      %dma_wait3A_311 = arith.constant 0 : i32
      %dma_wait3A_312 = tpu.memref_slice %arg7[%mul3A_103, %dma_wait3A_311] : memref<1280x256xi32, #tpu.memory_space<hbm>> -> memref<40x256xi32, #tpu.memory_space<hbm>>
      %dma_wait3A_313 = arith.constant 0 : i32
      %dma_wait3A_314 = tpu.memref_slice %arg7[%mul3A_103, %dma_wait3A_313] : memref<1280x256xi32, #tpu.memory_space<hbm>> -> memref<40x256xi32, #tpu.memory_space<hbm>>
      tpu.wait_dma2 semaphore(%run_scoped3A : memref<!tpu.dma_semaphore, #tpu.memory_space<semaphore_mem>>) src(%dma_wait3A_314 : memref<40x256xi32, #tpu.memory_space<hbm>>) dst(%arg11 : memref<40x256xi32, #tpu.memory_space<vmem>>)
      tpu.yield
    }) : () -> ()
    %dma_start3A_104 = arith.constant 0 : i32
    %dma_start3A_105 = arith.constant 0 : i32
    %dma_start3A_106 = arith.constant 0 : i32
    %dma_start3A_107 = arith.constant 0 : i32
    %dma_start3A_108 = tpu.memref_slice %arg12[%dma_start3A_105, %dma_start3A_106, %dma_start3A_107] : memref<8x256x16xf32, #tpu.memory_space<vmem>> -> memref<1x256x16xf32, #tpu.memory_space<vmem>>
    %dma_start3A_109 = tpu.memref_squeeze %dma_start3A_108 : memref<1x256x16xf32, #tpu.memory_space<vmem>> -> memref<256x16xf32, #tpu.memory_space<vmem>>
    %dma_start3A_110 = arith.constant 0 : i32
    %dma_start3A_111 = tpu.memref_slice %arg10[%dma_start3A_104, %dma_start3A_110] : memref<40x256xi32, #tpu.memory_space<vmem>> -> memref<1x256xi32, #tpu.memory_space<vmem>>
    %dma_start3A_112 = tpu.memref_squeeze %dma_start3A_111 : memref<1x256xi32, #tpu.memory_space<vmem>> -> memref<256xi32, #tpu.memory_space<vmem>>
    %dma_start3A_113 = arith.constant 0 : i32
    %dma_start3A_114 = arith.constant 0 : i32
    %dma_start3A_115 = tpu.memref_slice %arg20[%dma_start3A_113, %dma_start3A_114] : memref<10240x16xf32, #tpu.memory_space<vmem_shared>> -> memref<10240x16xf32, #tpu.memory_space<vmem_shared>>
    tpu.enqueue_indirect_dma source(%dma_start3A_115 : memref<10240x16xf32, #tpu.memory_space<vmem_shared>>) target(%dma_start3A_109 : memref<256x16xf32, #tpu.memory_space<vmem>>) offsets(%dma_start3A_112 : memref<256xi32, #tpu.memory_space<vmem>>) semaphore(%arg21 : memref<!tpu.dma_semaphore, #tpu.memory_space<semaphore_mem>>)
    %dma_start3A_116 = arith.constant 1 : i32
    %dma_start3A_117 = arith.constant 1 : i32
    %dma_start3A_118 = arith.constant 0 : i32
    %dma_start3A_119 = arith.constant 0 : i32
    %dma_start3A_120 = tpu.memref_slice %arg12[%dma_start3A_117, %dma_start3A_118, %dma_start3A_119] : memref<8x256x16xf32, #tpu.memory_space<vmem>> -> memref<1x256x16xf32, #tpu.memory_space<vmem>>
    %dma_start3A_121 = tpu.memref_squeeze %dma_start3A_120 : memref<1x256x16xf32, #tpu.memory_space<vmem>> -> memref<256x16xf32, #tpu.memory_space<vmem>>
    %dma_start3A_122 = arith.constant 0 : i32
    %dma_start3A_123 = tpu.memref_slice %arg10[%dma_start3A_116, %dma_start3A_122] : memref<40x256xi32, #tpu.memory_space<vmem>> -> memref<1x256xi32, #tpu.memory_space<vmem>>
    %dma_start3A_124 = tpu.memref_squeeze %dma_start3A_123 : memref<1x256xi32, #tpu.memory_space<vmem>> -> memref<256xi32, #tpu.memory_space<vmem>>
    %dma_start3A_125 = arith.constant 0 : i32
    %dma_start3A_126 = arith.constant 0 : i32
    %dma_start3A_127 = tpu.memref_slice %arg20[%dma_start3A_125, %dma_start3A_126] : memref<10240x16xf32, #tpu.memory_space<vmem_shared>> -> memref<10240x16xf32, #tpu.memory_space<vmem_shared>>
    tpu.enqueue_indirect_dma source(%dma_start3A_127 : memref<10240x16xf32, #tpu.memory_space<vmem_shared>>) target(%dma_start3A_121 : memref<256x16xf32, #tpu.memory_space<vmem>>) offsets(%dma_start3A_124 : memref<256xi32, #tpu.memory_space<vmem>>) semaphore(%arg21 : memref<!tpu.dma_semaphore, #tpu.memory_space<semaphore_mem>>)
    %dma_start3A_128 = arith.constant 2 : i32
    %dma_start3A_129 = arith.constant 2 : i32
    %dma_start3A_130 = arith.constant 0 : i32
    %dma_start3A_131 = arith.constant 0 : i32
    %dma_start3A_132 = tpu.memref_slice %arg12[%dma_start3A_129, %dma_start3A_130, %dma_start3A_131] : memref<8x256x16xf32, #tpu.memory_space<vmem>> -> memref<1x256x16xf32, #tpu.memory_space<vmem>>
    %dma_start3A_133 = tpu.memref_squeeze %dma_start3A_132 : memref<1x256x16xf32, #tpu.memory_space<vmem>> -> memref<256x16xf32, #tpu.memory_space<vmem>>
    %dma_start3A_134 = arith.constant 0 : i32
    %dma_start3A_135 = tpu.memref_slice %arg10[%dma_start3A_128, %dma_start3A_134] : memref<40x256xi32, #tpu.memory_space<vmem>> -> memref<1x256xi32, #tpu.memory_space<vmem>>
    %dma_start3A_136 = tpu.memref_squeeze %dma_start3A_135 : memref<1x256xi32, #tpu.memory_space<vmem>> -> memref<256xi32, #tpu.memory_space<vmem>>
    %dma_start3A_137 = arith.constant 0 : i32
    %dma_start3A_138 = arith.constant 0 : i32
    %dma_start3A_139 = tpu.memref_slice %arg20[%dma_start3A_137, %dma_start3A_138] : memref<10240x16xf32, #tpu.memory_space<vmem_shared>> -> memref<10240x16xf32, #tpu.memory_space<vmem_shared>>
    tpu.enqueue_indirect_dma source(%dma_start3A_139 : memref<10240x16xf32, #tpu.memory_space<vmem_shared>>) target(%dma_start3A_133 : memref<256x16xf32, #tpu.memory_space<vmem>>) offsets(%dma_start3A_136 : memref<256xi32, #tpu.memory_space<vmem>>) semaphore(%arg21 : memref<!tpu.dma_semaphore, #tpu.memory_space<semaphore_mem>>)
    %dma_start3A_140 = arith.constant 3 : i32
    %dma_start3A_141 = arith.constant 3 : i32
    %dma_start3A_142 = arith.constant 0 : i32
    %dma_start3A_143 = arith.constant 0 : i32
    %dma_start3A_144 = tpu.memref_slice %arg12[%dma_start3A_141, %dma_start3A_142, %dma_start3A_143] : memref<8x256x16xf32, #tpu.memory_space<vmem>> -> memref<1x256x16xf32, #tpu.memory_space<vmem>>
    %dma_start3A_145 = tpu.memref_squeeze %dma_start3A_144 : memref<1x256x16xf32, #tpu.memory_space<vmem>> -> memref<256x16xf32, #tpu.memory_space<vmem>>
    %dma_start3A_146 = arith.constant 0 : i32
    %dma_start3A_147 = tpu.memref_slice %arg10[%dma_start3A_140, %dma_start3A_146] : memref<40x256xi32, #tpu.memory_space<vmem>> -> memref<1x256xi32, #tpu.memory_space<vmem>>
    %dma_start3A_148 = tpu.memref_squeeze %dma_start3A_147 : memref<1x256xi32, #tpu.memory_space<vmem>> -> memref<256xi32, #tpu.memory_space<vmem>>
    %dma_start3A_149 = arith.constant 0 : i32
    %dma_start3A_150 = arith.constant 0 : i32
    %dma_start3A_151 = tpu.memref_slice %arg20[%dma_start3A_149, %dma_start3A_150] : memref<10240x16xf32, #tpu.memory_space<vmem_shared>> -> memref<10240x16xf32, #tpu.memory_space<vmem_shared>>
    tpu.enqueue_indirect_dma source(%dma_start3A_151 : memref<10240x16xf32, #tpu.memory_space<vmem_shared>>) target(%dma_start3A_145 : memref<256x16xf32, #tpu.memory_space<vmem>>) offsets(%dma_start3A_148 : memref<256xi32, #tpu.memory_space<vmem>>) semaphore(%arg21 : memref<!tpu.dma_semaphore, #tpu.memory_space<semaphore_mem>>)
    %dma_start3A_152 = arith.constant 4 : i32
    %dma_start3A_153 = arith.constant 4 : i32
    %dma_start3A_154 = arith.constant 0 : i32
    %dma_start3A_155 = arith.constant 0 : i32
    %dma_start3A_156 = tpu.memref_slice %arg12[%dma_start3A_153, %dma_start3A_154, %dma_start3A_155] : memref<8x256x16xf32, #tpu.memory_space<vmem>> -> memref<1x256x16xf32, #tpu.memory_space<vmem>>
    %dma_start3A_157 = tpu.memref_squeeze %dma_start3A_156 : memref<1x256x16xf32, #tpu.memory_space<vmem>> -> memref<256x16xf32, #tpu.memory_space<vmem>>
    %dma_start3A_158 = arith.constant 0 : i32
    %dma_start3A_159 = tpu.memref_slice %arg10[%dma_start3A_152, %dma_start3A_158] : memref<40x256xi32, #tpu.memory_space<vmem>> -> memref<1x256xi32, #tpu.memory_space<vmem>>
    %dma_start3A_160 = tpu.memref_squeeze %dma_start3A_159 : memref<1x256xi32, #tpu.memory_space<vmem>> -> memref<256xi32, #tpu.memory_space<vmem>>
    %dma_start3A_161 = arith.constant 0 : i32
    %dma_start3A_162 = arith.constant 0 : i32
    %dma_start3A_163 = tpu.memref_slice %arg20[%dma_start3A_161, %dma_start3A_162] : memref<10240x16xf32, #tpu.memory_space<vmem_shared>> -> memref<10240x16xf32, #tpu.memory_space<vmem_shared>>
    tpu.enqueue_indirect_dma source(%dma_start3A_163 : memref<10240x16xf32, #tpu.memory_space<vmem_shared>>) target(%dma_start3A_157 : memref<256x16xf32, #tpu.memory_space<vmem>>) offsets(%dma_start3A_160 : memref<256xi32, #tpu.memory_space<vmem>>) semaphore(%arg21 : memref<!tpu.dma_semaphore, #tpu.memory_space<semaphore_mem>>)
    %dma_start3A_164 = arith.constant 5 : i32
    %dma_start3A_165 = arith.constant 5 : i32
    %dma_start3A_166 = arith.constant 0 : i32
    %dma_start3A_167 = arith.constant 0 : i32
    %dma_start3A_168 = tpu.memref_slice %arg12[%dma_start3A_165, %dma_start3A_166, %dma_start3A_167] : memref<8x256x16xf32, #tpu.memory_space<vmem>> -> memref<1x256x16xf32, #tpu.memory_space<vmem>>
    %dma_start3A_169 = tpu.memref_squeeze %dma_start3A_168 : memref<1x256x16xf32, #tpu.memory_space<vmem>> -> memref<256x16xf32, #tpu.memory_space<vmem>>
    %dma_start3A_170 = arith.constant 0 : i32
    %dma_start3A_171 = tpu.memref_slice %arg10[%dma_start3A_164, %dma_start3A_170] : memref<40x256xi32, #tpu.memory_space<vmem>> -> memref<1x256xi32, #tpu.memory_space<vmem>>
    %dma_start3A_172 = tpu.memref_squeeze %dma_start3A_171 : memref<1x256xi32, #tpu.memory_space<vmem>> -> memref<256xi32, #tpu.memory_space<vmem>>
    %dma_start3A_173 = arith.constant 0 : i32
    %dma_start3A_174 = arith.constant 0 : i32
    %dma_start3A_175 = tpu.memref_slice %arg20[%dma_start3A_173, %dma_start3A_174] : memref<10240x16xf32, #tpu.memory_space<vmem_shared>> -> memref<10240x16xf32, #tpu.memory_space<vmem_shared>>
    tpu.enqueue_indirect_dma source(%dma_start3A_175 : memref<10240x16xf32, #tpu.memory_space<vmem_shared>>) target(%dma_start3A_169 : memref<256x16xf32, #tpu.memory_space<vmem>>) offsets(%dma_start3A_172 : memref<256xi32, #tpu.memory_space<vmem>>) semaphore(%arg21 : memref<!tpu.dma_semaphore, #tpu.memory_space<semaphore_mem>>)
    %dma_start3A_176 = arith.constant 6 : i32
    %dma_start3A_177 = arith.constant 6 : i32
    %dma_start3A_178 = arith.constant 0 : i32
    %dma_start3A_179 = arith.constant 0 : i32
    %dma_start3A_180 = tpu.memref_slice %arg12[%dma_start3A_177, %dma_start3A_178, %dma_start3A_179] : memref<8x256x16xf32, #tpu.memory_space<vmem>> -> memref<1x256x16xf32, #tpu.memory_space<vmem>>
    %dma_start3A_181 = tpu.memref_squeeze %dma_start3A_180 : memref<1x256x16xf32, #tpu.memory_space<vmem>> -> memref<256x16xf32, #tpu.memory_space<vmem>>
    %dma_start3A_182 = arith.constant 0 : i32
    %dma_start3A_183 = tpu.memref_slice %arg10[%dma_start3A_176, %dma_start3A_182] : memref<40x256xi32, #tpu.memory_space<vmem>> -> memref<1x256xi32, #tpu.memory_space<vmem>>
    %dma_start3A_184 = tpu.memref_squeeze %dma_start3A_183 : memref<1x256xi32, #tpu.memory_space<vmem>> -> memref<256xi32, #tpu.memory_space<vmem>>
    %dma_start3A_185 = arith.constant 0 : i32
    %dma_start3A_186 = arith.constant 0 : i32
    %dma_start3A_187 = tpu.memref_slice %arg20[%dma_start3A_185, %dma_start3A_186] : memref<10240x16xf32, #tpu.memory_space<vmem_shared>> -> memref<10240x16xf32, #tpu.memory_space<vmem_shared>>
    tpu.enqueue_indirect_dma source(%dma_start3A_187 : memref<10240x16xf32, #tpu.memory_space<vmem_shared>>) target(%dma_start3A_181 : memref<256x16xf32, #tpu.memory_space<vmem>>) offsets(%dma_start3A_184 : memref<256xi32, #tpu.memory_space<vmem>>) semaphore(%arg21 : memref<!tpu.dma_semaphore, #tpu.memory_space<semaphore_mem>>)
    %dma_start3A_188 = arith.constant 7 : i32
    %dma_start3A_189 = arith.constant 7 : i32
    %dma_start3A_190 = arith.constant 0 : i32
    %dma_start3A_191 = arith.constant 0 : i32
    %dma_start3A_192 = tpu.memref_slice %arg12[%dma_start3A_189, %dma_start3A_190, %dma_start3A_191] : memref<8x256x16xf32, #tpu.memory_space<vmem>> -> memref<1x256x16xf32, #tpu.memory_space<vmem>>
    %dma_start3A_193 = tpu.memref_squeeze %dma_start3A_192 : memref<1x256x16xf32, #tpu.memory_space<vmem>> -> memref<256x16xf32, #tpu.memory_space<vmem>>
    %dma_start3A_194 = arith.constant 0 : i32
    %dma_start3A_195 = tpu.memref_slice %arg10[%dma_start3A_188, %dma_start3A_194] : memref<40x256xi32, #tpu.memory_space<vmem>> -> memref<1x256xi32, #tpu.memory_space<vmem>>
    %dma_start3A_196 = tpu.memref_squeeze %dma_start3A_195 : memref<1x256xi32, #tpu.memory_space<vmem>> -> memref<256xi32, #tpu.memory_space<vmem>>
    %dma_start3A_197 = arith.constant 0 : i32
    %dma_start3A_198 = arith.constant 0 : i32
    %dma_start3A_199 = tpu.memref_slice %arg20[%dma_start3A_197, %dma_start3A_198] : memref<10240x16xf32, #tpu.memory_space<vmem_shared>> -> memref<10240x16xf32, #tpu.memory_space<vmem_shared>>
    tpu.enqueue_indirect_dma source(%dma_start3A_199 : memref<10240x16xf32, #tpu.memory_space<vmem_shared>>) target(%dma_start3A_193 : memref<256x16xf32, #tpu.memory_space<vmem>>) offsets(%dma_start3A_196 : memref<256xi32, #tpu.memory_space<vmem>>) semaphore(%arg21 : memref<!tpu.dma_semaphore, #tpu.memory_space<semaphore_mem>>)
    %scan3A_200 = arith.constant 0 : i32
    %scan3A_201 = arith.constant 0 : i32
    %scan3A_202 = arith.constant 40 : i32
    %scan3A_203 = arith.addi %scan3A_201, %scan3A_202 : i32
    %scan3A_204 = arith.constant 1 : i32
    scf.for %scan3A_307 = %scan3A_201 to %scan3A_203 step %scan3A_204  : i32 {
      %rem3A = arith.constant 8 : i32
      %rem3A_308 = arith.remsi %scan3A_307, %rem3A : i32
      %ge3A = arith.constant 1 : i32
      %ge3A_309 = arith.cmpi sge, %scan3A_307, %ge3A : i32
      %add3A_310 = arith.constant 8 : i32
      %add3A_311 = arith.addi %scan3A_307, %add3A_310 : i32
      %sub3A = arith.constant 1 : i32
      %sub3A_312 = arith.subi %add3A_311, %sub3A : i32
      %lt3A = arith.constant 40 : i32
      %lt3A_313 = arith.cmpi slt, %sub3A_312, %lt3A : i32
      %and3A = arith.andi %ge3A_309, %lt3A_313 : i1
      %convert_element_type3A = arith.extui %and3A : i1 to i32
      %cond3A = arith.constant 0 : i32
      %cond3A_314 = arith.cmpi ne, %convert_element_type3A, %cond3A : i32
      scf.if %cond3A_314 {
        %dma_wait3A_335 = arith.constant 0 : i32
        %dma_wait3A_336 = arith.constant 0 : i32
        %dma_wait3A_337 = arith.constant 0 : i32
        %dma_wait3A_338 = arith.constant 0 : i32
        %dma_wait3A_339 = tpu.memref_slice %arg12[%dma_wait3A_335, %dma_wait3A_337, %dma_wait3A_338] : memref<8x256x16xf32, #tpu.memory_space<vmem>> -> memref<1x256x16xf32, #tpu.memory_space<vmem>>
        %dma_wait3A_340 = tpu.memref_squeeze %dma_wait3A_339 : memref<1x256x16xf32, #tpu.memory_space<vmem>> -> memref<256x16xf32, #tpu.memory_space<vmem>>
        %dma_wait3A_341 = arith.constant 0 : i32
        %dma_wait3A_342 = tpu.memref_slice %arg11[%dma_wait3A_336, %dma_wait3A_341] : memref<40x256xi32, #tpu.memory_space<vmem>> -> memref<1x256xi32, #tpu.memory_space<vmem>>
        %dma_wait3A_343 = tpu.memref_squeeze %dma_wait3A_342 : memref<1x256xi32, #tpu.memory_space<vmem>> -> memref<256xi32, #tpu.memory_space<vmem>>
        %dma_wait3A_344 = arith.constant 0 : i32
        %dma_wait3A_345 = arith.constant 0 : i32
        %dma_wait3A_346 = tpu.memref_slice %arg19[%dma_wait3A_344, %dma_wait3A_345] : memref<10240x16xf32, #tpu.memory_space<vmem_shared>> -> memref<10240x16xf32, #tpu.memory_space<vmem_shared>>
        tpu.wait_indirect_dma semaphore(%arg22 : memref<!tpu.dma_semaphore, #tpu.memory_space<semaphore_mem>>) src(%dma_wait3A_340 : memref<256x16xf32, #tpu.memory_space<vmem>>) dst(%dma_wait3A_346 : memref<10240x16xf32, #tpu.memory_space<vmem_shared>>)
        %add3A_347 = arith.constant 8 : i32
        %add3A_348 = arith.addi %scan3A_307, %add3A_347 : i32
        %sub3A_349 = arith.constant 1 : i32
        %sub3A_350 = arith.subi %add3A_348, %sub3A_349 : i32
        %add3A_351 = arith.constant 8 : i32
        %add3A_352 = arith.addi %scan3A_307, %add3A_351 : i32
        %sub3A_353 = arith.constant 1 : i32
        %sub3A_354 = arith.subi %add3A_352, %sub3A_353 : i32
        %rem3A_355 = arith.constant 8 : i32
        %rem3A_356 = arith.remsi %sub3A_354, %rem3A_355 : i32
        %dma_start3A_357 = arith.constant 0 : i32
        %dma_start3A_358 = arith.constant 0 : i32
        %dma_start3A_359 = tpu.memref_slice %arg12[%rem3A_356, %dma_start3A_357, %dma_start3A_358] : memref<8x256x16xf32, #tpu.memory_space<vmem>> -> memref<1x256x16xf32, #tpu.memory_space<vmem>>
        %dma_start3A_360 = tpu.memref_squeeze %dma_start3A_359 : memref<1x256x16xf32, #tpu.memory_space<vmem>> -> memref<256x16xf32, #tpu.memory_space<vmem>>
        %dma_start3A_361 = arith.constant 0 : i32
        %dma_start3A_362 = tpu.memref_slice %arg10[%sub3A_350, %dma_start3A_361] : memref<40x256xi32, #tpu.memory_space<vmem>> -> memref<1x256xi32, #tpu.memory_space<vmem>>
        %dma_start3A_363 = tpu.memref_squeeze %dma_start3A_362 : memref<1x256xi32, #tpu.memory_space<vmem>> -> memref<256xi32, #tpu.memory_space<vmem>>
        %dma_start3A_364 = arith.constant 0 : i32
        %dma_start3A_365 = arith.constant 0 : i32
        %dma_start3A_366 = tpu.memref_slice %arg20[%dma_start3A_364, %dma_start3A_365] : memref<10240x16xf32, #tpu.memory_space<vmem_shared>> -> memref<10240x16xf32, #tpu.memory_space<vmem_shared>>
        tpu.enqueue_indirect_dma source(%dma_start3A_366 : memref<10240x16xf32, #tpu.memory_space<vmem_shared>>) target(%dma_start3A_360 : memref<256x16xf32, #tpu.memory_space<vmem>>) offsets(%dma_start3A_363 : memref<256xi32, #tpu.memory_space<vmem>>) semaphore(%arg21 : memref<!tpu.dma_semaphore, #tpu.memory_space<semaphore_mem>>)
      } else {
      }
      %dma_wait3A_315 = arith.constant 0 : i32
      %dma_wait3A_316 = arith.constant 0 : i32
      %dma_wait3A_317 = tpu.memref_slice %arg12[%rem3A_308, %dma_wait3A_315, %dma_wait3A_316] : memref<8x256x16xf32, #tpu.memory_space<vmem>> -> memref<1x256x16xf32, #tpu.memory_space<vmem>>
      %dma_wait3A_318 = tpu.memref_squeeze %dma_wait3A_317 : memref<1x256x16xf32, #tpu.memory_space<vmem>> -> memref<256x16xf32, #tpu.memory_space<vmem>>
      %dma_wait3A_319 = arith.constant 0 : i32
      %dma_wait3A_320 = tpu.memref_slice %arg10[%scan3A_307, %dma_wait3A_319] : memref<40x256xi32, #tpu.memory_space<vmem>> -> memref<1x256xi32, #tpu.memory_space<vmem>>
      %dma_wait3A_321 = tpu.memref_squeeze %dma_wait3A_320 : memref<1x256xi32, #tpu.memory_space<vmem>> -> memref<256xi32, #tpu.memory_space<vmem>>
      %dma_wait3A_322 = arith.constant 0 : i32
      %dma_wait3A_323 = arith.constant 0 : i32
      %dma_wait3A_324 = tpu.memref_slice %arg20[%dma_wait3A_322, %dma_wait3A_323] : memref<10240x16xf32, #tpu.memory_space<vmem_shared>> -> memref<10240x16xf32, #tpu.memory_space<vmem_shared>>
      tpu.wait_indirect_dma semaphore(%arg21 : memref<!tpu.dma_semaphore, #tpu.memory_space<semaphore_mem>>) src(%dma_wait3A_324 : memref<10240x16xf32, #tpu.memory_space<vmem_shared>>) dst(%dma_wait3A_318 : memref<256x16xf32, #tpu.memory_space<vmem>>)
      %dma_start3A_325 = arith.constant 0 : i32
      %dma_start3A_326 = arith.constant 0 : i32
      %dma_start3A_327 = tpu.memref_slice %arg12[%rem3A_308, %dma_start3A_325, %dma_start3A_326] : memref<8x256x16xf32, #tpu.memory_space<vmem>> -> memref<1x256x16xf32, #tpu.memory_space<vmem>>
      %dma_start3A_328 = tpu.memref_squeeze %dma_start3A_327 : memref<1x256x16xf32, #tpu.memory_space<vmem>> -> memref<256x16xf32, #tpu.memory_space<vmem>>
      %dma_start3A_329 = arith.constant 0 : i32
      %dma_start3A_330 = tpu.memref_slice %arg11[%scan3A_307, %dma_start3A_329] : memref<40x256xi32, #tpu.memory_space<vmem>> -> memref<1x256xi32, #tpu.memory_space<vmem>>
      %dma_start3A_331 = tpu.memref_squeeze %dma_start3A_330 : memref<1x256xi32, #tpu.memory_space<vmem>> -> memref<256xi32, #tpu.memory_space<vmem>>
      %dma_start3A_332 = arith.constant 0 : i32
      %dma_start3A_333 = arith.constant 0 : i32
      %dma_start3A_334 = tpu.memref_slice %arg19[%dma_start3A_332, %dma_start3A_333] : memref<10240x16xf32, #tpu.memory_space<vmem_shared>> -> memref<10240x16xf32, #tpu.memory_space<vmem_shared>>
      tpu.enqueue_indirect_dma source(%dma_start3A_328 : memref<256x16xf32, #tpu.memory_space<vmem>>) target(%dma_start3A_334 : memref<10240x16xf32, #tpu.memory_space<vmem_shared>>) offsets(%dma_start3A_331 : memref<256xi32, #tpu.memory_space<vmem>>) semaphore(%arg22 : memref<!tpu.dma_semaphore, #tpu.memory_space<semaphore_mem>>) {add = true}
    }
    %scan3A_205 = arith.constant 40 : i32
    %dma_wait3A_206 = arith.constant 0 : i32
    %dma_wait3A_207 = arith.constant 0 : i32
    %dma_wait3A_208 = arith.constant 0 : i32
    %dma_wait3A_209 = arith.constant 0 : i32
    %dma_wait3A_210 = tpu.memref_slice %arg12[%dma_wait3A_206, %dma_wait3A_208, %dma_wait3A_209] : memref<8x256x16xf32, #tpu.memory_space<vmem>> -> memref<1x256x16xf32, #tpu.memory_space<vmem>>
    %dma_wait3A_211 = tpu.memref_squeeze %dma_wait3A_210 : memref<1x256x16xf32, #tpu.memory_space<vmem>> -> memref<256x16xf32, #tpu.memory_space<vmem>>
    %dma_wait3A_212 = arith.constant 0 : i32
    %dma_wait3A_213 = tpu.memref_slice %arg11[%dma_wait3A_207, %dma_wait3A_212] : memref<40x256xi32, #tpu.memory_space<vmem>> -> memref<1x256xi32, #tpu.memory_space<vmem>>
    %dma_wait3A_214 = tpu.memref_squeeze %dma_wait3A_213 : memref<1x256xi32, #tpu.memory_space<vmem>> -> memref<256xi32, #tpu.memory_space<vmem>>
    %dma_wait3A_215 = arith.constant 0 : i32
    %dma_wait3A_216 = arith.constant 0 : i32
    %dma_wait3A_217 = tpu.memref_slice %arg19[%dma_wait3A_215, %dma_wait3A_216] : memref<10240x16xf32, #tpu.memory_space<vmem_shared>> -> memref<10240x16xf32, #tpu.memory_space<vmem_shared>>
    tpu.wait_indirect_dma semaphore(%arg22 : memref<!tpu.dma_semaphore, #tpu.memory_space<semaphore_mem>>) src(%dma_wait3A_211 : memref<256x16xf32, #tpu.memory_space<vmem>>) dst(%dma_wait3A_217 : memref<10240x16xf32, #tpu.memory_space<vmem_shared>>)
    %dma_wait3A_218 = arith.constant 0 : i32
    %dma_wait3A_219 = arith.constant 0 : i32
    %dma_wait3A_220 = arith.constant 0 : i32
    %dma_wait3A_221 = arith.constant 0 : i32
    %dma_wait3A_222 = tpu.memref_slice %arg12[%dma_wait3A_218, %dma_wait3A_220, %dma_wait3A_221] : memref<8x256x16xf32, #tpu.memory_space<vmem>> -> memref<1x256x16xf32, #tpu.memory_space<vmem>>
    %dma_wait3A_223 = tpu.memref_squeeze %dma_wait3A_222 : memref<1x256x16xf32, #tpu.memory_space<vmem>> -> memref<256x16xf32, #tpu.memory_space<vmem>>
    %dma_wait3A_224 = arith.constant 0 : i32
    %dma_wait3A_225 = tpu.memref_slice %arg11[%dma_wait3A_219, %dma_wait3A_224] : memref<40x256xi32, #tpu.memory_space<vmem>> -> memref<1x256xi32, #tpu.memory_space<vmem>>
    %dma_wait3A_226 = tpu.memref_squeeze %dma_wait3A_225 : memref<1x256xi32, #tpu.memory_space<vmem>> -> memref<256xi32, #tpu.memory_space<vmem>>
    %dma_wait3A_227 = arith.constant 0 : i32
    %dma_wait3A_228 = arith.constant 0 : i32
    %dma_wait3A_229 = tpu.memref_slice %arg19[%dma_wait3A_227, %dma_wait3A_228] : memref<10240x16xf32, #tpu.memory_space<vmem_shared>> -> memref<10240x16xf32, #tpu.memory_space<vmem_shared>>
    tpu.wait_indirect_dma semaphore(%arg22 : memref<!tpu.dma_semaphore, #tpu.memory_space<semaphore_mem>>) src(%dma_wait3A_223 : memref<256x16xf32, #tpu.memory_space<vmem>>) dst(%dma_wait3A_229 : memref<10240x16xf32, #tpu.memory_space<vmem_shared>>)
    %dma_wait3A_230 = arith.constant 0 : i32
    %dma_wait3A_231 = arith.constant 0 : i32
    %dma_wait3A_232 = arith.constant 0 : i32
    %dma_wait3A_233 = arith.constant 0 : i32
    %dma_wait3A_234 = tpu.memref_slice %arg12[%dma_wait3A_230, %dma_wait3A_232, %dma_wait3A_233] : memref<8x256x16xf32, #tpu.memory_space<vmem>> -> memref<1x256x16xf32, #tpu.memory_space<vmem>>
    %dma_wait3A_235 = tpu.memref_squeeze %dma_wait3A_234 : memref<1x256x16xf32, #tpu.memory_space<vmem>> -> memref<256x16xf32, #tpu.memory_space<vmem>>
    %dma_wait3A_236 = arith.constant 0 : i32
    %dma_wait3A_237 = tpu.memref_slice %arg11[%dma_wait3A_231, %dma_wait3A_236] : memref<40x256xi32, #tpu.memory_space<vmem>> -> memref<1x256xi32, #tpu.memory_space<vmem>>
    %dma_wait3A_238 = tpu.memref_squeeze %dma_wait3A_237 : memref<1x256xi32, #tpu.memory_space<vmem>> -> memref<256xi32, #tpu.memory_space<vmem>>
    %dma_wait3A_239 = arith.constant 0 : i32
    %dma_wait3A_240 = arith.constant 0 : i32
    %dma_wait3A_241 = tpu.memref_slice %arg19[%dma_wait3A_239, %dma_wait3A_240] : memref<10240x16xf32, #tpu.memory_space<vmem_shared>> -> memref<10240x16xf32, #tpu.memory_space<vmem_shared>>
    tpu.wait_indirect_dma semaphore(%arg22 : memref<!tpu.dma_semaphore, #tpu.memory_space<semaphore_mem>>) src(%dma_wait3A_235 : memref<256x16xf32, #tpu.memory_space<vmem>>) dst(%dma_wait3A_241 : memref<10240x16xf32, #tpu.memory_space<vmem_shared>>)
    %dma_wait3A_242 = arith.constant 0 : i32
    %dma_wait3A_243 = arith.constant 0 : i32
    %dma_wait3A_244 = arith.constant 0 : i32
    %dma_wait3A_245 = arith.constant 0 : i32
    %dma_wait3A_246 = tpu.memref_slice %arg12[%dma_wait3A_242, %dma_wait3A_244, %dma_wait3A_245] : memref<8x256x16xf32, #tpu.memory_space<vmem>> -> memref<1x256x16xf32, #tpu.memory_space<vmem>>
    %dma_wait3A_247 = tpu.memref_squeeze %dma_wait3A_246 : memref<1x256x16xf32, #tpu.memory_space<vmem>> -> memref<256x16xf32, #tpu.memory_space<vmem>>
    %dma_wait3A_248 = arith.constant 0 : i32
    %dma_wait3A_249 = tpu.memref_slice %arg11[%dma_wait3A_243, %dma_wait3A_248] : memref<40x256xi32, #tpu.memory_space<vmem>> -> memref<1x256xi32, #tpu.memory_space<vmem>>
    %dma_wait3A_250 = tpu.memref_squeeze %dma_wait3A_249 : memref<1x256xi32, #tpu.memory_space<vmem>> -> memref<256xi32, #tpu.memory_space<vmem>>
    %dma_wait3A_251 = arith.constant 0 : i32
    %dma_wait3A_252 = arith.constant 0 : i32
    %dma_wait3A_253 = tpu.memref_slice %arg19[%dma_wait3A_251, %dma_wait3A_252] : memref<10240x16xf32, #tpu.memory_space<vmem_shared>> -> memref<10240x16xf32, #tpu.memory_space<vmem_shared>>
    tpu.wait_indirect_dma semaphore(%arg22 : memref<!tpu.dma_semaphore, #tpu.memory_space<semaphore_mem>>) src(%dma_wait3A_247 : memref<256x16xf32, #tpu.memory_space<vmem>>) dst(%dma_wait3A_253 : memref<10240x16xf32, #tpu.memory_space<vmem_shared>>)
    %dma_wait3A_254 = arith.constant 0 : i32
    %dma_wait3A_255 = arith.constant 0 : i32
    %dma_wait3A_256 = arith.constant 0 : i32
    %dma_wait3A_257 = arith.constant 0 : i32
    %dma_wait3A_258 = tpu.memref_slice %arg12[%dma_wait3A_254, %dma_wait3A_256, %dma_wait3A_257] : memref<8x256x16xf32, #tpu.memory_space<vmem>> -> memref<1x256x16xf32, #tpu.memory_space<vmem>>
    %dma_wait3A_259 = tpu.memref_squeeze %dma_wait3A_258 : memref<1x256x16xf32, #tpu.memory_space<vmem>> -> memref<256x16xf32, #tpu.memory_space<vmem>>
    %dma_wait3A_260 = arith.constant 0 : i32
    %dma_wait3A_261 = tpu.memref_slice %arg11[%dma_wait3A_255, %dma_wait3A_260] : memref<40x256xi32, #tpu.memory_space<vmem>> -> memref<1x256xi32, #tpu.memory_space<vmem>>
    %dma_wait3A_262 = tpu.memref_squeeze %dma_wait3A_261 : memref<1x256xi32, #tpu.memory_space<vmem>> -> memref<256xi32, #tpu.memory_space<vmem>>
    %dma_wait3A_263 = arith.constant 0 : i32
    %dma_wait3A_264 = arith.constant 0 : i32
    %dma_wait3A_265 = tpu.memref_slice %arg19[%dma_wait3A_263, %dma_wait3A_264] : memref<10240x16xf32, #tpu.memory_space<vmem_shared>> -> memref<10240x16xf32, #tpu.memory_space<vmem_shared>>
    tpu.wait_indirect_dma semaphore(%arg22 : memref<!tpu.dma_semaphore, #tpu.memory_space<semaphore_mem>>) src(%dma_wait3A_259 : memref<256x16xf32, #tpu.memory_space<vmem>>) dst(%dma_wait3A_265 : memref<10240x16xf32, #tpu.memory_space<vmem_shared>>)
    %dma_wait3A_266 = arith.constant 0 : i32
    %dma_wait3A_267 = arith.constant 0 : i32
    %dma_wait3A_268 = arith.constant 0 : i32
    %dma_wait3A_269 = arith.constant 0 : i32
    %dma_wait3A_270 = tpu.memref_slice %arg12[%dma_wait3A_266, %dma_wait3A_268, %dma_wait3A_269] : memref<8x256x16xf32, #tpu.memory_space<vmem>> -> memref<1x256x16xf32, #tpu.memory_space<vmem>>
    %dma_wait3A_271 = tpu.memref_squeeze %dma_wait3A_270 : memref<1x256x16xf32, #tpu.memory_space<vmem>> -> memref<256x16xf32, #tpu.memory_space<vmem>>
    %dma_wait3A_272 = arith.constant 0 : i32
    %dma_wait3A_273 = tpu.memref_slice %arg11[%dma_wait3A_267, %dma_wait3A_272] : memref<40x256xi32, #tpu.memory_space<vmem>> -> memref<1x256xi32, #tpu.memory_space<vmem>>
    %dma_wait3A_274 = tpu.memref_squeeze %dma_wait3A_273 : memref<1x256xi32, #tpu.memory_space<vmem>> -> memref<256xi32, #tpu.memory_space<vmem>>
    %dma_wait3A_275 = arith.constant 0 : i32
    %dma_wait3A_276 = arith.constant 0 : i32
    %dma_wait3A_277 = tpu.memref_slice %arg19[%dma_wait3A_275, %dma_wait3A_276] : memref<10240x16xf32, #tpu.memory_space<vmem_shared>> -> memref<10240x16xf32, #tpu.memory_space<vmem_shared>>
    tpu.wait_indirect_dma semaphore(%arg22 : memref<!tpu.dma_semaphore, #tpu.memory_space<semaphore_mem>>) src(%dma_wait3A_271 : memref<256x16xf32, #tpu.memory_space<vmem>>) dst(%dma_wait3A_277 : memref<10240x16xf32, #tpu.memory_space<vmem_shared>>)
    %dma_wait3A_278 = arith.constant 0 : i32
    %dma_wait3A_279 = arith.constant 0 : i32
    %dma_wait3A_280 = arith.constant 0 : i32
    %dma_wait3A_281 = arith.constant 0 : i32
    %dma_wait3A_282 = tpu.memref_slice %arg12[%dma_wait3A_278, %dma_wait3A_280, %dma_wait3A_281] : memref<8x256x16xf32, #tpu.memory_space<vmem>> -> memref<1x256x16xf32, #tpu.memory_space<vmem>>
    %dma_wait3A_283 = tpu.memref_squeeze %dma_wait3A_282 : memref<1x256x16xf32, #tpu.memory_space<vmem>> -> memref<256x16xf32, #tpu.memory_space<vmem>>
    %dma_wait3A_284 = arith.constant 0 : i32
    %dma_wait3A_285 = tpu.memref_slice %arg11[%dma_wait3A_279, %dma_wait3A_284] : memref<40x256xi32, #tpu.memory_space<vmem>> -> memref<1x256xi32, #tpu.memory_space<vmem>>
    %dma_wait3A_286 = tpu.memref_squeeze %dma_wait3A_285 : memref<1x256xi32, #tpu.memory_space<vmem>> -> memref<256xi32, #tpu.memory_space<vmem>>
    %dma_wait3A_287 = arith.constant 0 : i32
    %dma_wait3A_288 = arith.constant 0 : i32
    %dma_wait3A_289 = tpu.memref_slice %arg19[%dma_wait3A_287, %dma_wait3A_288] : memref<10240x16xf32, #tpu.memory_space<vmem_shared>> -> memref<10240x16xf32, #tpu.memory_space<vmem_shared>>
    tpu.wait_indirect_dma semaphore(%arg22 : memref<!tpu.dma_semaphore, #tpu.memory_space<semaphore_mem>>) src(%dma_wait3A_283 : memref<256x16xf32, #tpu.memory_space<vmem>>) dst(%dma_wait3A_289 : memref<10240x16xf32, #tpu.memory_space<vmem_shared>>)
    %dma_wait3A_290 = arith.constant 0 : i32
    %dma_wait3A_291 = arith.constant 0 : i32
    %dma_wait3A_292 = arith.constant 0 : i32
    %dma_wait3A_293 = arith.constant 0 : i32
    %dma_wait3A_294 = tpu.memref_slice %arg12[%dma_wait3A_290, %dma_wait3A_292, %dma_wait3A_293] : memref<8x256x16xf32, #tpu.memory_space<vmem>> -> memref<1x256x16xf32, #tpu.memory_space<vmem>>
    %dma_wait3A_295 = tpu.memref_squeeze %dma_wait3A_294 : memref<1x256x16xf32, #tpu.memory_space<vmem>> -> memref<256x16xf32, #tpu.memory_space<vmem>>
    %dma_wait3A_296 = arith.constant 0 : i32
    %dma_wait3A_297 = tpu.memref_slice %arg11[%dma_wait3A_291, %dma_wait3A_296] : memref<40x256xi32, #tpu.memory_space<vmem>> -> memref<1x256xi32, #tpu.memory_space<vmem>>
    %dma_wait3A_298 = tpu.memref_squeeze %dma_wait3A_297 : memref<1x256xi32, #tpu.memory_space<vmem>> -> memref<256xi32, #tpu.memory_space<vmem>>
    %dma_wait3A_299 = arith.constant 0 : i32
    %dma_wait3A_300 = arith.constant 0 : i32
    %dma_wait3A_301 = tpu.memref_slice %arg19[%dma_wait3A_299, %dma_wait3A_300] : memref<10240x16xf32, #tpu.memory_space<vmem_shared>> -> memref<10240x16xf32, #tpu.memory_space<vmem_shared>>
    tpu.wait_indirect_dma semaphore(%arg22 : memref<!tpu.dma_semaphore, #tpu.memory_space<semaphore_mem>>) src(%dma_wait3A_295 : memref<256x16xf32, #tpu.memory_space<vmem>>) dst(%dma_wait3A_301 : memref<10240x16xf32, #tpu.memory_space<vmem_shared>>)
    %barrier3A_302 = arith.constant 0 : index
    tpu.barrier barrier_id(%barrier3A_302)
    %mul3A_303 = arith.constant 640 : i32
    %mul3A_304 = arith.muli %arg1, %mul3A_303 : i32
    %mul3A_305 = arith.constant 640 : i32
    %mul3A_306 = arith.muli %arg1, %mul3A_305 : i32
    "tpu.region"() ({
      %run_scoped3A = tpu.sem_alloc : memref<!tpu.dma_semaphore, #tpu.memory_space<semaphore_mem>>
      %dma_start3A_307 = arith.constant 0 : i32
      %dma_start3A_308 = tpu.memref_slice %arg9[%arg0, %mul3A_306, %dma_start3A_307] : memref<2x10240x16xf32, #tpu.memory_space<hbm>> -> memref<1x640x16xf32, #tpu.memory_space<hbm>>
      %dma_start3A_309 = tpu.memref_squeeze %dma_start3A_308 : memref<1x640x16xf32, #tpu.memory_space<hbm>> -> memref<640x16xf32, #tpu.memory_space<hbm>>
      %dma_start3A_310 = arith.constant 0 : i32
      %dma_start3A_311 = tpu.memref_slice %arg19[%mul3A_304, %dma_start3A_310] : memref<10240x16xf32, #tpu.memory_space<vmem_shared>> -> memref<640x16xf32, #tpu.memory_space<vmem_shared>>
      tpu.enqueue_dma source(%dma_start3A_311 : memref<640x16xf32, #tpu.memory_space<vmem_shared>>) target(%dma_start3A_309 : memref<640x16xf32, #tpu.memory_space<hbm>>) target_semaphore(%run_scoped3A : memref<!tpu.dma_semaphore, #tpu.memory_space<semaphore_mem>>)
      %dma_wait3A_312 = arith.constant 0 : i32
      %dma_wait3A_313 = tpu.memref_slice %arg9[%arg0, %mul3A_306, %dma_wait3A_312] : memref<2x10240x16xf32, #tpu.memory_space<hbm>> -> memref<1x640x16xf32, #tpu.memory_space<hbm>>
      %dma_wait3A_314 = tpu.memref_squeeze %dma_wait3A_313 : memref<1x640x16xf32, #tpu.memory_space<hbm>> -> memref<640x16xf32, #tpu.memory_space<hbm>>
      %dma_wait3A_315 = arith.constant 0 : i32
      %dma_wait3A_316 = tpu.memref_slice %arg19[%mul3A_304, %dma_wait3A_315] : memref<10240x16xf32, #tpu.memory_space<vmem_shared>> -> memref<640x16xf32, #tpu.memory_space<vmem_shared>>
      tpu.wait_dma2 semaphore(%run_scoped3A : memref<!tpu.dma_semaphore, #tpu.memory_space<semaphore_mem>>) src(%dma_wait3A_316 : memref<640x16xf32, #tpu.memory_space<vmem_shared>>) dst(%dma_wait3A_314 : memref<640x16xf32, #tpu.memory_space<hbm>>)
      tpu.yield
    }) : () -> ()
    return
  }
}

module attributes {stable_mosaic.version = 14 : i64} {
  func.func @_tc_in_body(%arg0: memref<2x2x10240x1xf32, #tpu.memory_space<vmem>>, %arg1: memref<10240x128xf32, #tpu.memory_space<vmem>>, %arg2: memref<128x16xf32, #tpu.memory_space<vmem>>, %arg3: memref<10240x16xf32, #tpu.memory_space<vmem>>, %arg4: memref<10240x16xf32, #tpu.memory_space<vmem>>, %arg5: memref<10240x16xf32, #tpu.memory_space<vmem>>) attributes {dimension_semantics = [], scalar_prefetch = 0 : i64, scratch_operands = 0 : i64, tpu.core_type = #tpu.core_type<tc>} {
    %get3A = arith.constant 0 : index
    %get3A_0 = arith.constant 0 : index
    %get3A_1 = arith.constant 0 : index
    %get3A_2 = arith.constant 0 : index
    %get3A_3 = vector.load %arg0[%get3A, %get3A_0, %get3A_1, %get3A_2] : memref<2x2x10240x1xf32, #tpu.memory_space<vmem>>, vector<1x1x10240x1xf32>
    %get3A_4 = vector.shape_cast %get3A_3 : vector<1x1x10240x1xf32> to vector<10240x1xf32>
    %get3A_5 = arith.constant 1 : index
    %get3A_6 = arith.constant 0 : index
    %get3A_7 = arith.constant 0 : index
    %get3A_8 = arith.constant 0 : index
    %get3A_9 = vector.load %arg0[%get3A_5, %get3A_6, %get3A_7, %get3A_8] : memref<2x2x10240x1xf32, #tpu.memory_space<vmem>>, vector<1x1x10240x1xf32>
    %get3A_10 = vector.shape_cast %get3A_9 : vector<1x1x10240x1xf32> to vector<10240x1xf32>
    %add3A = arith.addf %get3A_4, %get3A_10 : vector<10240x1xf32>
    %get3A_11 = arith.constant 0 : index
    %get3A_12 = arith.constant 1 : index
    %get3A_13 = arith.constant 0 : index
    %get3A_14 = arith.constant 0 : index
    %get3A_15 = vector.load %arg0[%get3A_11, %get3A_12, %get3A_13, %get3A_14] : memref<2x2x10240x1xf32, #tpu.memory_space<vmem>>, vector<1x1x10240x1xf32>
    %get3A_16 = vector.shape_cast %get3A_15 : vector<1x1x10240x1xf32> to vector<10240x1xf32>
    %get3A_17 = arith.constant 1 : index
    %get3A_18 = arith.constant 1 : index
    %get3A_19 = arith.constant 0 : index
    %get3A_20 = arith.constant 0 : index
    %get3A_21 = vector.load %arg0[%get3A_17, %get3A_18, %get3A_19, %get3A_20] : memref<2x2x10240x1xf32, #tpu.memory_space<vmem>>, vector<1x1x10240x1xf32>
    %get3A_22 = vector.shape_cast %get3A_21 : vector<1x1x10240x1xf32> to vector<10240x1xf32>
    %add3A_23 = arith.addf %get3A_16, %get3A_22 : vector<10240x1xf32>
    %gt3A = arith.constant 0.000000e+00 : f32
    %gt3A_24 = vector.broadcast %gt3A : f32 to vector<10240x1xf32>
    %gt3A_25 = arith.cmpf ogt, %add3A, %gt3A_24 : vector<10240x1xf32>
    %max3A = arith.constant 1.000000e+00 : f32
    %max3A_26 = vector.broadcast %max3A : f32 to vector<10240x1xf32>
    %max3A_27 = arith.maximumf %add3A, %max3A_26 : vector<10240x1xf32>
    %rsqrt3A = math.rsqrt %max3A_27 : vector<10240x1xf32>
    %jit3A = arith.constant 0.000000e+00 : f32
    %broadcast_in_dim3A = vector.broadcast %jit3A : f32 to vector<10240x1xf32>
    %select_n3A = arith.select %gt3A_25, %rsqrt3A, %broadcast_in_dim3A : vector<10240x1xi1>, vector<10240x1xf32>
    %gt3A_28 = arith.constant 0.000000e+00 : f32
    %gt3A_29 = vector.broadcast %gt3A_28 : f32 to vector<10240x1xf32>
    %gt3A_30 = arith.cmpf ogt, %add3A_23, %gt3A_29 : vector<10240x1xf32>
    %max3A_31 = arith.constant 1.000000e+00 : f32
    %max3A_32 = vector.broadcast %max3A_31 : f32 to vector<10240x1xf32>
    %max3A_33 = arith.maximumf %add3A_23, %max3A_32 : vector<10240x1xf32>
    %rsqrt3A_34 = math.rsqrt %max3A_33 : vector<10240x1xf32>
    %jit3A_35 = arith.constant 0.000000e+00 : f32
    %broadcast_in_dim3A_36 = vector.broadcast %jit3A_35 : f32 to vector<10240x1xf32>
    %select_n3A_37 = arith.select %gt3A_30, %rsqrt3A_34, %broadcast_in_dim3A_36 : vector<10240x1xi1>, vector<10240x1xf32>
    %get3A_38 = arith.constant 0 : index
    %get3A_39 = arith.constant 0 : index
    %get3A_40 = vector.load %arg1[%get3A_38, %get3A_39] : memref<10240x128xf32, #tpu.memory_space<vmem>>, vector<10240x128xf32>
    %get3A_41 = arith.constant 0 : index
    %get3A_42 = arith.constant 0 : index
    %get3A_43 = vector.load %arg2[%get3A_41, %get3A_42] : memref<128x16xf32, #tpu.memory_space<vmem>>, vector<128x16xf32>
    %dot_general3A = arith.constant dense<0.000000e+00> : vector<10240x16xf32>
    %dot_general3A_44 = tpu.matmul %get3A_40, %get3A_43, %dot_general3A {dimension_numbers = #tpu.dot_dimension_numbers<[1], [0], [0], [1], [0, 0, 1, 1], [], []>, transpose_lhs_hint = false} : vector<10240x128xf32>, vector<128x16xf32>, vector<10240x16xf32> -> vector<10240x16xf32>
    %mul3A = vector.broadcast %select_n3A : vector<10240x1xf32> to vector<10240x16xf32>
    %mul3A_45 = arith.mulf %dot_general3A_44, %mul3A : vector<10240x16xf32>
    %swap3A = arith.constant 0 : index
    %swap3A_46 = arith.constant 0 : index
    %swap3A_47 = vector.load %arg3[%swap3A, %swap3A_46] : memref<10240x16xf32, #tpu.memory_space<vmem>>, vector<10240x16xf32>
    tpu.vector_store %arg3[%swap3A, %swap3A_46], %mul3A_45 {strides = array<i32>} : memref<10240x16xf32, #tpu.memory_space<vmem>>, vector<10240x16xf32>,
    %broadcast_in_dim3A_48 = vector.shape_cast %select_n3A : vector<10240x1xf32> to vector<10240x1xf32>
    %broadcast_in_dim3A_49 = vector.broadcast %broadcast_in_dim3A_48 : vector<10240x1xf32> to vector<10240x16xf32>
    %swap3A_50 = arith.constant 0 : index
    %swap3A_51 = arith.constant 0 : index
    %swap3A_52 = vector.load %arg4[%swap3A_50, %swap3A_51] : memref<10240x16xf32, #tpu.memory_space<vmem>>, vector<10240x16xf32>
    tpu.vector_store %arg4[%swap3A_50, %swap3A_51], %broadcast_in_dim3A_49 {strides = array<i32>} : memref<10240x16xf32, #tpu.memory_space<vmem>>, vector<10240x16xf32>,
    %broadcast_in_dim3A_53 = vector.shape_cast %select_n3A_37 : vector<10240x1xf32> to vector<10240x1xf32>
    %broadcast_in_dim3A_54 = vector.broadcast %broadcast_in_dim3A_53 : vector<10240x1xf32> to vector<10240x16xf32>
    %swap3A_55 = arith.constant 0 : index
    %swap3A_56 = arith.constant 0 : index
    %swap3A_57 = vector.load %arg5[%swap3A_55, %swap3A_56] : memref<10240x16xf32, #tpu.memory_space<vmem>>, vector<10240x16xf32>
    tpu.vector_store %arg5[%swap3A_55, %swap3A_56], %broadcast_in_dim3A_54 {strides = array<i32>} : memref<10240x16xf32, #tpu.memory_space<vmem>>, vector<10240x16xf32>,
    return
  }
}

module attributes {stable_mosaic.version = 14 : i64} {
  func.func @_tc_final_body(%arg0: memref<2x2x10240x1xf32, #tpu.memory_space<vmem>>, %arg1: memref<2x10240x16xf32, #tpu.memory_space<vmem>>, %arg2: memref<16x7xf32, #tpu.memory_space<vmem>>, %arg3: memref<1x7xf32, #tpu.memory_space<vmem>>, %arg4: memref<10240x7xf32, #tpu.memory_space<vmem>>) attributes {dimension_semantics = [], scalar_prefetch = 0 : i64, scratch_operands = 0 : i64, tpu.core_type = #tpu.core_type<tc>} {
    %get3A = arith.constant 0 : index
    %get3A_0 = arith.constant 1 : index
    %get3A_1 = arith.constant 0 : index
    %get3A_2 = arith.constant 0 : index
    %get3A_3 = vector.load %arg0[%get3A, %get3A_0, %get3A_1, %get3A_2] : memref<2x2x10240x1xf32, #tpu.memory_space<vmem>>, vector<1x1x10240x1xf32>
    %get3A_4 = vector.shape_cast %get3A_3 : vector<1x1x10240x1xf32> to vector<10240x1xf32>
    %get3A_5 = arith.constant 1 : index
    %get3A_6 = arith.constant 1 : index
    %get3A_7 = arith.constant 0 : index
    %get3A_8 = arith.constant 0 : index
    %get3A_9 = vector.load %arg0[%get3A_5, %get3A_6, %get3A_7, %get3A_8] : memref<2x2x10240x1xf32, #tpu.memory_space<vmem>>, vector<1x1x10240x1xf32>
    %get3A_10 = vector.shape_cast %get3A_9 : vector<1x1x10240x1xf32> to vector<10240x1xf32>
    %add3A = arith.addf %get3A_4, %get3A_10 : vector<10240x1xf32>
    %gt3A = arith.constant 0.000000e+00 : f32
    %gt3A_11 = vector.broadcast %gt3A : f32 to vector<10240x1xf32>
    %gt3A_12 = arith.cmpf ogt, %add3A, %gt3A_11 : vector<10240x1xf32>
    %max3A = arith.constant 1.000000e+00 : f32
    %max3A_13 = vector.broadcast %max3A : f32 to vector<10240x1xf32>
    %max3A_14 = arith.maximumf %add3A, %max3A_13 : vector<10240x1xf32>
    %rsqrt3A = math.rsqrt %max3A_14 : vector<10240x1xf32>
    %jit3A = arith.constant 0.000000e+00 : f32
    %broadcast_in_dim3A = vector.broadcast %jit3A : f32 to vector<10240x1xf32>
    %select_n3A = arith.select %gt3A_12, %rsqrt3A, %broadcast_in_dim3A : vector<10240x1xi1>, vector<10240x1xf32>
    %get3A_15 = arith.constant 0 : index
    %get3A_16 = arith.constant 0 : index
    %get3A_17 = arith.constant 0 : index
    %get3A_18 = vector.load %arg1[%get3A_15, %get3A_16, %get3A_17] : memref<2x10240x16xf32, #tpu.memory_space<vmem>>, vector<1x10240x16xf32>
    %get3A_19 = vector.shape_cast %get3A_18 : vector<1x10240x16xf32> to vector<10240x16xf32>
    %get3A_20 = arith.constant 1 : index
    %get3A_21 = arith.constant 0 : index
    %get3A_22 = arith.constant 0 : index
    %get3A_23 = vector.load %arg1[%get3A_20, %get3A_21, %get3A_22] : memref<2x10240x16xf32, #tpu.memory_space<vmem>>, vector<1x10240x16xf32>
    %get3A_24 = vector.shape_cast %get3A_23 : vector<1x10240x16xf32> to vector<10240x16xf32>
    %add3A_25 = arith.addf %get3A_19, %get3A_24 : vector<10240x16xf32>
    %mul3A = vector.broadcast %select_n3A : vector<10240x1xf32> to vector<10240x16xf32>
    %mul3A_26 = arith.mulf %add3A_25, %mul3A : vector<10240x16xf32>
    %get3A_27 = arith.constant 0 : index
    %get3A_28 = arith.constant 0 : index
    %get3A_29 = vector.load %arg2[%get3A_27, %get3A_28] : memref<16x7xf32, #tpu.memory_space<vmem>>, vector<16x7xf32>
    %dot_general3A = arith.constant dense<0.000000e+00> : vector<10240x7xf32>
    %dot_general3A_30 = tpu.matmul %mul3A_26, %get3A_29, %dot_general3A {dimension_numbers = #tpu.dot_dimension_numbers<[1], [0], [0], [1], [0, 0, 1, 1], [], []>, transpose_lhs_hint = false} : vector<10240x16xf32>, vector<16x7xf32>, vector<10240x7xf32> -> vector<10240x7xf32>
    %get3A_31 = arith.constant 0 : index
    %get3A_32 = arith.constant 0 : index
    %get3A_33 = vector.load %arg3[%get3A_31, %get3A_32] : memref<1x7xf32, #tpu.memory_space<vmem>>, vector<1x7xf32>
    %add3A_34 = vector.broadcast %get3A_33 : vector<1x7xf32> to vector<10240x7xf32>
    %add3A_35 = arith.addf %dot_general3A_30, %add3A_34 : vector<10240x7xf32>
    %swap3A = arith.constant 0 : index
    %swap3A_36 = arith.constant 0 : index
    %swap3A_37 = vector.load %arg4[%swap3A, %swap3A_36] : memref<10240x7xf32, #tpu.memory_space<vmem>>, vector<10240x7xf32>
    tpu.vector_store %arg4[%swap3A, %swap3A_36], %add3A_35 {strides = array<i32>} : memref<10240x7xf32, #tpu.memory_space<vmem>>, vector<10240x7xf32>,
    return
  }
}

</mosaic_0001>

<sc_bundles>
// kernel: kernel.10.cloned.1.call-start
scs
__scs_entry_jumppad:
0x0: {  	(pc) =	sbr.rel $0x88, $3  }
0x1: {  	(tag) =	ssettag $0x0;
	lr =	simm.s32 $0x1  }
0x2: {  	[smem:$0x3F9B] =	sst lr;
	_ =	strace $0xD0000000  }
0x3: {  	_ = 	snop  }
0x4: {  	_ = 	snop  }
0x5: {  	_ = 	snop  }
0x6: {  	_ = 	snop  }
0x7: {  	_ = 	snop  }
__scs_overlays_trampoline_lowered:
0x8: {  	[smem:$0x3FAA] =	sst s0  }
0x9: {  	[smem:$0x3FAB] =	sst s1  }
0xa: {  	[smem:$0x3FAC] =	sst s2  }
0xb: {  	[smem:$0x3FAD] =	sst s3  }
0xc: {  	[smem:$0x3FAE] =	sst s4  }
0xd: {  	[smem:$0x3FAF] =	sst s5  }
0xe: {  	[smem:$0x3FB0] =	sst s6  }
0xf: {  	[smem:$0x3FB1] =	sst s7  }
0x10: {  	[smem:$0x3FB2] =	sst s8  }
0x11: {  	[smem:$0x3FB3] =	sst s9;
	s0 =	simm.s32 @!p0 $0x0  }
0x12: {  	s1 =	sld [smem:$0x3F99];
	s0 =	simm.s32 @p0 $0x1  }
0x13: {  	[smem:$0x3FB4] =	sst s0;
	s0 =	simm.s32 @!p1 $0x0  }
0x14: {  	s2 =	sld [smem:$0x3F98];
	s0 =	simm.s32 @p1 $0x1  }
0x15: {  	[smem:$0x3FB5] =	sst s0;
	s0 =	simm.s32 @!p2 $0x0  }
0x16: {  	s3 =	sld [smem:$0x3FDB];
	s0 =	simm.s32 @p2 $0x1  }
0x17: {  	s4 =	simm.s32 $0x1BF5;
	[smem:$0x3FB7] =	sst s0  }
0x18: {  	s0 =	sld [smem:$0x3F9A];
	_ =	swait.ge [sflag:s4], $0x0  }
0x19: {  	s7 =	sld [smem:$0x3F9B]  }
0x1a: {  	s8 =	sadd.s32 $0xFFFFE003, lr  }
0x1b: {  	s9 =	sadd.s32 $0xFFFFFEF7, lr;
	s5 =	simm.s32 $0xFFFFFFFF;
	p2 =	slt.u32 s8, $0xFFFFF086  }
0x1c: {  	p1 =	slt.u32 s9, $0xF7A;
	s5 =	simm.s32 @!p2 $0x0  }
0x1d: {  	s5 =	simm.s32 @p1 $0x1;
	p0 =	seq.s32 s7, s2  }
0x1e: {  	s7 =	smul.u32 @!p0 $0xF7A, s2;
	p2 =	seq.s32 @!p0 s5, $0x0  }
0x1f: {  	s9 =	smul.u32 $0xF7A, s1;
	s8 =	simm.s32 @!p0 $0x1BF5;
	p2 =	por !p2, p0  }
0x20: {  	[sflag:s8] =	ssyncset.s32 @!p0 $0xFFFFF086;
	s6 =	sadd.s32 @!p0 s3, s7;
	s7 =	simm.s32 @!p0 $0x108  }
0x21: {  	s3 =	sadd.s32 s3, s9;
	s6 =	sadd.s32 @!p0 $0x88, s6;
	s7 =	simm.s32 @p2 $0x1082  }
0x22: {  	[simem:s7], [sflag:s8] =	dma.local @!p0 [hbm:s6], $0xF7A  }
0x23: {  	s9 =	sor.u32 $0xD0000000, s2;
	s6 =	simm.s32 $0x108;
	_ =	swait.ge @!p0 [sflag:s8], $0x0  }
0x24: {  	s3 =	sadd.s32 $0x88, s3;
	s6 =	simm.s32 @!p1 $0x1082;
	[sflag:s4] =	ssyncset.s32 $0xFFFFF086  }
0x25: {  	[simem:s6], [sflag:s4] =	dma.local [hbm:s3], $0xF7A  }
0x26: {  	[smem:$0x3F9B] =	sst s1;
	(tag) =	ssettag s2;
	_ =	strace s9  }
0x27: {  	s1 =	sld [smem:$0x3FAB]  }
0x28: {  	s2 =	sld [smem:$0x3FAC]  }
0x29: {  	s4 =	sld [smem:$0x3FAE]  }
0x2a: {  	p0 =	seq.s32 s5, $0x0;
	s5 =	sld [smem:$0x3FAF]  }
0x2b: {  	s6 =	sld [smem:$0x3FB0]  }
0x2c: {  	s7 =	sld [smem:$0x3FB1]  }
0x2d: {  	s3 =	simm.s32 $0x108;
	s8 =	sld [smem:$0x3FB2]  }
0x2e: {  	s3 =	simm.s32 @!p0 $0x1082;
	s9 =	sld [smem:$0x3FB3]  }
0x2f: {  	lr =	sadd.s32 s0, s3;
	s0 =	sld [smem:$0x3FAA]  }
0x30: {  	s3 =	sld [smem:$0x3FAD]  }
0x31: {  	[smem:$0x3FB6] =	sst s10  }
0x32: {  	s10 =	sld [smem:$0x3FB4];
	_ =	sdelay $0x3  }
0x33: {  	p0 =	seq.s32 s10, $0x1;
	s10 =	sld [smem:$0x3FB6];
	_ =	sdelay $0x3  }
0x34: {  	[smem:$0x3FB6] =	sst s10  }
0x35: {  	s10 =	sld [smem:$0x3FB5];
	_ =	sdelay $0x3  }
0x36: {  	p1 =	seq.s32 s10, $0x1;
	s10 =	sld [smem:$0x3FB6];
	_ =	sdelay $0x3  }
0x37: {  	[smem:$0x3FB6] =	sst s10  }
0x38: {  	s10 =	sld [smem:$0x3FB7]  }
0x39: {  	_ = 	snop;
	(pc) =	sbr.ind lr, $3  }
0x3a: {  	_ = 	snop  }
0x3b: {  	_ = 	snop  }
0x3c: {  	p2 =	seq.s32 s10, $0x1;
	s10 =	sld [smem:$0x3FB6]  }
0x3d: {  	_ =	shalt  }
0x3e: {  	_ =	shalt  }
0x3f: {  	_ =	shalt  }
0x40: {  	_ =	shalt  }
0x41: {  	_ =	shalt  }
0x42: {  	_ =	shalt  }
0x43: {  	_ =	shalt  }
0x44: {  	_ =	shalt  }
0x45: {  	_ =	shalt  }
0x46: {  	_ =	shalt  }
0x47: {  	_ =	shalt  }
0x48: {  	_ =	shalt  }
0x49: {  	_ =	shalt  }
0x4a: {  	_ =	shalt  }
0x4b: {  	_ =	shalt  }
0x4c: {  	_ =	shalt  }
0x4d: {  	_ =	shalt  }
0x4e: {  	_ =	shalt  }
0x4f: {  	_ =	shalt  }
0x50: {  	_ =	shalt  }
0x51: {  	_ =	shalt  }
0x52: {  	_ =	shalt  }
0x53: {  	_ =	shalt  }
0x54: {  	_ =	shalt  }
0x55: {  	_ =	shalt  }
0x56: {  	_ =	shalt  }
0x57: {  	_ =	shalt  }
0x58: {  	_ =	shalt  }
0x59: {  	_ =	shalt  }
0x5a: {  	_ =	shalt  }
0x5b: {  	_ =	shalt  }
0x5c: {  	_ =	shalt  }
0x5d: {  	_ =	shalt  }
0x5e: {  	_ =	shalt  }
0x5f: {  	_ =	shalt  }
0x60: {  	_ =	shalt  }
0x61: {  	_ =	shalt  }
0x62: {  	_ =	shalt  }
0x63: {  	_ =	shalt  }
0x64: {  	_ =	shalt  }
0x65: {  	_ =	shalt  }
0x66: {  	_ =	shalt  }
0x67: {  	_ =	shalt  }
0x68: {  	_ =	shalt  }
0x69: {  	_ =	shalt  }
0x6a: {  	_ =	shalt  }
0x6b: {  	_ =	shalt  }
0x6c: {  	_ =	shalt  }
0x6d: {  	_ =	shalt  }
0x6e: {  	_ =	shalt  }
0x6f: {  	_ =	shalt  }
0x70: {  	_ =	shalt  }
0x71: {  	_ =	shalt  }
0x72: {  	_ =	shalt  }
0x73: {  	_ =	shalt  }
0x74: {  	_ =	shalt  }
0x75: {  	_ =	shalt  }
0x76: {  	_ =	shalt  }
0x77: {  	_ =	shalt  }
0x78: {  	_ =	shalt  }
0x79: {  	_ =	shalt  }
0x7a: {  	_ =	shalt  }
0x7b: {  	_ =	shalt  }
0x7c: {  	_ =	shalt  }
0x7d: {  	_ =	shalt  }
0x7e: {  	_ =	shalt  }
0x7f: {  	_ =	shalt  }
0x80: {  	_ =	shalt  }
0x81: {  	_ =	shalt  }
0x82: {  	_ =	shalt  }
0x83: {  	_ =	shalt  }
0x84: {  	_ =	shalt  }
0x85: {  	_ =	shalt  }
0x86: {  	_ =	shalt  }
0x87: {  	_ =	shalt  }
.Lfunc_end0:
.L_simem_size_0:
called_computation.1_lowered:
.L_overlay_start_0:
0x88: {  	s2 =	sld [smem:$0x3FD9]  }
0x89: {  	s3 =	sld [smem:$0x3FFE];
	_ =	sdelay $0x1  }
0x8a: {  	s1 =	srdreg.scid  }
0x8b: {  	s0 =	sand.u32 $0x1, s1  }
0x8c: {  	s16 =	sshll.u32 s0, $0xA;
	s2 =	sadd.s32 s3, s2  }
0x8d: {  	s2 =	sadd.s32 s2, s16  }
0x8e: {  	[smem:$0x3FC2] =	sst s2  }
0x8f: {  	_ = 	snop  }
0x90: {  	(tm) =	ssettm $0x1  }
0x91: {  	s17 =	sld [smem:$0x3FFB];
	_ =	sdelay $0x3  }
0x92: {  	_ =	strace s17  }
0x93: {  	s2 =	sld [smem:$0x3FFC];
	_ =	sdelay $0x3  }
0x94: {  	_ =	strace s2  }
0x95: {  	s2 =	sld [smem:$0x3FFD];
	_ =	sdelay $0x3  }
0x96: {  	_ =	strace s2  }
0x97: {  	_ =	strace $0x8FFFFFFF  }
0x98: {  	s18 =	sld [smem:$0x3FDB];
	_ =	sdelay $0x1  }
0x99: {  	s19 =	simm.s32 $_scs_section_size  }
0x9a: {  	s4 =	simm.s32 $_size__tile_overlayer_lowered;
	s5 =	simm.s32 $_tile_overlayer_lowered  }
0x9b: {  	s22 =	simm.s32 $0x1BFF;
	s21 =	sshll.u32 s5, $0x1;
	s2 =	sadd.s32 s19, s18  }
0x9c: {  	s6 =	simm.s32 $0x0;
	s20 =	sshll.u32 s4, $0x1;
	s4 =	sadd.s32 s21, s2  }
0x9d: {  	[timem:s6], [sflag:s22] =	dma.local [hbm:s4], s20  }
0x9e: {  	_ =	swait.ge [sflag:s22], s20  }
0x9f: {  	s3 =	ssub.s32 $0x0, s20;
	[sflag:s22] =	ssyncset.done $0x0  }
0xa0: {  	[sflag:s22] =	ssyncadd.s32 s3;
	_ =	sdelay $0x1  }
0xa1: {  	s23 =	simm.s32 $0x1B8B  }
0xa2: {  	_ =	swait.ge [sflag:s23], $0x1  }
0xa3: {  	[sflag:s23] =	ssyncset.done $0x0  }
0xa4: {  	s25 =	simm.s32 $0x1B8E;
	s24 =	sld [smem:$0x3FFE];
	[sflag:s23] =	ssyncadd.s32 $0xFFFFFFFF  }
0xa5: {  	s26 =	simm.s32 $execute0_lowered;
	[smem:$0x3FD2] =	sst s25  }
0xa6: {  	s4 =	sshll.u32 s26, $0x1;
	_ =	strace $0x80000049;
	[dreg:$0x1] =	wrdreg $0xFFFFFFFF  }
0xa7: {  	s28 =	simm.s32 $_size_execute0_lowered;
	s2 =	sadd.s32 s2, s4;
	[dreg:$0x0] =	wrdreg $0x0  }
0xa8: {  	s4 =	sshll.u32 s28, $0x1;
	[dreg:$0x2] =	wrdreg s2  }
0xa9: {  	[dreg:$0x3] =	wrdreg s4  }
0xaa: {  	[dreg:$0x4] =	wrdreg $0xC0  }
0xab: {  	_ =	task [dreg:s6], $0x5FFFF  }
0xac: {  	[dreg:$0x1] =	wrdreg $0xFFFFFFFF  }
0xad: {  	[dreg:$0x0] =	wrdreg $0x60  }
0xae: {  	[dreg:$0x2] =	wrdreg s24  }
0xaf: {  	[dreg:$0x3] =	wrdreg $0xD0000  }
0xb0: {  	[dreg:$0x4] =	wrdreg $0x9  }
0xb1: {  	_ =	task.clear_ibuf [dreg:s6], $0x5FFFF;
	_ =	strace $0x90000049  }
0xb2: {  	s29 =	simm.s32 $0x9;
	_ =	strace $0x8000004B  }
0xb3: {  	_ =	swait.ge [sflag:s29], $0x1  }
0xb4: {  	[sflag:s29] =	ssyncadd.s32 $0xFFFFFFFF  }
0xb5: {  	_ =	strace $0x9000004B  }
0xb6: {  	_ =	sfence  }
0xb7: {  	s30 =	sld [smem:$0x0];
	_ =	sdelay $0x2  }
0xb8: {  	s31 =	sshll.u32 s1, $0xD;
	s1 =	sshrl.u32 s1, $0x2  }
0xb9: {  	s3 =	sand.u32 $0x4000, s31;
	s1 =	sadd.s32 s1, s30  }
0xba: {  	s0 =	sor.u32 s3, s0;
	s1 =	sshll.u32 s1, $0x11  }
0xbb: {  	s0 =	sor.u32 s1, s0  }
0xbc: {  	s0 =	sadd.s32 $0x8F2B, s0  }
0xbd: {  	[sflag:s0] =	ssyncadd.remote.s32 $0x1  }
0xbe: {  	_ =	sfence.sel $0xFFFF  }
0xbf: {  	[dreg:$0x0] =	wrdreg $0xFFFFFFFF;
	(pc) =	sbr.abs _section_cstart, $3  }
0xc0: {  	[dreg:$0x1] =	wrdreg $0xFFFFFFFF  }
0xc1: {  	_ =	task.clear_ibuf [dreg:s6], $0x2FFFF;
	_ =	strace $0x9FFFFFFF  }
0xc2: {  	(tm) =	ssettm $0x7FFFFFFF  }
0xc3: {  	_ =	shalt  }
tec
execute0_lowered:
.L_overlay_start_1:
0x0: {  	(tag) =	ssettag $0x1  }
0x1: {  	s0 =	srdreg.scid  }
0x2: {  	s12 =	stileid.u32;
	s5 =	rddreg [dreg:$0x0]  }
0x3: {  	s2 =	rddreg [dreg:$0x1];
	s3 =	simm.s32 $0x0;
	s13 =	simm.s32 $0x100  }
0x4: {  	s19 =	simm.s32 $0x8000;
	s20 =	simm.s32 $0x400;
	s21 =	simm.s32 $0x9000  }
0x5: {  	s22 =	simm.s32 $0x500;
	s23 =	simm.s32 $0xA000;
	s24 =	simm.s32 $0x600  }
0x6: {  	s25 =	simm.s32 $0xB000;
	s26 =	simm.s32 $0xC000;
	s28 =	simm.s32 $0x1  }
0x7: {  	s29 =	simm.s32 $0x2;
	s30 =	simm.s32 $0x0;
	s0 =	sand.u32 $0x1, s0  }
0x8: {  	s1 =	sshll.u32 s12, $0x1;
	s6 =	smul.u32 $0x2800, s12;
	[smem:$0x7FF] =	sst s3  }
0x9: {  	s4 =	sadd.s32 $0xB5600, s5;
	s31 =	sshll.u32 s12, $0x6;
	s12 =	simm.s32 $0x3  }
0xa: {  	s1 =	sor.u32 s0, s1;
	s7 =	smul.u32 $0x28000, s0;
	_ =	strace $0x8000004A  }
0xb: {  	s0 =	ssub.s32 $0x2, s0;
	s1 =	smul.u32 $0x500, s1;
	s8 =	sshrl.u32 s6, $0x3  }
0xc: {  	s9 =	sshrl.u32 s0, $0x1;
	s11 =	sadd.s32 s6, s2;
	s7 =	sadd.s32 s6, s7  }
0xd: {  	s8 =	sadd.s32 s8, s5;
	s0 =	ssub.s32 s0, s9;
	s6 =	sor.u32 $0x1C03, s31  }
0xe: {  	s11 =	sshrl.u32 s11, $0x3;
	s1 =	sadd.s32 s1, s5;
	s7 =	sshrl.u32 s7, $0x3  }
0xf: {  	s10 =	sadd.s32 s7, s5;
	s5 =	sadd.s32 $0xBA600, s8;
	s7 =	sadd.s32 $0xB600, s1  }
0x10: {  	s8 =	sadd.s32 $0x1600, s1;
	s9 =	sadd.s32 $0xBF600, s10;
	s10 =	smax.u32 s0, $0x1  }
.LBB2_1:
0x11: {  	[spmem:s11], [sflag:s6] =	dma.local [hbm:s5], $0x500  }
0x12: {  	_ =	swait.ge [sflag:s12], $0x500  }
0x13: {  	[sflag:s12] =	ssyncset.done $0x0  }
0x14: {  	[sflag:s12] =	ssyncadd.s32 $0xFFFFFB00  }
0x15: {  	[bflag:$0x0] =	sbarrier.arrive $0xFFFF  }
0x16: {  	[tilespmem:s3], [sflag:$0x3] =	stream.linear.gather [hbm4b:s7+s3], $0x2800, $0x38;
	[tilespmem:$0xF800] =	vst v63  }
0x17: {  	_ =	swait.ge [sflag:s12], $0x2800  }
0x18: {  	[sflag:s12] =	ssyncset.done $0x0  }
0x19: {  	s31 =	simm.s32 $0x2800;
	[sflag:s12] =	ssyncadd.s32 $0xFFFFD800  }
0x1a: {  	[tilespmem:s31], [sflag:$0x3] =	stream.linear.gather [hbm4b:s8+s3], $0x2800, $0x38;
	[tilespmem:$0xF800] =	vst v63  }
0x1b: {  	_ =	swait.ge [sflag:s12], $0x2800  }
0x1c: {  	[sflag:s12] =	ssyncset.done $0x0  }
0x1d: {  	s0 =	simm.s32 $0x5000;
	[sflag:s12] =	ssyncadd.s32 $0xFFFFD800  }
0x1e: {  	[tilespmem:s0], [sflag:$0x1] =	stream.indirect.gather [hbm4b:s4+s13], $0x10, s3, s13, $0xb8;
	[tilespmem:$0xF800] =	vst v63  }
0x1f: {  	s14 =	simm.s32 $0x6000  }
0x20: {  	[tilespmem:s14], [sflag:$0x1] =	stream.indirect.gather [hbm4b:s4+s13], $0x10, s13, s13, $0xb8;
	[tilespmem:$0xF800] =	vst v63  }
0x21: {  	s15 =	simm.s32 $0x200;
	s1 =	simm.s32 $0x7000  }
0x22: {  	[tilespmem:s1], [sflag:$0x1] =	stream.indirect.gather [hbm4b:s4+s13], $0x10, s15, s13, $0xb8;
	[tilespmem:$0xF800] =	vst v63  }
0x23: {  	s16 =	simm.s32 $0x300  }
0x24: {  	[tilespmem:s19], [sflag:$0x1] =	stream.indirect.gather [hbm4b:s4+s13], $0x10, s16, s13, $0xb8;
	[tilespmem:$0xF800] =	vst v63  }
0x25: {  	_ = 	snop  }
0x26: {  	[tilespmem:s21], [sflag:$0x1] =	stream.indirect.gather [hbm4b:s4+s13], $0x10, s20, s13, $0xb8;
	[tilespmem:$0xF800] =	vst v63  }
0x27: {  	_ = 	snop  }
0x28: {  	[tilespmem:s23], [sflag:$0x1] =	stream.indirect.gather [hbm4b:s4+s13], $0x10, s22, s13, $0xb8;
	[tilespmem:$0xF800] =	vst v63  }
0x29: {  	p0 =	por $0x1, $0x1;
	s1 =	simm.s32 $0x1C000  }
0x2a: {  	[tilespmem:s25], [sflag:$0x1] =	stream.indirect.gather [hbm4b:s4+s13], $0x10, s24, s13, $0xb8;
	[tilespmem:$0xF800] =	vst v63  }
0x2b: {  	s0 =	simm.s32 $0x700;
	s14 =	simm.s32 @!p0 $0x2;
	s1 =	sand.u32 @!p0 $0x1C000, s1  }
0x2c: {  	[tilespmem:s26], [sflag:$0x1] =	stream.indirect.gather [hbm4b:s4+s13], $0x10, s0, s13, $0xb8;
	[tilespmem:$0xF800] =	vst v63  }
0x2d: {  	s15 =	sshrl.u32 @!p0 s1, $0x2;
	_ =	swait.ge @!p0 [sflag:s14], $0x1000  }
0x2e: {  	s16 =	simm.s32 $0x0;
	s15 =	sadd.s32 @!p0 $0x5000, s15;
	[sflag:s14] =	ssyncset.done @!p0 $0x0  }
0x2f: {  	s17 =	sand.u32 $0x1C000, s16;
	[sflag:s14] =	ssyncadd.s32 @!p0 $0xFFFFF000;
	s14 =	simm.s32 @!p0 $0x100  }
0x30: {  	[tilespmem:s15], [sflag:$0x1] =	stream.indirect.gather @!p0 [hbm4b:s4+s14], $0x10, s0, s14, $0xb8;
	[tilespmem:$0xF800] =	vst v63  }
0x31: {  	s1 =	simm.s32 $0x0;
	s18 =	sshrl.u32 s17, $0x2;
	_ =	swait.ge [sflag:s28], $0x1000  }
0x32: {  	s16 =	sadd.s32 $0x5000, s18;
	s0 =	simm.s32 $0x800;
	[sflag:s28] =	ssyncset.done $0x0  }
0x33: {  	s14 =	simm.s32 $0x20000;
	s15 =	simm.s32 $0x2900;
	[sflag:s28] =	ssyncadd.s32 $0xFFFFF000  }
.LBB2_2:
0x34: {  	[spmem:s2] =	stream.indirect.scatter.add.f32 [tilespmem:s16], [sflag:$0x2], $0x10, s31, s13, $0xb8;
	[tilespmem:$0xF800] =	vst v63  }
0x35: {  	p1 =	sgt.u32 s1, $0x1F;
	s1 =	sadd.s32 $0x1, s1;
	s31 =	smov.u32 s15  }
0x36: {  	s16 =	simm.s32 @!p1 $0x2;
	s17 =	sand.u32 @!p1 $0x1C000, s14;
	p0 =	sne.s32 s1, $0x27  }
0x37: {  	s17 =	sshrl.u32 @!p1 s17, $0x2;
	_ =	swait.ge @!p1 [sflag:s16], $0x1000  }
0x38: {  	s18 =	sadd.s32 $0xFFFE4000, s14;
	s17 =	sadd.s32 @!p1 $0x5000, s17;
	[sflag:s16] =	ssyncset.done @!p1 $0x0  }
.Ltmp0:
0x39: {  	[sflag:s16] =	ssyncadd.s32 @!p1 $0xFFFFF000;
	s16 =	simm.s32 @!p1 $0x100;
	(pc) =	sbr.rel @p0 .LBB2_2-.Ltmp0, $4  }
0x3a: {  	[tilespmem:s17], [sflag:$0x1] =	stream.indirect.gather @!p1 [hbm4b:s4+s16], $0x10, s0, s16, $0xb8;
	[tilespmem:$0xF800] =	vst v63  }
0x3b: {  	s16 =	sand.u32 $0x1C000, s18;
	s0 =	sadd.s32 $0x100, s0;
	_ =	swait.ge [sflag:s28], $0x1000  }
0x3c: {  	s14 =	sadd.s32 $0x4000, s14;
	s16 =	sshrl.u32 s16, $0x2;
	[sflag:s28] =	ssyncset.done $0x0  }
0x3d: {  	s15 =	sadd.s32 $0x100, s15;
	s16 =	sadd.s32 $0x5000, s16;
	[sflag:s28] =	ssyncadd.s32 $0xFFFFF000  }
0x3e: {  	[spmem:s2] =	stream.indirect.scatter.add.f32 [tilespmem:s16], [sflag:$0x2], $0x10, s31, s13, $0xb8;
	[tilespmem:$0xF800] =	vst v63  }
0x3f: {  	_ =	swait.ge [sflag:s29], $0x1000  }
0x40: {  	[sflag:s29] =	ssyncset.done $0x0  }
0x41: {  	[sflag:s29] =	ssyncadd.s32 $0xFFFFF000  }
0x42: {  	_ =	swait.ge [sflag:s29], $0x1000  }
0x43: {  	[sflag:s29] =	ssyncset.done $0x0  }
0x44: {  	[sflag:s29] =	ssyncadd.s32 $0xFFFFF000  }
0x45: {  	_ =	swait.ge [sflag:s29], $0x1000  }
0x46: {  	[sflag:s29] =	ssyncset.done $0x0  }
0x47: {  	[sflag:s29] =	ssyncadd.s32 $0xFFFFF000  }
0x48: {  	_ =	swait.ge [sflag:s29], $0x1000  }
0x49: {  	[sflag:s29] =	ssyncset.done $0x0  }
0x4a: {  	[sflag:s29] =	ssyncadd.s32 $0xFFFFF000  }
0x4b: {  	_ =	swait.ge [sflag:s29], $0x1000  }
0x4c: {  	[sflag:s29] =	ssyncset.done $0x0  }
0x4d: {  	[sflag:s29] =	ssyncadd.s32 $0xFFFFF000  }
0x4e: {  	_ =	swait.ge [sflag:s29], $0x1000  }
0x4f: {  	[sflag:s29] =	ssyncset.done $0x0  }
0x50: {  	[sflag:s29] =	ssyncadd.s32 $0xFFFFF000  }
0x51: {  	_ =	swait.ge [sflag:s29], $0x1000  }
0x52: {  	[sflag:s29] =	ssyncset.done $0x0  }
0x53: {  	[sflag:s29] =	ssyncadd.s32 $0xFFFFF000  }
0x54: {  	_ =	swait.ge [sflag:s29], $0x1000  }
0x55: {  	s30 =	sadd.s32 $0x1, s30;
	[sflag:s29] =	ssyncset.done $0x0  }
0x56: {  	p0 =	sne.s32 s30, s10;
	[sflag:s29] =	ssyncadd.s32 $0xFFFFF000  }
.Ltmp1:
0x57: {  	[bflag:$0x0] =	sbarrier.arrive $0xFFFF;
	(pc) =	sbr.rel @p0 .LBB2_1-.Ltmp1, $4  }
0x58: {  	[hbm:s9], [sflag:s6] =	dma.local [spmem:s11], $0x500  }
0x59: {  	_ =	swait.ge [sflag:s12], $0x500  }
0x5a: {  	[sflag:s12] =	ssyncset.done $0x0  }
0x5b: {  	[sflag:s12] =	ssyncadd.s32 $0xFFFFFB00  }
0x5c: {  	_ =	sfence.sel $0x180000  }
0x5d: {  	[bflag:$0x0] =	sbarrier.arrive $0xFFFF  }
0x5e: {  	_ =	strace $0x9000004A  }
0x5f: {  	s0 =	stileid.u32;
	[bflag:$0x2] =	sbarrier.arrive $0xFFFF  }
0x60: {  	p0 =	sne.s32 s0, $0x0;
	s0 =	rddreg [dreg:$0x2]  }
0x61: {  	s0 =	sadd.s32 @!p0 $0x100000, s0  }
0x62: {  	[sflag:s0] =	ssyncadd.tile.s32 @!p0 $0x1;
	_ =	shalt  }
.Lfunc_end2:
_tile_overlayer_lowered:
.L_overlay_start_2:
0x63: {  	(tag) =	ssettag $0x2  }
0x64: {  	s0 =	rddreg [dreg:$0x0];
	s2 =	stileid.u32  }
0x65: {  	s1 =	rddreg [dreg:$0x1];
	p0 =	sne.s32 s2, $0x0  }
0x66: {  	s3 =	rddreg [dreg:$0x2];
	[bflag:$0x3] =	sbarrier.arrive $0xFFFF;
	s2 =	simm.s32 @!p0 $0x1C03  }
0x67: {  	[timem:s3], [sflag:s2] =	dma.local @!p0 [hbm:s0], s1  }
0x68: {  	s0 =	simm.s32 @!p0 $0x3  }
0x69: {  	_ =	swait.ge @!p0 [sflag:s0], s1  }
0x6a: {  	s1 =	ssub.s32 @!p0 $0x0, s1;
	[sflag:s0] =	ssyncset.done @!p0 $0x0  }
0x6b: {  	[sflag:s0] =	ssyncadd.s32 @!p0 s1  }
0x6c: {  	[bflag:$0x3] =	sbarrier.arrive $0xFFFF  }
0x6d: {  	_ =	shalt  }

// kernel: kernel.13.cloned.1.call-start
scs
__scs_entry_jumppad:
0x0: {  	(pc) =	sbr.rel $0x88, $3  }
0x1: {  	(tag) =	ssettag $0x0;
	lr =	simm.s32 $0x1  }
0x2: {  	[smem:$0x3F9B] =	sst lr;
	_ =	strace $0xD0000000  }
0x3: {  	_ = 	snop  }
0x4: {  	_ = 	snop  }
0x5: {  	_ = 	snop  }
0x6: {  	_ = 	snop  }
0x7: {  	_ = 	snop  }
__scs_overlays_trampoline_lowered:
0x8: {  	[smem:$0x3FAA] =	sst s0  }
0x9: {  	[smem:$0x3FAB] =	sst s1  }
0xa: {  	[smem:$0x3FAC] =	sst s2  }
0xb: {  	[smem:$0x3FAD] =	sst s3  }
0xc: {  	[smem:$0x3FAE] =	sst s4  }
0xd: {  	[smem:$0x3FAF] =	sst s5  }
0xe: {  	[smem:$0x3FB0] =	sst s6  }
0xf: {  	[smem:$0x3FB1] =	sst s7  }
0x10: {  	[smem:$0x3FB2] =	sst s8  }
0x11: {  	[smem:$0x3FB3] =	sst s9;
	s0 =	simm.s32 @!p0 $0x0  }
0x12: {  	s1 =	sld [smem:$0x3F99];
	s0 =	simm.s32 @p0 $0x1  }
0x13: {  	[smem:$0x3FB4] =	sst s0;
	s0 =	simm.s32 @!p1 $0x0  }
0x14: {  	s2 =	sld [smem:$0x3F98];
	s0 =	simm.s32 @p1 $0x1  }
0x15: {  	[smem:$0x3FB5] =	sst s0;
	s0 =	simm.s32 @!p2 $0x0  }
0x16: {  	s3 =	sld [smem:$0x3FDB];
	s0 =	simm.s32 @p2 $0x1  }
0x17: {  	s4 =	simm.s32 $0x1BF5;
	[smem:$0x3FB7] =	sst s0  }
0x18: {  	s0 =	sld [smem:$0x3F9A];
	_ =	swait.ge [sflag:s4], $0x0  }
0x19: {  	s7 =	sld [smem:$0x3F9B]  }
0x1a: {  	s8 =	sadd.s32 $0xFFFFE003, lr  }
0x1b: {  	s9 =	sadd.s32 $0xFFFFFEF7, lr;
	s5 =	simm.s32 $0xFFFFFFFF;
	p2 =	slt.u32 s8, $0xFFFFF086  }
0x1c: {  	p1 =	slt.u32 s9, $0xF7A;
	s5 =	simm.s32 @!p2 $0x0  }
0x1d: {  	s5 =	simm.s32 @p1 $0x1;
	p0 =	seq.s32 s7, s2  }
0x1e: {  	s7 =	smul.u32 @!p0 $0xF7A, s2;
	p2 =	seq.s32 @!p0 s5, $0x0  }
0x1f: {  	s9 =	smul.u32 $0xF7A, s1;
	s8 =	simm.s32 @!p0 $0x1BF5;
	p2 =	por !p2, p0  }
0x20: {  	[sflag:s8] =	ssyncset.s32 @!p0 $0xFFFFF086;
	s6 =	sadd.s32 @!p0 s3, s7;
	s7 =	simm.s32 @!p0 $0x108  }
0x21: {  	s3 =	sadd.s32 s3, s9;
	s6 =	sadd.s32 @!p0 $0x88, s6;
	s7 =	simm.s32 @p2 $0x1082  }
0x22: {  	[simem:s7], [sflag:s8] =	dma.local @!p0 [hbm:s6], $0xF7A  }
0x23: {  	s9 =	sor.u32 $0xD0000000, s2;
	s6 =	simm.s32 $0x108;
	_ =	swait.ge @!p0 [sflag:s8], $0x0  }
0x24: {  	s3 =	sadd.s32 $0x88, s3;
	s6 =	simm.s32 @!p1 $0x1082;
	[sflag:s4] =	ssyncset.s32 $0xFFFFF086  }
0x25: {  	[simem:s6], [sflag:s4] =	dma.local [hbm:s3], $0xF7A  }
0x26: {  	[smem:$0x3F9B] =	sst s1;
	(tag) =	ssettag s2;
	_ =	strace s9  }
0x27: {  	s1 =	sld [smem:$0x3FAB]  }
0x28: {  	s2 =	sld [smem:$0x3FAC]  }
0x29: {  	s4 =	sld [smem:$0x3FAE]  }
0x2a: {  	p0 =	seq.s32 s5, $0x0;
	s5 =	sld [smem:$0x3FAF]  }
0x2b: {  	s6 =	sld [smem:$0x3FB0]  }
0x2c: {  	s7 =	sld [smem:$0x3FB1]  }
0x2d: {  	s3 =	simm.s32 $0x108;
	s8 =	sld [smem:$0x3FB2]  }
0x2e: {  	s3 =	simm.s32 @!p0 $0x1082;
	s9 =	sld [smem:$0x3FB3]  }
0x2f: {  	lr =	sadd.s32 s0, s3;
	s0 =	sld [smem:$0x3FAA]  }
0x30: {  	s3 =	sld [smem:$0x3FAD]  }
0x31: {  	[smem:$0x3FB6] =	sst s10  }
0x32: {  	s10 =	sld [smem:$0x3FB4];
	_ =	sdelay $0x3  }
0x33: {  	p0 =	seq.s32 s10, $0x1;
	s10 =	sld [smem:$0x3FB6];
	_ =	sdelay $0x3  }
0x34: {  	[smem:$0x3FB6] =	sst s10  }
0x35: {  	s10 =	sld [smem:$0x3FB5];
	_ =	sdelay $0x3  }
0x36: {  	p1 =	seq.s32 s10, $0x1;
	s10 =	sld [smem:$0x3FB6];
	_ =	sdelay $0x3  }
0x37: {  	[smem:$0x3FB6] =	sst s10  }
0x38: {  	s10 =	sld [smem:$0x3FB7]  }
0x39: {  	_ = 	snop;
	(pc) =	sbr.ind lr, $3  }
0x3a: {  	_ = 	snop  }
0x3b: {  	_ = 	snop  }
0x3c: {  	p2 =	seq.s32 s10, $0x1;
	s10 =	sld [smem:$0x3FB6]  }
0x3d: {  	_ =	shalt  }
0x3e: {  	_ =	shalt  }
0x3f: {  	_ =	shalt  }
0x40: {  	_ =	shalt  }
0x41: {  	_ =	shalt  }
0x42: {  	_ =	shalt  }
0x43: {  	_ =	shalt  }
0x44: {  	_ =	shalt  }
0x45: {  	_ =	shalt  }
0x46: {  	_ =	shalt  }
0x47: {  	_ =	shalt  }
0x48: {  	_ =	shalt  }
0x49: {  	_ =	shalt  }
0x4a: {  	_ =	shalt  }
0x4b: {  	_ =	shalt  }
0x4c: {  	_ =	shalt  }
0x4d: {  	_ =	shalt  }
0x4e: {  	_ =	shalt  }
0x4f: {  	_ =	shalt  }
0x50: {  	_ =	shalt  }
0x51: {  	_ =	shalt  }
0x52: {  	_ =	shalt  }
0x53: {  	_ =	shalt  }
0x54: {  	_ =	shalt  }
0x55: {  	_ =	shalt  }
0x56: {  	_ =	shalt  }
0x57: {  	_ =	shalt  }
0x58: {  	_ =	shalt  }
0x59: {  	_ =	shalt  }
0x5a: {  	_ =	shalt  }
0x5b: {  	_ =	shalt  }
0x5c: {  	_ =	shalt  }
0x5d: {  	_ =	shalt  }
0x5e: {  	_ =	shalt  }
0x5f: {  	_ =	shalt  }
0x60: {  	_ =	shalt  }
0x61: {  	_ =	shalt  }
0x62: {  	_ =	shalt  }
0x63: {  	_ =	shalt  }
0x64: {  	_ =	shalt  }
0x65: {  	_ =	shalt  }
0x66: {  	_ =	shalt  }
0x67: {  	_ =	shalt  }
0x68: {  	_ =	shalt  }
0x69: {  	_ =	shalt  }
0x6a: {  	_ =	shalt  }
0x6b: {  	_ =	shalt  }
0x6c: {  	_ =	shalt  }
0x6d: {  	_ =	shalt  }
0x6e: {  	_ =	shalt  }
0x6f: {  	_ =	shalt  }
0x70: {  	_ =	shalt  }
0x71: {  	_ =	shalt  }
0x72: {  	_ =	shalt  }
0x73: {  	_ =	shalt  }
0x74: {  	_ =	shalt  }
0x75: {  	_ =	shalt  }
0x76: {  	_ =	shalt  }
0x77: {  	_ =	shalt  }
0x78: {  	_ =	shalt  }
0x79: {  	_ =	shalt  }
0x7a: {  	_ =	shalt  }
0x7b: {  	_ =	shalt  }
0x7c: {  	_ =	shalt  }
0x7d: {  	_ =	shalt  }
0x7e: {  	_ =	shalt  }
0x7f: {  	_ =	shalt  }
0x80: {  	_ =	shalt  }
0x81: {  	_ =	shalt  }
0x82: {  	_ =	shalt  }
0x83: {  	_ =	shalt  }
0x84: {  	_ =	shalt  }
0x85: {  	_ =	shalt  }
0x86: {  	_ =	shalt  }
0x87: {  	_ =	shalt  }
.Lfunc_end0:
.L_simem_size_0:
called_computation.2_lowered:
.L_overlay_start_0:
0x88: {  	s2 =	sld [smem:$0x3FD9]  }
0x89: {  	s3 =	sld [smem:$0x3FFE];
	_ =	sdelay $0x1  }
0x8a: {  	s1 =	srdreg.scid  }
0x8b: {  	s0 =	sand.u32 $0x1, s1  }
0x8c: {  	s17 =	sshll.u32 s0, $0xA;
	s2 =	sadd.s32 s3, s2  }
0x8d: {  	s2 =	sadd.s32 s2, s17  }
0x8e: {  	[smem:$0x3FC2] =	sst s2  }
0x8f: {  	_ = 	snop  }
0x90: {  	s2 =	sld [smem:$0x3FC6];
	(tm) =	ssettm $0x1  }
0x91: {  	s18 =	sld [smem:$0x3FFB];
	_ =	sdelay $0x3  }
0x92: {  	_ =	strace s18  }
0x93: {  	s3 =	sld [smem:$0x3FFC];
	_ =	sdelay $0x3  }
0x94: {  	_ =	strace s3  }
0x95: {  	s3 =	sld [smem:$0x3FFD];
	_ =	sdelay $0x3  }
0x96: {  	_ =	strace s3  }
0x97: {  	_ =	strace $0x8FFFFFFF  }
0x98: {  	s19 =	sld [smem:$0x3FDB];
	_ =	sdelay $0x1  }
0x99: {  	s4 =	simm.s32 $_scs_section_size  }
0x9a: {  	s5 =	simm.s32 $_size__tile_overlayer_lowered;
	s6 =	simm.s32 $_tile_overlayer_lowered  }
0x9b: {  	s22 =	simm.s32 $0x1BFF;
	s21 =	sshll.u32 s6, $0x1;
	s3 =	sadd.s32 s4, s19  }
0x9c: {  	s7 =	simm.s32 $0x0;
	s20 =	sshll.u32 s5, $0x1;
	s5 =	sadd.s32 s21, s3  }
0x9d: {  	[timem:s7], [sflag:s22] =	dma.local [hbm:s5], s20  }
0x9e: {  	_ =	swait.ge [sflag:s22], s20  }
0x9f: {  	s4 =	ssub.s32 $0x0, s20;
	[sflag:s22] =	ssyncset.done $0x0  }
0xa0: {  	[sflag:s22] =	ssyncadd.s32 s4;
	_ =	sdelay $0x1  }
0xa1: {  	s23 =	simm.s32 $0x1B8B  }
0xa2: {  	_ =	swait.ge [sflag:s23], $0x1  }
0xa3: {  	[sflag:s23] =	ssyncset.done $0x0  }
0xa4: {  	s25 =	simm.s32 $0x1B8E;
	s24 =	sld [smem:$0x3FFE];
	[sflag:s23] =	ssyncadd.s32 $0xFFFFFFFF  }
0xa5: {  	s26 =	simm.s32 $execute0_lowered;
	[smem:$0x3FD2] =	sst s25  }
0xa6: {  	s5 =	sshll.u32 s26, $0x1;
	_ =	strace $0x8000004C;
	[dreg:$0x1] =	wrdreg $0xFFFFFFFF  }
0xa7: {  	s28 =	simm.s32 $_size_execute0_lowered;
	s3 =	sadd.s32 s3, s5;
	[dreg:$0x0] =	wrdreg $0x0  }
0xa8: {  	s5 =	sshll.u32 s28, $0x1;
	[dreg:$0x2] =	wrdreg s3  }
0xa9: {  	[dreg:$0x3] =	wrdreg s5  }
0xaa: {  	[dreg:$0x4] =	wrdreg $0xC0  }
0xab: {  	_ =	task [dreg:s7], $0x5FFFF  }
0xac: {  	[dreg:$0x1] =	wrdreg $0xFFFFFFFF  }
0xad: {  	[dreg:$0x0] =	wrdreg $0x60  }
0xae: {  	[dreg:$0x2] =	wrdreg s24  }
0xaf: {  	[dreg:$0x3] =	wrdreg s2  }
0xb0: {  	[dreg:$0x4] =	wrdreg $0xF8100  }
0xb1: {  	[dreg:$0x5] =	wrdreg $0x120100  }
0xb2: {  	[dreg:$0x6] =	wrdreg $0x9  }
0xb3: {  	_ =	task.clear_ibuf [dreg:s7], $0x7FFFF;
	_ =	strace $0x9000004C  }
0xb4: {  	s29 =	simm.s32 $0x9;
	_ =	strace $0x8000004E  }
0xb5: {  	_ =	swait.ge [sflag:s29], $0x1  }
0xb6: {  	[sflag:s29] =	ssyncadd.s32 $0xFFFFFFFF  }
0xb7: {  	_ =	strace $0x9000004E  }
0xb8: {  	_ =	sfence  }
0xb9: {  	s30 =	sld [smem:$0x0];
	_ =	sdelay $0x2  }
0xba: {  	s31 =	sshll.u32 s1, $0xD;
	s1 =	sshrl.u32 s1, $0x2  }
0xbb: {  	s3 =	sand.u32 $0x4000, s31;
	s1 =	sadd.s32 s1, s30  }
0xbc: {  	s0 =	sor.u32 s3, s0;
	s1 =	sshll.u32 s1, $0x11  }
0xbd: {  	s0 =	sor.u32 s1, s0  }
0xbe: {  	s0 =	sadd.s32 $0x8F2B, s0  }
0xbf: {  	[sflag:s0] =	ssyncadd.remote.s32 $0x1  }
0xc0: {  	_ =	sfence.sel $0xFFFF  }
0xc1: {  	[dreg:$0x0] =	wrdreg $0xFFFFFFFF;
	(pc) =	sbr.abs _section_cstart, $3  }
0xc2: {  	[dreg:$0x1] =	wrdreg $0xFFFFFFFF  }
0xc3: {  	_ =	task.clear_ibuf [dreg:s7], $0x2FFFF;
	_ =	strace $0x9FFFFFFF  }
0xc4: {  	(tm) =	ssettm $0x7FFFFFFF  }
0xc5: {  	_ =	shalt  }
tec
execute0_lowered:
.L_overlay_start_1:
0x0: {  	(tag) =	ssettag $0x1  }
0x1: {  	s0 =	rddreg [dreg:$0x0];
	s1 =	srdreg.scid  }
0x2: {  	s12 =	stileid.u32;
	s3 =	rddreg [dreg:$0x2]  }
0x3: {  	s4 =	rddreg [dreg:$0x3];
	s5 =	simm.s32 $0x0;
	s22 =	simm.s32 $0x5  }
0x4: {  	s29 =	simm.s32 $0x3;
	s31 =	simm.s32 $0x4;
	s28 =	simm.s32 $0x0  }
0x5: {  	s1 =	sand.u32 $0x1, s1;
	s2 =	sshll.u32 s12, $0x1;
	s6 =	smul.u32 $0x2800, s12  }
0x6: {  	[smem:$0x7FF] =	sst s5;
	s7 =	sadd.s32 $0xBF600, s0;
	s8 =	sadd.s32 $0xCE600, s0  }
0x7: {  	s9 =	sadd.s32 $0xC9600, s0;
	s14 =	smul.u32 $0xA000, s12;
	s12 =	sshll.u32 s12, $0x6  }
0x8: {  	s2 =	sor.u32 s1, s2;
	s10 =	smul.u32 $0x28000, s1;
	_ =	strace $0x8000004D  }
0x9: {  	s1 =	ssub.s32 $0x2, s1;
	s12 =	sor.u32 $0x1C05, s12;
	s2 =	smul.u32 $0x500, s2  }
0xa: {  	s15 =	sshrl.u32 s6, $0x3;
	s25 =	sshrl.u32 s1, $0x1;
	s26 =	sadd.s32 s6, s3  }
0xb: {  	s16 =	sshrl.u32 s14, $0x2;
	s10 =	sadd.s32 s6, s10;
	s11 =	sadd.s32 s15, s0  }
0xc: {  	s1 =	ssub.s32 s1, s25;
	s30 =	sadd.s32 s8, s15;
	s16 =	sadd.s32 s16, s4  }
0xd: {  	s21 =	sshrl.u32 s26, $0x3;
	s25 =	simm.s32 $0x1;
	s26 =	simm.s32 $0x2  }
0xe: {  	s2 =	sadd.s32 s2, s0;
	s10 =	sshrl.u32 s10, $0x3;
	s11 =	sadd.s32 $0xBA600, s11  }
0xf: {  	[dreg:$0x7] =	wrdreg s30;
	s20 =	smax.u32 s1, $0x1;
	s0 =	sadd.s32 s10, s0  }
0x10: {  	[dreg:$0x5] =	wrdreg s11;
	s11 =	sadd.s32 s7, s15;
	s15 =	sadd.s32 s9, s15  }
0x11: {  	s17 =	sadd.s32 $0xB600, s2;
	s18 =	sadd.s32 $0x1600, s2;
	s13 =	sadd.s32 $0x5000, s11  }
0x12: {  	s2 =	simm.s32 $0x100;
	s19 =	sadd.s32 $0xD3600, s0;
	[dreg:$0x6] =	wrdreg s13  }
.LBB2_1:
0x13: {  	s0 =	rddreg [dreg:$0x5]  }
0x14: {  	[spmem:s21], [sflag:s12] =	dma.local [hbm:s0], $0x500  }
0x15: {  	_ =	swait.ge [sflag:s22], $0x500  }
0x16: {  	[sflag:s22] =	ssyncset.done $0x0  }
0x17: {  	[sflag:s22] =	ssyncadd.s32 $0xFFFFFB00  }
0x18: {  	s1 =	simm.s32 $0xF800;
	s24 =	rddreg [dreg:$0x1]  }
0x19: {  	[tilespmem:s1], [sflag:$0x5] =	stream.linear.gather [hbm4b:s24+s5], $0x10, $0x38;
	[tilespmem:$0x14810] =	vst v63  }
0x1a: {  	_ =	swait.ge [sflag:s22], $0x10  }
0x1b: {  	[sflag:s22] =	ssyncset.done $0x0  }
0x1c: {  	s1 =	simm.s32 $0xD000;
	[sflag:s22] =	ssyncadd.s32 $0xFFFFFFF0  }
0x1d: {  	[tilespmem:s1], [sflag:$0x3] =	stream.linear.gather [hbm4b:s11+s5], $0x400, $0x38;
	[tilespmem:$0x14810] =	vst v63  }
0x1e: {  	s13 =	simm.s32 $0xD800;
	s10 =	rddreg [dreg:$0x6]  }
0x1f: {  	[tilespmem:s13], [sflag:$0x3] =	stream.linear.gather [hbm4b:s10+s5], $0x400, $0x38;
	[tilespmem:$0x14810] =	vst v63  }
0x20: {  	s23 =	simm.s32 $0xE000;
	s14 =	rddreg [dreg:$0x7]  }
0x21: {  	[tilespmem:s23], [sflag:$0x3] =	stream.linear.gather [hbm4b:s14+s5], $0x400, $0x38;
	[tilespmem:$0x14810] =	vst v63  }
0x22: {  	s30 =	simm.s32 $0x0;
	s24 =	simm.s32 $0xE800  }
0x23: {  	[tilespmem:s24], [sflag:$0x3] =	stream.linear.gather [hbm4b:s15+s5], $0x400, $0x38;
	[tilespmem:$0x14810] =	vst v63  }
.LBB2_2:
0x24: {  	_ =	swait.ge [sflag:s29], $0x400  }
0x25: {  	[sflag:s29] =	ssyncset.done $0x0  }
0x26: {  	[sflag:s29] =	ssyncadd.s32 $0xFFFFFC00  }
0x27: {  	_ =	swait.ge [sflag:s29], $0x400  }
0x28: {  	[sflag:s29] =	ssyncset.done $0x0  }
0x29: {  	[sflag:s29] =	ssyncadd.s32 $0xFFFFFC00  }
0x2a: {  	s0 =	sadd.s32 $0x1, s30;
	_ =	swait.ge [sflag:s29], $0x400  }
0x2b: {  	p0 =	seq.s32 s30, $0x9;
	s1 =	sand.u32 $0x1, s30;
	[sflag:s29] =	ssyncset.done $0x0  }
0x2c: {  	s10 =	sshll.u32 @!p0 s0, $0xA;
	s23 =	sshll.u32 @!p0 s1, $0xA;
	[sflag:s29] =	ssyncadd.s32 $0xFFFFFC00  }
0x2d: {  	s14 =	simm.s32 @!p0 $0x0;
	s10 =	sadd.s32 @!p0 s6, s10;
	_ =	swait.ge [sflag:s29], $0x400  }
0x2e: {  	p1 =	slt.u32 @!p0 s30, $0x2;
	s10 =	sshrl.u32 @!p0 s10, $0x3;
	[sflag:s29] =	ssyncset.done $0x0  }
0x2f: {  	s24 =	sxor.u32 @!p0 $0xD400, s23;
	s13 =	sadd.s32 @!p0 s7, s10;
	[sflag:s29] =	ssyncadd.s32 $0xFFFFFC00  }
0x30: {  	[tilespmem:s24], [sflag:$0x3] =	stream.linear.gather @!p0 [hbm4b:s13+s14], $0x400, $0x38;
	[tilespmem:$0x14810] =	vst v63  }
0x31: {  	p1 =	por p0, !p1;
	s24 =	sxor.u32 @!p0 $0xDC00, s23;
	s13 =	sadd.s32 @!p0 $0x5000, s13  }
0x32: {  	[tilespmem:s24], [sflag:$0x3] =	stream.linear.gather @!p0 [hbm4b:s13+s14], $0x400, $0x38;
	[tilespmem:$0x14810] =	vst v63  }
.Ltmp0:
0x33: {  	_ = 	snop;
	(pc) =	sbr.rel @!p1 .LBB2_4-.Ltmp0, $4  }
0x34: {  	s13 =	sxor.u32 @!p0 $0xE400, s23;
	s24 =	sadd.s32 @!p0 s8, s10  }
0x35: {  	[tilespmem:s13], [sflag:$0x3] =	stream.linear.gather @!p0 [hbm4b:s24+s14], $0x400, $0x38;
	[tilespmem:$0x14810] =	vst v63  }
0x36: {  	s10 =	sadd.s32 @!p0 s9, s10;
	s13 =	sxor.u32 @!p0 $0xEC00, s23  }
0x37: {  	[tilespmem:s13], [sflag:$0x3] =	stream.linear.gather @!p0 [hbm4b:s10+s14], $0x400, $0x38;
	[tilespmem:$0x14810] =	vst v63  }
0x38: {  	_ =	swait.ge [sflag:s31], $0x400  }
0x39: {  	[sflag:s31] =	ssyncset.done $0x0  }
0x3a: {  	s23 =	simm.s32 @p0 $0x400;
	[sflag:s31] =	ssyncadd.s32 $0xFFFFFC00  }
.LBB2_4:
0x3b: {  	s10 =	sor.u32 $0xD800, s23  }
0x3c: {  	s13 =	sor.u32 $0xD000, s23;
	v1 =	vmov s10  }
0x3d: {  	v3 =	vmov s13  }
0x3e: {  	s24 =	sor.u32 $0xE800, s23  }
0x3f: {  	v4 =	vmov s24  }
0x40: {  	s14 =	sor.u32 $0xE000, s23;
	s10 =	sor.u32 $0xF000, s23;
	s23 =	simm.s32 $0x0  }
0x41: {  	v2 =	vmov s14;
	s24 =	simm.s32 $0x40;
	v0 =	vmov s10;
	v5 =	vld.idx.msk [tilespmem:v1+s23+$0x0 ss:$0x1], $0xffff  }
.LBB2_5:
0x42: {  	p0 =	sne.s32 s24, $0xFC0;
	v6 =	vld.idx.msk [tilespmem:v3+s23+$0x0 ss:$0x1], $0xffff;
	_ =	sdelay $0x1  }
0x43: {  	v7 =	vld.idx.msk [tilespmem:v4+s23+$0x0 ss:$0x1], $0xffff;
	_ =	sdelay $0x2  }
0x44: {  	v8 =	vld [tilespmem:$0xF800]  }
0x45: {  	v5 =	vadd.f32 v5, v6  }
0x46: {  	v6 =	vld.idx.msk [tilespmem:v2+s23+$0x0 ss:$0x1], $0xffff  }
0x47: {  	v5 =	vmul.f32 v7, v5;
	_ =	sdelay $0x1  }
0x48: {  	v5 =	vadd.f32 v8, v5;
	_ =	sdelay $0x1  }
.Ltmp1:
0x49: {  	v5 =	vmax.f32 v5, $0.0e+00;
	(pc) =	sbr.rel @p0 .LBB2_5-.Ltmp1, $3  }
0x4a: {  	v5 =	vmul.f32 v5, v6;
	_ =	sdelay $0x1  }
0x4b: {  	[tilespmem:v0+s23+$0x0 ss:$0x1] =	vst.idx.msk $0xffff, v5;
	s23 =	sshra.s32 s24, $0x2  }
0x4c: {  	s24 =	sadd.s32 $0x40, s24;
	v5 =	vld.idx.msk [tilespmem:v1+s23+$0x0 ss:$0x1], $0xffff  }
0x4d: {  	_ =	sdelay $0x3  }
0x4e: {  	v1 =	vld.idx.msk [tilespmem:v3+s23+$0x0 ss:$0x1], $0xffff;
	_ =	sdelay $0x1  }
0x4f: {  	v62 =	vld.idx.msk [tilespmem:v4+s23+$0x0 ss:$0x1], $0xffff;
	_ =	sdelay $0x1  }
0x50: {  	v63 =	vld [tilespmem:$0xF800]  }
0x51: {  	v1 =	vadd.f32 v5, v1;
	_ =	sdelay $0x1  }
0x52: {  	v2 =	vld.idx.msk [tilespmem:v2+s23+$0x0 ss:$0x1], $0xffff;
	v1 =	vmul.f32 v62, v1;
	_ =	sdelay $0x1  }
0x53: {  	v1 =	vadd.f32 v63, v1  }
0x54: {  	p0 =	sne.s32 s0, $0xA  }
.Ltmp2:
0x55: {  	v1 =	vmax.f32 v1, $0.0e+00;
	(pc) =	sbr.rel @p0 .LBB2_2-.Ltmp2, $4  }
0x56: {  	s10 =	sshll.u32 s30, $0xA;
	v1 =	vmul.f32 v1, v2  }
0x57: {  	s1 =	sshll.u32 s1, $0xA;
	s10 =	sand.u32 $0x3FFFFC00, s10  }
0x58: {  	s30 =	smov.u32 s0;
	s1 =	sor.u32 $0xF000, s1;
	s10 =	sadd.s32 s10, s16;
	[tilespmem:v0+s23+$0x0 ss:$0x1] =	vst.idx.msk $0xffff, v1  }
0x59: {  	[spmem:s10] =	stream.linear.scatter [tilespmem:s1], [sflag:$0x4], $0x400, $0x38;
	[tilespmem:$0x14810] =	vst v63  }
0x5a: {  	_ =	swait.ge [sflag:s31], $0x400  }
0x5b: {  	[sflag:s31] =	ssyncset.done $0x0  }
0x5c: {  	[sflag:s31] =	ssyncadd.s32 $0xFFFFFC00  }
0x5d: {  	_ =	swait.ge [sflag:s31], $0x400  }
0x5e: {  	[sflag:s31] =	ssyncset.done $0x0  }
0x5f: {  	[sflag:s31] =	ssyncadd.s32 $0xFFFFFC00  }
0x60: {  	[bflag:$0x0] =	sbarrier.arrive $0xFFFF  }
0x61: {  	[tilespmem:s5], [sflag:$0x5] =	stream.linear.gather [hbm4b:s17+s5], $0x2800, $0x38;
	[tilespmem:$0x14810] =	vst v63  }
0x62: {  	_ =	swait.ge [sflag:s22], $0x2800  }
0x63: {  	[sflag:s22] =	ssyncset.done $0x0  }
0x64: {  	s0 =	simm.s32 $0x2800;
	[sflag:s22] =	ssyncadd.s32 $0xFFFFD800  }
0x65: {  	[tilespmem:s0], [sflag:$0x5] =	stream.linear.gather [hbm4b:s18+s5], $0x2800, $0x38;
	[tilespmem:$0x14810] =	vst v63  }
0x66: {  	_ =	swait.ge [sflag:s22], $0x2800  }
0x67: {  	[sflag:s22] =	ssyncset.done $0x0  }
0x68: {  	s1 =	simm.s32 $0x5000;
	[sflag:s22] =	ssyncadd.s32 $0xFFFFD800  }
0x69: {  	[tilespmem:s1], [sflag:$0x1] =	stream.indirect.gather [spmem:s4], $0x10, s5, s2, $0xb8;
	[tilespmem:$0x14810] =	vst v63  }
0x6a: {  	s13 =	simm.s32 $0x6000  }
0x6b: {  	[tilespmem:s13], [sflag:$0x1] =	stream.indirect.gather [spmem:s4], $0x10, s2, s2, $0xb8;
	[tilespmem:$0x14810] =	vst v63  }
0x6c: {  	s14 =	simm.s32 $0x200;
	s10 =	simm.s32 $0x7000  }
0x6d: {  	[tilespmem:s10], [sflag:$0x1] =	stream.indirect.gather [spmem:s4], $0x10, s14, s2, $0xb8;
	[tilespmem:$0x14810] =	vst v63  }
0x6e: {  	s23 =	simm.s32 $0x300;
	s24 =	simm.s32 $0x8000  }
0x6f: {  	[tilespmem:s24], [sflag:$0x1] =	stream.indirect.gather [spmem:s4], $0x10, s23, s2, $0xb8;
	[tilespmem:$0x14810] =	vst v63  }
0x70: {  	p0 =	por $0x1, $0x1;
	s13 =	simm.s32 $0x400;
	s14 =	simm.s32 $0x9000  }
0x71: {  	[tilespmem:s14], [sflag:$0x1] =	stream.indirect.gather [spmem:s4], $0x10, s13, s2, $0xb8;
	[tilespmem:$0x14810] =	vst v63  }
0x72: {  	s1 =	simm.s32 $0x1C000;
	s23 =	simm.s32 $0x500;
	s24 =	simm.s32 $0xA000  }
0x73: {  	[tilespmem:s24], [sflag:$0x1] =	stream.indirect.gather [spmem:s4], $0x10, s23, s2, $0xb8;
	[tilespmem:$0x14810] =	vst v63  }
0x74: {  	s1 =	sand.u32 @!p0 $0x1C000, s1;
	s13 =	simm.s32 $0x600;
	s14 =	simm.s32 $0xB000  }
0x75: {  	[tilespmem:s14], [sflag:$0x1] =	stream.indirect.gather [spmem:s4], $0x10, s13, s2, $0xb8;
	[tilespmem:$0x14810] =	vst v63  }
0x76: {  	s10 =	simm.s32 $0x700;
	s23 =	simm.s32 $0xC000;
	s13 =	simm.s32 @!p0 $0x2  }
0x77: {  	[tilespmem:s23], [sflag:$0x1] =	stream.indirect.gather [spmem:s4], $0x10, s10, s2, $0xb8;
	[tilespmem:$0x14810] =	vst v63  }
0x78: {  	s14 =	sshrl.u32 @!p0 s1, $0x2;
	_ =	swait.ge @!p0 [sflag:s13], $0x1000  }
0x79: {  	s30 =	simm.s32 $0x20000;
	s14 =	sadd.s32 @!p0 $0x5000, s14;
	[sflag:s13] =	ssyncset.done @!p0 $0x0  }
0x7a: {  	s23 =	simm.s32 $0x0;
	[sflag:s13] =	ssyncadd.s32 @!p0 $0xFFFFF000;
	s13 =	simm.s32 @!p0 $0x100  }
0x7b: {  	[tilespmem:s14], [sflag:$0x1] =	stream.indirect.gather @!p0 [spmem:s4], $0x10, s10, s13, $0xb8;
	[tilespmem:$0x14810] =	vst v63  }
0x7c: {  	s1 =	simm.s32 $0x0;
	s24 =	sand.u32 $0x1C000, s23;
	_ =	swait.ge [sflag:s25], $0x1000  }
0x7d: {  	s23 =	simm.s32 $0x800;
	s10 =	sshrl.u32 s24, $0x2;
	[sflag:s25] =	ssyncset.done $0x0  }
0x7e: {  	s24 =	simm.s32 $0x2900;
	s10 =	sadd.s32 $0x5000, s10;
	[sflag:s25] =	ssyncadd.s32 $0xFFFFF000  }
.LBB2_8:
0x7f: {  	[spmem:s3] =	stream.indirect.scatter.add.f32 [tilespmem:s10], [sflag:$0x2], $0x10, s0, s2, $0xb8;
	[tilespmem:$0x14810] =	vst v63  }
0x80: {  	p1 =	sgt.u32 s1, $0x1F;
	s1 =	sadd.s32 $0x1, s1;
	s0 =	smov.u32 s24  }
0x81: {  	s10 =	simm.s32 @!p1 $0x2;
	s13 =	sand.u32 @!p1 $0x1C000, s30;
	p0 =	sne.s32 s1, $0x27  }
0x82: {  	s13 =	sshrl.u32 @!p1 s13, $0x2;
	_ =	swait.ge @!p1 [sflag:s10], $0x1000  }
0x83: {  	s14 =	sadd.s32 $0xFFFE4000, s30;
	s13 =	sadd.s32 @!p1 $0x5000, s13;
	[sflag:s10] =	ssyncset.done @!p1 $0x0  }
.Ltmp3:
0x84: {  	[sflag:s10] =	ssyncadd.s32 @!p1 $0xFFFFF000;
	s10 =	simm.s32 @!p1 $0x100;
	(pc) =	sbr.rel @p0 .LBB2_8-.Ltmp3, $4  }
0x85: {  	[tilespmem:s13], [sflag:$0x1] =	stream.indirect.gather @!p1 [spmem:s4], $0x10, s23, s10, $0xb8;
	[tilespmem:$0x14810] =	vst v63  }
0x86: {  	s10 =	sand.u32 $0x1C000, s14;
	s23 =	sadd.s32 $0x100, s23;
	_ =	swait.ge [sflag:s25], $0x1000  }
0x87: {  	s30 =	sadd.s32 $0x4000, s30;
	s10 =	sshrl.u32 s10, $0x2;
	[sflag:s25] =	ssyncset.done $0x0  }
0x88: {  	s24 =	sadd.s32 $0x100, s24;
	s10 =	sadd.s32 $0x5000, s10;
	[sflag:s25] =	ssyncadd.s32 $0xFFFFF000  }
0x89: {  	[spmem:s3] =	stream.indirect.scatter.add.f32 [tilespmem:s10], [sflag:$0x2], $0x10, s0, s2, $0xb8;
	[tilespmem:$0x14810] =	vst v63  }
0x8a: {  	_ =	swait.ge [sflag:s26], $0x1000  }
0x8b: {  	[sflag:s26] =	ssyncset.done $0x0  }
0x8c: {  	[sflag:s26] =	ssyncadd.s32 $0xFFFFF000  }
0x8d: {  	_ =	swait.ge [sflag:s26], $0x1000  }
0x8e: {  	[sflag:s26] =	ssyncset.done $0x0  }
0x8f: {  	[sflag:s26] =	ssyncadd.s32 $0xFFFFF000  }
0x90: {  	_ =	swait.ge [sflag:s26], $0x1000  }
0x91: {  	[sflag:s26] =	ssyncset.done $0x0  }
0x92: {  	[sflag:s26] =	ssyncadd.s32 $0xFFFFF000  }
0x93: {  	_ =	swait.ge [sflag:s26], $0x1000  }
0x94: {  	[sflag:s26] =	ssyncset.done $0x0  }
0x95: {  	[sflag:s26] =	ssyncadd.s32 $0xFFFFF000  }
0x96: {  	_ =	swait.ge [sflag:s26], $0x1000  }
0x97: {  	[sflag:s26] =	ssyncset.done $0x0  }
0x98: {  	[sflag:s26] =	ssyncadd.s32 $0xFFFFF000  }
0x99: {  	_ =	swait.ge [sflag:s26], $0x1000  }
0x9a: {  	[sflag:s26] =	ssyncset.done $0x0  }
0x9b: {  	[sflag:s26] =	ssyncadd.s32 $0xFFFFF000  }
0x9c: {  	_ =	swait.ge [sflag:s26], $0x1000  }
0x9d: {  	[sflag:s26] =	ssyncset.done $0x0  }
0x9e: {  	[sflag:s26] =	ssyncadd.s32 $0xFFFFF000  }
0x9f: {  	_ =	swait.ge [sflag:s26], $0x1000  }
0xa0: {  	s28 =	sadd.s32 $0x1, s28;
	[sflag:s26] =	ssyncset.done $0x0  }
0xa1: {  	p0 =	sne.s32 s28, s20;
	[sflag:s26] =	ssyncadd.s32 $0xFFFFF000  }
.Ltmp4:
0xa2: {  	[bflag:$0x0] =	sbarrier.arrive $0xFFFF;
	(pc) =	sbr.rel @p0 .LBB2_1-.Ltmp4, $4  }
0xa3: {  	[hbm:s19], [sflag:s12] =	dma.local [spmem:s21], $0x500  }
0xa4: {  	_ =	swait.ge [sflag:s22], $0x500  }
0xa5: {  	[sflag:s22] =	ssyncset.done $0x0  }
0xa6: {  	[sflag:s22] =	ssyncadd.s32 $0xFFFFFB00  }
0xa7: {  	_ =	sfence.sel $0x180000  }
0xa8: {  	[bflag:$0x0] =	sbarrier.arrive $0xFFFF  }
0xa9: {  	_ =	strace $0x9000004D  }
0xaa: {  	s0 =	stileid.u32;
	[bflag:$0x2] =	sbarrier.arrive $0xFFFF  }
0xab: {  	p0 =	sne.s32 s0, $0x0;
	s0 =	rddreg [dreg:$0x4]  }
0xac: {  	s0 =	sadd.s32 @!p0 $0x100000, s0  }
0xad: {  	[sflag:s0] =	ssyncadd.tile.s32 @!p0 $0x1;
	_ =	shalt  }
.Lfunc_end2:
_tile_overlayer_lowered:
.L_overlay_start_2:
0xae: {  	(tag) =	ssettag $0x2  }
0xaf: {  	s0 =	rddreg [dreg:$0x0];
	s2 =	stileid.u32  }
0xb0: {  	s1 =	rddreg [dreg:$0x1];
	p0 =	sne.s32 s2, $0x0  }
0xb1: {  	s3 =	rddreg [dreg:$0x2];
	[bflag:$0x3] =	sbarrier.arrive $0xFFFF;
	s2 =	simm.s32 @!p0 $0x1C05  }
0xb2: {  	[timem:s3], [sflag:s2] =	dma.local @!p0 [hbm:s0], s1  }
0xb3: {  	s0 =	simm.s32 @!p0 $0x5  }
0xb4: {  	_ =	swait.ge @!p0 [sflag:s0], s1  }
0xb5: {  	s1 =	ssub.s32 @!p0 $0x0, s1;
	[sflag:s0] =	ssyncset.done @!p0 $0x0  }
0xb6: {  	[sflag:s0] =	ssyncadd.s32 @!p0 s1  }
0xb7: {  	[bflag:$0x3] =	sbarrier.arrive $0xFFFF  }
0xb8: {  	_ =	shalt  }

// kernel: kernel.7.cloned.1.call-start
scs
__scs_entry_jumppad:
0x0: {  	(pc) =	sbr.rel $0x88, $3  }
0x1: {  	(tag) =	ssettag $0x0;
	lr =	simm.s32 $0x1  }
0x2: {  	[smem:$0x3F9B] =	sst lr;
	_ =	strace $0xD0000000  }
0x3: {  	_ = 	snop  }
0x4: {  	_ = 	snop  }
0x5: {  	_ = 	snop  }
0x6: {  	_ = 	snop  }
0x7: {  	_ = 	snop  }
__scs_overlays_trampoline_lowered:
0x8: {  	[smem:$0x3FAA] =	sst s0  }
0x9: {  	[smem:$0x3FAB] =	sst s1  }
0xa: {  	[smem:$0x3FAC] =	sst s2  }
0xb: {  	[smem:$0x3FAD] =	sst s3  }
0xc: {  	[smem:$0x3FAE] =	sst s4  }
0xd: {  	[smem:$0x3FAF] =	sst s5  }
0xe: {  	[smem:$0x3FB0] =	sst s6  }
0xf: {  	[smem:$0x3FB1] =	sst s7  }
0x10: {  	[smem:$0x3FB2] =	sst s8  }
0x11: {  	[smem:$0x3FB3] =	sst s9;
	s0 =	simm.s32 @!p0 $0x0  }
0x12: {  	s1 =	sld [smem:$0x3F99];
	s0 =	simm.s32 @p0 $0x1  }
0x13: {  	[smem:$0x3FB4] =	sst s0;
	s0 =	simm.s32 @!p1 $0x0  }
0x14: {  	s2 =	sld [smem:$0x3F98];
	s0 =	simm.s32 @p1 $0x1  }
0x15: {  	[smem:$0x3FB5] =	sst s0;
	s0 =	simm.s32 @!p2 $0x0  }
0x16: {  	s3 =	sld [smem:$0x3FDB];
	s0 =	simm.s32 @p2 $0x1  }
0x17: {  	s4 =	simm.s32 $0x1BF5;
	[smem:$0x3FB7] =	sst s0  }
0x18: {  	s0 =	sld [smem:$0x3F9A];
	_ =	swait.ge [sflag:s4], $0x0  }
0x19: {  	s7 =	sld [smem:$0x3F9B]  }
0x1a: {  	s8 =	sadd.s32 $0xFFFFE003, lr  }
0x1b: {  	s9 =	sadd.s32 $0xFFFFFEF7, lr;
	s5 =	simm.s32 $0xFFFFFFFF;
	p2 =	slt.u32 s8, $0xFFFFF086  }
0x1c: {  	p1 =	slt.u32 s9, $0xF7A;
	s5 =	simm.s32 @!p2 $0x0  }
0x1d: {  	s5 =	simm.s32 @p1 $0x1;
	p0 =	seq.s32 s7, s2  }
0x1e: {  	s7 =	smul.u32 @!p0 $0xF7A, s2;
	p2 =	seq.s32 @!p0 s5, $0x0  }
0x1f: {  	s9 =	smul.u32 $0xF7A, s1;
	s8 =	simm.s32 @!p0 $0x1BF5;
	p2 =	por !p2, p0  }
0x20: {  	[sflag:s8] =	ssyncset.s32 @!p0 $0xFFFFF086;
	s6 =	sadd.s32 @!p0 s3, s7;
	s7 =	simm.s32 @!p0 $0x108  }
0x21: {  	s3 =	sadd.s32 s3, s9;
	s6 =	sadd.s32 @!p0 $0x88, s6;
	s7 =	simm.s32 @p2 $0x1082  }
0x22: {  	[simem:s7], [sflag:s8] =	dma.local @!p0 [hbm:s6], $0xF7A  }
0x23: {  	s9 =	sor.u32 $0xD0000000, s2;
	s6 =	simm.s32 $0x108;
	_ =	swait.ge @!p0 [sflag:s8], $0x0  }
0x24: {  	s3 =	sadd.s32 $0x88, s3;
	s6 =	simm.s32 @!p1 $0x1082;
	[sflag:s4] =	ssyncset.s32 $0xFFFFF086  }
0x25: {  	[simem:s6], [sflag:s4] =	dma.local [hbm:s3], $0xF7A  }
0x26: {  	[smem:$0x3F9B] =	sst s1;
	(tag) =	ssettag s2;
	_ =	strace s9  }
0x27: {  	s1 =	sld [smem:$0x3FAB]  }
0x28: {  	s2 =	sld [smem:$0x3FAC]  }
0x29: {  	s4 =	sld [smem:$0x3FAE]  }
0x2a: {  	p0 =	seq.s32 s5, $0x0;
	s5 =	sld [smem:$0x3FAF]  }
0x2b: {  	s6 =	sld [smem:$0x3FB0]  }
0x2c: {  	s7 =	sld [smem:$0x3FB1]  }
0x2d: {  	s3 =	simm.s32 $0x108;
	s8 =	sld [smem:$0x3FB2]  }
0x2e: {  	s3 =	simm.s32 @!p0 $0x1082;
	s9 =	sld [smem:$0x3FB3]  }
0x2f: {  	lr =	sadd.s32 s0, s3;
	s0 =	sld [smem:$0x3FAA]  }
0x30: {  	s3 =	sld [smem:$0x3FAD]  }
0x31: {  	[smem:$0x3FB6] =	sst s10  }
0x32: {  	s10 =	sld [smem:$0x3FB4];
	_ =	sdelay $0x3  }
0x33: {  	p0 =	seq.s32 s10, $0x1;
	s10 =	sld [smem:$0x3FB6];
	_ =	sdelay $0x3  }
0x34: {  	[smem:$0x3FB6] =	sst s10  }
0x35: {  	s10 =	sld [smem:$0x3FB5];
	_ =	sdelay $0x3  }
0x36: {  	p1 =	seq.s32 s10, $0x1;
	s10 =	sld [smem:$0x3FB6];
	_ =	sdelay $0x3  }
0x37: {  	[smem:$0x3FB6] =	sst s10  }
0x38: {  	s10 =	sld [smem:$0x3FB7]  }
0x39: {  	_ = 	snop;
	(pc) =	sbr.ind lr, $3  }
0x3a: {  	_ = 	snop  }
0x3b: {  	_ = 	snop  }
0x3c: {  	p2 =	seq.s32 s10, $0x1;
	s10 =	sld [smem:$0x3FB6]  }
0x3d: {  	_ =	shalt  }
0x3e: {  	_ =	shalt  }
0x3f: {  	_ =	shalt  }
0x40: {  	_ =	shalt  }
0x41: {  	_ =	shalt  }
0x42: {  	_ =	shalt  }
0x43: {  	_ =	shalt  }
0x44: {  	_ =	shalt  }
0x45: {  	_ =	shalt  }
0x46: {  	_ =	shalt  }
0x47: {  	_ =	shalt  }
0x48: {  	_ =	shalt  }
0x49: {  	_ =	shalt  }
0x4a: {  	_ =	shalt  }
0x4b: {  	_ =	shalt  }
0x4c: {  	_ =	shalt  }
0x4d: {  	_ =	shalt  }
0x4e: {  	_ =	shalt  }
0x4f: {  	_ =	shalt  }
0x50: {  	_ =	shalt  }
0x51: {  	_ =	shalt  }
0x52: {  	_ =	shalt  }
0x53: {  	_ =	shalt  }
0x54: {  	_ =	shalt  }
0x55: {  	_ =	shalt  }
0x56: {  	_ =	shalt  }
0x57: {  	_ =	shalt  }
0x58: {  	_ =	shalt  }
0x59: {  	_ =	shalt  }
0x5a: {  	_ =	shalt  }
0x5b: {  	_ =	shalt  }
0x5c: {  	_ =	shalt  }
0x5d: {  	_ =	shalt  }
0x5e: {  	_ =	shalt  }
0x5f: {  	_ =	shalt  }
0x60: {  	_ =	shalt  }
0x61: {  	_ =	shalt  }
0x62: {  	_ =	shalt  }
0x63: {  	_ =	shalt  }
0x64: {  	_ =	shalt  }
0x65: {  	_ =	shalt  }
0x66: {  	_ =	shalt  }
0x67: {  	_ =	shalt  }
0x68: {  	_ =	shalt  }
0x69: {  	_ =	shalt  }
0x6a: {  	_ =	shalt  }
0x6b: {  	_ =	shalt  }
0x6c: {  	_ =	shalt  }
0x6d: {  	_ =	shalt  }
0x6e: {  	_ =	shalt  }
0x6f: {  	_ =	shalt  }
0x70: {  	_ =	shalt  }
0x71: {  	_ =	shalt  }
0x72: {  	_ =	shalt  }
0x73: {  	_ =	shalt  }
0x74: {  	_ =	shalt  }
0x75: {  	_ =	shalt  }
0x76: {  	_ =	shalt  }
0x77: {  	_ =	shalt  }
0x78: {  	_ =	shalt  }
0x79: {  	_ =	shalt  }
0x7a: {  	_ =	shalt  }
0x7b: {  	_ =	shalt  }
0x7c: {  	_ =	shalt  }
0x7d: {  	_ =	shalt  }
0x7e: {  	_ =	shalt  }
0x7f: {  	_ =	shalt  }
0x80: {  	_ =	shalt  }
0x81: {  	_ =	shalt  }
0x82: {  	_ =	shalt  }
0x83: {  	_ =	shalt  }
0x84: {  	_ =	shalt  }
0x85: {  	_ =	shalt  }
0x86: {  	_ =	shalt  }
0x87: {  	_ =	shalt  }
.Lfunc_end0:
.L_simem_size_0:
called_computation_lowered:
.L_overlay_start_0:
0x88: {  	s2 =	sld [smem:$0x3FD9]  }
0x89: {  	s3 =	sld [smem:$0x3FFE];
	_ =	sdelay $0x1  }
0x8a: {  	s1 =	srdreg.scid  }
0x8b: {  	s0 =	sand.u32 $0x1, s1  }
0x8c: {  	s17 =	sshll.u32 s0, $0xA;
	s2 =	sadd.s32 s3, s2  }
0x8d: {  	s2 =	sadd.s32 s2, s17  }
0x8e: {  	[smem:$0x3FC2] =	sst s2  }
0x8f: {  	_ = 	snop  }
0x90: {  	s2 =	sld [smem:$0x3FD0];
	(tm) =	ssettm $0x1  }
0x91: {  	s18 =	sld [smem:$0x3FFB];
	_ =	sdelay $0x3  }
0x92: {  	_ =	strace s18  }
0x93: {  	s3 =	sld [smem:$0x3FFC];
	_ =	sdelay $0x3  }
0x94: {  	_ =	strace s3  }
0x95: {  	s3 =	sld [smem:$0x3FFD];
	_ =	sdelay $0x3  }
0x96: {  	_ =	strace s3  }
0x97: {  	_ =	strace $0x8FFFFFFF  }
0x98: {  	s19 =	sld [smem:$0x3FDB];
	_ =	sdelay $0x1  }
0x99: {  	s4 =	simm.s32 $_scs_section_size  }
0x9a: {  	s5 =	simm.s32 $_size__tile_overlayer_lowered;
	s6 =	simm.s32 $_tile_overlayer_lowered  }
0x9b: {  	s22 =	simm.s32 $0x1BFF;
	s21 =	sshll.u32 s6, $0x1;
	s3 =	sadd.s32 s4, s19  }
0x9c: {  	s7 =	simm.s32 $0x0;
	s20 =	sshll.u32 s5, $0x1;
	s5 =	sadd.s32 s21, s3  }
0x9d: {  	[timem:s7], [sflag:s22] =	dma.local [hbm:s5], s20  }
0x9e: {  	_ =	swait.ge [sflag:s22], s20  }
0x9f: {  	s4 =	ssub.s32 $0x0, s20;
	[sflag:s22] =	ssyncset.done $0x0  }
0xa0: {  	[sflag:s22] =	ssyncadd.s32 s4;
	_ =	sdelay $0x1  }
0xa1: {  	s23 =	simm.s32 $0x1B8B  }
0xa2: {  	_ =	swait.ge [sflag:s23], $0x1  }
0xa3: {  	[sflag:s23] =	ssyncset.done $0x0  }
0xa4: {  	s25 =	simm.s32 $0x1B8E;
	s24 =	sld [smem:$0x3FFE];
	[sflag:s23] =	ssyncadd.s32 $0xFFFFFFFF  }
0xa5: {  	s26 =	simm.s32 $execute0_lowered;
	[smem:$0x3FD2] =	sst s25  }
0xa6: {  	s5 =	sshll.u32 s26, $0x1;
	_ =	strace $0x80000046;
	[dreg:$0x1] =	wrdreg $0xFFFFFFFF  }
0xa7: {  	s28 =	simm.s32 $_size_execute0_lowered;
	s3 =	sadd.s32 s3, s5;
	[dreg:$0x0] =	wrdreg $0x0  }
0xa8: {  	s5 =	sshll.u32 s28, $0x1;
	[dreg:$0x2] =	wrdreg s3  }
0xa9: {  	[dreg:$0x3] =	wrdreg s5  }
0xaa: {  	[dreg:$0x4] =	wrdreg $0xC0  }
0xab: {  	_ =	task [dreg:s7], $0x5FFFF  }
0xac: {  	[dreg:$0x1] =	wrdreg $0xFFFFFFFF  }
0xad: {  	[dreg:$0x0] =	wrdreg $0x60  }
0xae: {  	[dreg:$0x2] =	wrdreg s24  }
0xaf: {  	[dreg:$0x3] =	wrdreg s2  }
0xb0: {  	[dreg:$0x4] =	wrdreg $0x51000  }
0xb1: {  	[dreg:$0x5] =	wrdreg $0x53800  }
0xb2: {  	[dreg:$0x6] =	wrdreg $0x9  }
0xb3: {  	_ =	task.clear_ibuf [dreg:s7], $0x7FFFF;
	_ =	strace $0x90000046  }
0xb4: {  	s29 =	simm.s32 $0x9;
	_ =	strace $0x80000048  }
0xb5: {  	_ =	swait.ge [sflag:s29], $0x1  }
0xb6: {  	[sflag:s29] =	ssyncadd.s32 $0xFFFFFFFF  }
0xb7: {  	_ =	strace $0x90000048  }
0xb8: {  	_ =	sfence  }
0xb9: {  	s30 =	sld [smem:$0x0];
	_ =	sdelay $0x2  }
0xba: {  	s31 =	sshll.u32 s1, $0xD;
	s1 =	sshrl.u32 s1, $0x2  }
0xbb: {  	s3 =	sand.u32 $0x4000, s31;
	s1 =	sadd.s32 s1, s30  }
0xbc: {  	s0 =	sor.u32 s3, s0;
	s1 =	sshll.u32 s1, $0x11  }
0xbd: {  	s0 =	sor.u32 s1, s0  }
0xbe: {  	s0 =	sadd.s32 $0x8F2B, s0  }
0xbf: {  	[sflag:s0] =	ssyncadd.remote.s32 $0x1  }
0xc0: {  	_ =	sfence.sel $0xFFFF  }
0xc1: {  	[dreg:$0x0] =	wrdreg $0xFFFFFFFF;
	(pc) =	sbr.abs _section_cstart, $3  }
0xc2: {  	[dreg:$0x1] =	wrdreg $0xFFFFFFFF  }
0xc3: {  	_ =	task.clear_ibuf [dreg:s7], $0x2FFFF;
	_ =	strace $0x9FFFFFFF  }
0xc4: {  	(tm) =	ssettm $0x7FFFFFFF  }
0xc5: {  	_ =	shalt  }
tec
execute0_lowered:
.L_overlay_start_1:
0x0: {  	(tag) =	ssettag $0x1  }
0x1: {  	s5 =	rddreg [dreg:$0x0]  }
0x2: {  	s9 =	rddreg [dreg:$0x1];
	s1 =	srdreg.scid  }
0x3: {  	s0 =	stileid.u32;
	s2 =	rddreg [dreg:$0x2]  }
0x4: {  	s3 =	rddreg [dreg:$0x3];
	s4 =	simm.s32 $0x0;
	s15 =	simm.s32 $0x100  }
0x5: {  	s16 =	simm.s32 $0x5000;
	s17 =	simm.s32 $0x1;
	s18 =	simm.s32 $0x0  }
0x6: {  	s6 =	sand.u32 $0x1, s1;
	s26 =	sshll.u32 s0, $0x1;
	s1 =	rddreg [dreg:$0x4]  }
0x7: {  	[smem:$0x7FF] =	sst s4;
	s8 =	smul.u32 $0x280, s0;
	s31 =	sshll.u32 s0, $0x6  }
0x8: {  	s7 =	sor.u32 s6, s26;
	s28 =	ssub.s32 $0x2, s6;
	s6 =	smul.u32 $0x5000, s6  }
0x9: {  	_ =	strace $0x80000047;
	s7 =	smul.u32 $0x500, s7;
	s11 =	sshrl.u32 s8, $0x3  }
0xa: {  	s12 =	sshrl.u32 s28, $0x1;
	s30 =	sadd.s32 s8, s2;
	s14 =	sadd.s32 s8, s3  }
0xb: {  	s29 =	ssub.s32 s28, s12;
	s13 =	sadd.s32 s8, s6;
	s6 =	sor.u32 $0x1C02, s31  }
0xc: {  	s12 =	sshrl.u32 s30, $0x3;
	s14 =	sshrl.u32 s14, $0x3;
	s10 =	sadd.s32 s7, s5  }
0xd: {  	s5 =	sadd.s32 s11, s5;
	s13 =	sshrl.u32 s13, $0x3;
	s11 =	smax.u32 s29, $0x1  }
0xe: {  	s5 =	sadd.s32 $0x15600, s5;
	s7 =	sadd.s32 $0xB600, s10;
	s9 =	sadd.s32 s9, s13  }
0xf: {  	v0 =	vimm.f32 $1.000000000e+00;
	s8 =	sadd.s32 $0x1600, s10;
	s13 =	simm.s32 $0x2;
	s10 =	sadd.s32 $0x500, s9  }
.LBB2_1:
0x10: {  	[tilespmem:$0x5000] =	vst v0  }
0x11: {  	[tilespmem:$0x5010] =	vst v0  }
0x12: {  	[tilespmem:$0x5020] =	vst v0  }
0x13: {  	[tilespmem:$0x5030] =	vst v0  }
0x14: {  	[tilespmem:$0x5040] =	vst v0  }
0x15: {  	[tilespmem:$0x5050] =	vst v0  }
0x16: {  	[tilespmem:$0x5060] =	vst v0  }
0x17: {  	[tilespmem:$0x5070] =	vst v0  }
0x18: {  	[tilespmem:$0x5080] =	vst v0  }
0x19: {  	[tilespmem:$0x5090] =	vst v0  }
0x1a: {  	[tilespmem:$0x50A0] =	vst v0  }
0x1b: {  	[tilespmem:$0x50B0] =	vst v0  }
0x1c: {  	[tilespmem:$0x50C0] =	vst v0  }
0x1d: {  	[tilespmem:$0x50D0] =	vst v0  }
0x1e: {  	[tilespmem:$0x50E0] =	vst v0  }
0x1f: {  	[tilespmem:$0x50F0] =	vst v0  }
0x20: {  	[spmem:s12], [sflag:s6] =	dma.local [hbm:s5], $0x50  }
0x21: {  	_ =	swait.ge [sflag:s13], $0x50  }
0x22: {  	[sflag:s13] =	ssyncset.done $0x0  }
0x23: {  	[sflag:s13] =	ssyncadd.s32 $0xFFFFFFB0  }
0x24: {  	[spmem:s14], [sflag:s6] =	dma.local [hbm:s5], $0x50  }
0x25: {  	_ =	swait.ge [sflag:s13], $0x50  }
0x26: {  	[sflag:s13] =	ssyncset.done $0x0  }
0x27: {  	[sflag:s13] =	ssyncadd.s32 $0xFFFFFFB0  }
0x28: {  	[bflag:$0x0] =	sbarrier.arrive $0xFFFF  }
0x29: {  	[tilespmem:s4], [sflag:$0x2] =	stream.linear.gather [hbm4b:s7+s4], $0x2800, $0x38;
	[tilespmem:$0x5600] =	vst v63  }
0x2a: {  	_ =	swait.ge [sflag:s13], $0x2800  }
0x2b: {  	[sflag:s13] =	ssyncset.done $0x0  }
0x2c: {  	s19 =	simm.s32 $0x2800;
	[sflag:s13] =	ssyncadd.s32 $0xFFFFD800  }
0x2d: {  	[tilespmem:s19], [sflag:$0x2] =	stream.linear.gather [hbm4b:s8+s4], $0x2800, $0x38;
	[tilespmem:$0x5600] =	vst v63  }
0x2e: {  	_ =	swait.ge [sflag:s13], $0x2800  }
0x2f: {  	[sflag:s13] =	ssyncset.done $0x0  }
0x30: {  	p0 =	por $0x1, $0x1;
	[sflag:s13] =	ssyncadd.s32 $0xFFFFD800  }
0x31: {  	[spmem:s2] =	stream.indirect.scatter.add.f32 [tilespmem:s16], [sflag:$0x1], $0x1, s4, s15, $0xb8;
	[tilespmem:$0x5600] =	vst v63  }
0x32: {  	s20 =	simm.s32 @!p0 $0x1  }
0x33: {  	[spmem:s3] =	stream.indirect.scatter.add.f32 [tilespmem:s16], [sflag:$0x1], $0x1, s19, s15, $0xb8;
	[tilespmem:$0x5600] =	vst v63  }
0x34: {  	_ =	swait.ge @!p0 [sflag:s20], $0x100  }
0x35: {  	[sflag:s20] =	ssyncset.done @!p0 $0x0  }
0x36: {  	s21 =	simm.s32 $0x2900;
	[sflag:s20] =	ssyncadd.s32 @!p0 $0xFFFFFF00  }
0x37: {  	s22 =	simm.s32 $0x0;
	s19 =	simm.s32 $0x1;
	_ =	swait.ge @!p0 [sflag:s20], $0x100  }
.LBB2_2:
0x38: {  	[sflag:s20] =	ssyncset.done @!p0 $0x0  }
0x39: {  	s22 =	sadd.s32 $0x100, s22;
	s23 =	smov.u32 s19;
	s19 =	sadd.s32 $0x1, s19  }
0x3a: {  	p1 =	sne.s32 s19, $0x28;
	[sflag:s20] =	ssyncadd.s32 @!p0 $0xFFFFFF00  }
0x3b: {  	[spmem:s2] =	stream.indirect.scatter.add.f32 [tilespmem:s16], [sflag:$0x1], $0x1, s22, s15, $0xb8;
	[tilespmem:$0x5600] =	vst v63  }
0x3c: {  	p0 =	slt.u32 s23, $0x8  }
0x3d: {  	[spmem:s3] =	stream.indirect.scatter.add.f32 [tilespmem:s16], [sflag:$0x1], $0x1, s21, s15, $0xb8;
	[tilespmem:$0x5600] =	vst v63  }
.Ltmp0:
0x3e: {  	s20 =	simm.s32 @!p0 $0x1;
	(pc) =	sbr.rel @p1 .LBB2_2-.Ltmp0, $4  }
0x3f: {  	_ =	swait.ge @!p0 [sflag:s20], $0x100  }
0x40: {  	[sflag:s20] =	ssyncset.done @!p0 $0x0  }
0x41: {  	[sflag:s20] =	ssyncadd.s32 @!p0 $0xFFFFFF00  }
0x42: {  	s21 =	sadd.s32 $0x100, s21;
	_ =	swait.ge @!p0 [sflag:s20], $0x100  }
0x43: {  	[sflag:s20] =	ssyncset.done @!p0 $0x0  }
0x44: {  	[sflag:s20] =	ssyncadd.s32 @!p0 $0xFFFFFF00  }
0x45: {  	_ =	swait.ge [sflag:s17], $0x100  }
0x46: {  	[sflag:s17] =	ssyncset.done $0x0  }
0x47: {  	[sflag:s17] =	ssyncadd.s32 $0xFFFFFF00  }
0x48: {  	_ =	swait.ge [sflag:s17], $0x100  }
0x49: {  	[sflag:s17] =	ssyncset.done $0x0  }
0x4a: {  	[sflag:s17] =	ssyncadd.s32 $0xFFFFFF00  }
0x4b: {  	_ =	swait.ge [sflag:s17], $0x100  }
0x4c: {  	[sflag:s17] =	ssyncset.done $0x0  }
0x4d: {  	[sflag:s17] =	ssyncadd.s32 $0xFFFFFF00  }
0x4e: {  	_ =	swait.ge [sflag:s17], $0x100  }
0x4f: {  	[sflag:s17] =	ssyncset.done $0x0  }
0x50: {  	[sflag:s17] =	ssyncadd.s32 $0xFFFFFF00  }
0x51: {  	_ =	swait.ge [sflag:s17], $0x100  }
0x52: {  	[sflag:s17] =	ssyncset.done $0x0  }
0x53: {  	[sflag:s17] =	ssyncadd.s32 $0xFFFFFF00  }
0x54: {  	_ =	swait.ge [sflag:s17], $0x100  }
0x55: {  	[sflag:s17] =	ssyncset.done $0x0  }
0x56: {  	[sflag:s17] =	ssyncadd.s32 $0xFFFFFF00  }
0x57: {  	_ =	swait.ge [sflag:s17], $0x100  }
0x58: {  	[sflag:s17] =	ssyncset.done $0x0  }
0x59: {  	[sflag:s17] =	ssyncadd.s32 $0xFFFFFF00  }
0x5a: {  	_ =	swait.ge [sflag:s17], $0x100  }
0x5b: {  	[sflag:s17] =	ssyncset.done $0x0  }
0x5c: {  	[sflag:s17] =	ssyncadd.s32 $0xFFFFFF00  }
0x5d: {  	_ =	swait.ge [sflag:s17], $0x100  }
0x5e: {  	[sflag:s17] =	ssyncset.done $0x0  }
0x5f: {  	[sflag:s17] =	ssyncadd.s32 $0xFFFFFF00  }
0x60: {  	_ =	swait.ge [sflag:s17], $0x100  }
0x61: {  	[sflag:s17] =	ssyncset.done $0x0  }
0x62: {  	[sflag:s17] =	ssyncadd.s32 $0xFFFFFF00  }
0x63: {  	_ =	swait.ge [sflag:s17], $0x100  }
0x64: {  	[sflag:s17] =	ssyncset.done $0x0  }
0x65: {  	[sflag:s17] =	ssyncadd.s32 $0xFFFFFF00  }
0x66: {  	_ =	swait.ge [sflag:s17], $0x100  }
0x67: {  	[sflag:s17] =	ssyncset.done $0x0  }
0x68: {  	[sflag:s17] =	ssyncadd.s32 $0xFFFFFF00  }
0x69: {  	_ =	swait.ge [sflag:s17], $0x100  }
0x6a: {  	[sflag:s17] =	ssyncset.done $0x0  }
0x6b: {  	[sflag:s17] =	ssyncadd.s32 $0xFFFFFF00  }
0x6c: {  	_ =	swait.ge [sflag:s17], $0x100  }
0x6d: {  	[sflag:s17] =	ssyncset.done $0x0  }
0x6e: {  	[sflag:s17] =	ssyncadd.s32 $0xFFFFFF00  }
0x6f: {  	_ =	swait.ge [sflag:s17], $0x100  }
0x70: {  	[sflag:s17] =	ssyncset.done $0x0  }
0x71: {  	[sflag:s17] =	ssyncadd.s32 $0xFFFFFF00  }
0x72: {  	_ =	swait.ge [sflag:s17], $0x100  }
0x73: {  	[sflag:s17] =	ssyncset.done $0x0  }
0x74: {  	[sflag:s17] =	ssyncadd.s32 $0xFFFFFF00  }
0x75: {  	[bflag:$0x0] =	sbarrier.arrive $0xFFFF  }
0x76: {  	[hbm:s9], [sflag:s6] =	dma.local [spmem:s12], $0x50  }
0x77: {  	s18 =	sadd.s32 $0x1, s18;
	_ =	swait.ge [sflag:s13], $0x50  }
0x78: {  	p0 =	sne.s32 s18, s11;
	[sflag:s13] =	ssyncset.done $0x0  }
.Ltmp1:
0x79: {  	[sflag:s13] =	ssyncadd.s32 $0xFFFFFFB0;
	(pc) =	sbr.rel @p0 .LBB2_1-.Ltmp1, $4  }
0x7a: {  	[hbm:s10], [sflag:s6] =	dma.local [spmem:s14], $0x50  }
0x7b: {  	_ =	swait.ge [sflag:s13], $0x50  }
0x7c: {  	[sflag:s13] =	ssyncset.done $0x0  }
0x7d: {  	[sflag:s13] =	ssyncadd.s32 $0xFFFFFFB0  }
0x7e: {  	_ =	sfence.sel $0x180000  }
0x7f: {  	[bflag:$0x0] =	sbarrier.arrive $0xFFFF  }
0x80: {  	p0 =	sne.s32 s0, $0x0;
	_ =	strace $0x90000047  }
0x81: {  	s0 =	sadd.s32 @!p0 $0x100000, s1;
	[bflag:$0x2] =	sbarrier.arrive $0xFFFF  }
0x82: {  	[sflag:s0] =	ssyncadd.tile.s32 @!p0 $0x1;
	_ =	shalt  }
.Lfunc_end2:
_tile_overlayer_lowered:
.L_overlay_start_2:
0x83: {  	(tag) =	ssettag $0x2  }
0x84: {  	s0 =	rddreg [dreg:$0x0];
	s2 =	stileid.u32  }
0x85: {  	s1 =	rddreg [dreg:$0x1];
	p0 =	sne.s32 s2, $0x0  }
0x86: {  	s3 =	rddreg [dreg:$0x2];
	[bflag:$0x3] =	sbarrier.arrive $0xFFFF;
	s2 =	simm.s32 @!p0 $0x1C02  }
0x87: {  	[timem:s3], [sflag:s2] =	dma.local @!p0 [hbm:s0], s1  }
0x88: {  	s0 =	simm.s32 @!p0 $0x2  }
0x89: {  	_ =	swait.ge @!p0 [sflag:s0], s1  }
0x8a: {  	s1 =	ssub.s32 @!p0 $0x0, s1;
	[sflag:s0] =	ssyncset.done @!p0 $0x0  }
0x8b: {  	[sflag:s0] =	ssyncadd.s32 @!p0 s1  }
0x8c: {  	[bflag:$0x3] =	sbarrier.arrive $0xFFFF  }
0x8d: {  	_ =	shalt  }

</sc_bundles>
